<compile_context>
chip_gen: v7x
topology: tpu7x:2x2x1
jax: 0.10.2.dev20260603
libtpu: 0.0.44.dev20260713+nightly
codegen_flags: <defaults>
</compile_context>

<pallas_src>
import functools

import jax
import jax.numpy as jnp
from jax import lax
from jax.experimental import pallas as pl
from jax.experimental.pallas import tpu as pltpu
from jax.experimental.pallas import tpu_sc as plsc

NODES = 10000
FDIM = 128
NC = 2
NS = 16
LANES = 16
CH = 128
RPT = 640
NPAD = NS * RPT
RPTA = 632
NPADA = NS * RPTA
SLOW_CORE = 0
SLOW_NUM, SLOW_DEN = 9, 28
NBUF = 2
NRING = 4

_MESH = plsc.VectorSubcoreMesh(
    core_axis_name="c", subcore_axis_name="s", num_cores=NC, num_subcores=NS)


def _deg_body(nslow, nfast, dst_hbm, out_hbm, dst_v, val_v, zer_v, deg_sh):
    c = lax.axis_index("c")
    s = lax.axis_index("s")
    pltpu.sync_copy(dst_hbm.at[c, s], dst_v)
    one = jnp.ones((LANES,), jnp.float32)
    zero = jnp.zeros((LANES,), jnp.float32)
    for i in range(CH // LANES):
        val_v[pl.ds(i * LANES, LANES)] = one

    def zfill(i, carry):
        zer_v[pl.ds(i * LANES, LANES)] = zero
        return carry

    lax.fori_loop(0, RPT // LANES, zfill, 0)
    pltpu.sync_copy(zer_v, deg_sh.at[pl.ds(s * RPT, RPT)])
    plsc.subcore_barrier()

    nch = jnp.where(c == SLOW_CORE, nslow, nfast)

    def body(j, carry):
        pltpu.sync_copy(val_v, deg_sh.at[dst_v.at[j]], add=True)
        return carry

    lax.fori_loop(0, nch, body, 0)
    plsc.subcore_barrier()
    pltpu.sync_copy(deg_sh.at[pl.ds(s * RPT, RPT)],
                    out_hbm.at[c, pl.ds(s * RPT, RPT)])


@functools.lru_cache(maxsize=None)
def _make_deg(nslow, nfast):
    nmax = max(nslow, nfast)
    return pl.kernel(
        functools.partial(_deg_body, nslow, nfast),
        out_type=jax.ShapeDtypeStruct((NC, NPAD), jnp.float32),
        mesh=_MESH,
        scratch_types=[
            pltpu.VMEM((nmax, CH), jnp.int32),
            pltpu.VMEM((CH,), jnp.float32),
            pltpu.VMEM((RPT,), jnp.float32),
            pltpu.VMEM_SHARED((NPAD,), jnp.float32),
        ],
    )


def _agg_body(nslow, nfast, hs_hbm, src_hbm, dst_hbm, out_hbm, srng, drng,
              buf_v, acc_sh, isem, gsem):
    c = lax.axis_index("c")
    s = lax.axis_index("s")

    zero = jnp.zeros((LANES,), jnp.float32)

    def zfill(i, carry):
        for k in range(FDIM // LANES):
            buf_v[0, i, pl.ds(k * LANES, LANES)] = zero
        return carry

    lax.fori_loop(0, CH, zfill, 0)
    for q in range(RPTA // CH):
        pltpu.sync_copy(buf_v.at[0], acc_sh.at[pl.ds(s * RPTA + q * CH, CH)])
    if RPTA % CH:
        pltpu.sync_copy(
            buf_v.at[0, pl.ds(0, RPTA % CH)],
            acc_sh.at[pl.ds(s * RPTA + (RPTA // CH) * CH, RPTA % CH)])
    plsc.subcore_barrier()

    nch = jnp.where(c == SLOW_CORE, nslow, nfast)

    for r in range(2):
        pltpu.async_copy(src_hbm.at[c, s, r], srng.at[r], isem)
        pltpu.async_copy(dst_hbm.at[c, s, r], drng.at[r], isem)
    pltpu.make_async_copy(src_hbm.at[c, s, 0], srng.at[0], isem).wait()
    pltpu.make_async_copy(dst_hbm.at[c, s, 0], drng.at[0], isem).wait()
    pltpu.async_copy(hs_hbm.at[srng.at[0]], buf_v.at[0], gsem)

    def body(j, carry):
        b = j % NBUF
        pltpu.make_async_copy(
            hs_hbm.at[srng.at[j % NRING]], buf_v.at[b], gsem).wait()
        jc = jnp.minimum(j + 2, nch - 1)
        pltpu.async_copy(src_hbm.at[c, s, jc], srng.at[(j + 2) % NRING], isem)
        pltpu.async_copy(dst_hbm.at[c, s, jc], drng.at[(j + 2) % NRING], isem)
        j1 = jnp.minimum(j + 1, nch - 1)
        pltpu.make_async_copy(
            src_hbm.at[c, s, j1], srng.at[(j + 1) % NRING], isem).wait()
        pltpu.make_async_copy(
            dst_hbm.at[c, s, j1], drng.at[(j + 1) % NRING], isem).wait()
        pltpu.async_copy(
            hs_hbm.at[srng.at[(j + 1) % NRING]], buf_v.at[(j + 1) % NBUF],
            gsem)
        pltpu.sync_copy(buf_v.at[b], acc_sh.at[drng.at[j % NRING]], add=True)
        return carry

    lax.fori_loop(0, nch, body, 0)
    pltpu.make_async_copy(
        hs_hbm.at[srng.at[0]], buf_v.at[0], gsem).wait()
    pltpu.make_async_copy(src_hbm.at[c, s, 0], srng.at[0], isem).wait()
    pltpu.make_async_copy(dst_hbm.at[c, s, 0], drng.at[0], isem).wait()
    plsc.subcore_barrier()
    pltpu.sync_copy(acc_sh.at[pl.ds(s * RPTA, RPTA)],
                    out_hbm.at[c, pl.ds(s * RPTA, RPTA)])


@functools.lru_cache(maxsize=None)
def _make_agg(nslow, nfast):
    return pl.kernel(
        functools.partial(_agg_body, nslow, nfast),
        out_type=jax.ShapeDtypeStruct((NC, NPADA, FDIM), jnp.float32),
        mesh=_MESH,
        scratch_types=[
            pltpu.VMEM((NRING, CH), jnp.int32),
            pltpu.VMEM((NRING, CH), jnp.int32),
            pltpu.VMEM((NBUF, CH, FDIM), jnp.float32),
            pltpu.VMEM_SHARED((NPADA, FDIM), jnp.float32),
            pltpu.SemaphoreType.DMA,
            pltpu.SemaphoreType.DMA,
        ],
    )


def _dense1_body(degp_ref, x_ref, w_ref, hs_ref, dinv_ref):
    deg = jnp.sum(degp_ref[...][:, :NODES], axis=0) + 1.0
    dinv = lax.rsqrt(deg)
    dinvb = jnp.broadcast_to(dinv[:, None], (NODES, FDIM))
    dinv_ref[...] = dinvb
    h = jnp.dot(x_ref[...], w_ref[...], preferred_element_type=jnp.float32)
    hs_ref[...] = h * dinvb


def _mid_body(acc_ref, hs_ref, dinv_ref, b_ref, g_ref, be_ref, w2_ref, out_ref):
    dinvb = dinv_ref[...]
    t = (acc_ref[0, :NODES, :] + acc_ref[1, :NODES, :] + hs_ref[...]) * dinvb
    t = t + b_ref[...]
    t = jnp.where(t >= 0.0, t, 0.01 * t)
    mean = jnp.mean(t, axis=0)
    var = jnp.mean((t - mean) ** 2, axis=0)
    t = (t - mean) * lax.rsqrt(var + 1e-5) * g_ref[...] + be_ref[...]
    h2 = jnp.dot(t, w2_ref[...], preferred_element_type=jnp.float32)
    out_ref[...] = h2 * dinvb


def _fin_body(acc_ref, hs_ref, dinv_ref, b_ref, g_ref, be_ref, out_ref):
    t = (acc_ref[0, :NODES, :] + acc_ref[1, :NODES, :] + hs_ref[...]) * dinv_ref[...]
    t = t + b_ref[...]
    mean = jnp.mean(t, axis=0)
    var = jnp.mean((t - mean) ** 2, axis=0)
    out_ref[...] = (t - mean) * lax.rsqrt(var + 1e-5) * g_ref[...] + be_ref[...]


_dense1_call = pl.pallas_call(
    _dense1_body,
    out_shape=[
        jax.ShapeDtypeStruct((NODES, FDIM), jnp.float32),
        jax.ShapeDtypeStruct((NODES, FDIM), jnp.float32),
    ],
)

_mid_call = pl.pallas_call(
    _mid_body,
    out_shape=jax.ShapeDtypeStruct((NODES, FDIM), jnp.float32),
)

_fin_call = pl.pallas_call(
    _fin_body,
    out_shape=jax.ShapeDtypeStruct((NODES, FDIM), jnp.float32),
)


def kernel(x, edge_indices, W1, b1, gamma1, beta1, W2, b2, gamma2, beta2):
    src = edge_indices[0]
    dst = edge_indices[1]
    e = src.shape[0]
    ntot = -(-e // (NS * CH))
    nslow = max(1, (ntot * SLOW_NUM) // SLOW_DEN)
    nfast = ntot - nslow
    nmax = max(nslow, nfast)
    cap_slow = NS * nslow * CH
    cap_fast = NS * nfast * CH
    pad_total = cap_slow + cap_fast - e

    def slab(arr, fill):
        a = jnp.concatenate(
            [arr, jnp.full((pad_total,), fill, arr.dtype)])
        a_sl = a[:cap_slow].reshape(NS, nslow * CH)
        a_fa = a[cap_slow:].reshape(NS, nfast * CH)
        a_sl = jnp.pad(a_sl, ((0, 0), (0, (nmax - nslow) * CH)),
                       constant_values=fill)
        a_fa = jnp.pad(a_fa, ((0, 0), (0, (nmax - nfast) * CH)),
                       constant_values=fill)
        pair = [a_sl, a_fa] if SLOW_CORE == 0 else [a_fa, a_sl]
        return jnp.stack(pair)

    srcp = slab(src, 0).reshape(NC, NS, nmax, CH)
    dstp = slab(dst, NODES).reshape(NC, NS, nmax, CH)

    degp = _make_deg(nslow, nfast)(dstp)
    hs1, dinvb = _dense1_call(degp, x, W1)
    acc1 = _make_agg(nslow, nfast)(hs1, srcp, dstp)
    hs2 = _mid_call(acc1, hs1, dinvb, b1, gamma1, beta1, W2)
    acc2 = _make_agg(nslow, nfast)(hs2, srcp, dstp)
    out = _fin_call(acc2, hs2, dinvb, b2, gamma2, beta2)
    return out

# --- scband reference (transcript-rebuilt; emitter-appended) ---
"""Pipeline reference for scband-graph-conv-57226144252594 (READ-ONLY COPY).

The authoritative reference and input builder live on the scoring server;
editing this copy changes nothing except your own understanding.
"""

import jax, jax.numpy as jnp
import numpy as np

N = 10000
E = 320000
D_IN = 128
D_HID = 128
D_OUT = 128


def setup_inputs(seed: int = 0) -> dict:
    key = jax.random.key(seed)
    ks = jax.random.split(key, 10)
    x = jax.random.normal(ks[0], (N, D_IN), dtype=jnp.float32)
    edge_indices = jax.random.randint(ks[1], (2, E), 0, N, dtype=jnp.int32)
    W1 = jax.random.normal(ks[2], (D_IN, D_HID), dtype=jnp.float32) * (1.0 / np.sqrt(D_IN))
    b1 = jnp.zeros((D_HID,), dtype=jnp.float32)
    gamma1 = jnp.ones((D_HID,), dtype=jnp.float32)
    beta1 = jnp.zeros((D_HID,), dtype=jnp.float32)
    W2 = jax.random.normal(ks[3], (D_HID, D_OUT), dtype=jnp.float32) * (1.0 / np.sqrt(D_HID))
    b2 = jnp.zeros((D_OUT,), dtype=jnp.float32)
    gamma2 = jnp.ones((D_OUT,), dtype=jnp.float32)
    beta2 = jnp.zeros((D_OUT,), dtype=jnp.float32)
    return {"x": x, "edge_indices": edge_indices, "W1": W1, "b1": b1,
            "gamma1": gamma1, "beta1": beta1, "W2": W2, "b2": b2,
            "gamma2": gamma2, "beta2": beta2}


def _gcn_conv(x, edge_indices, W, b):
    # PyG GCNConv: add self-loops, symmetric D^-1/2 (A+I) D^-1/2 normalization
    src = edge_indices[0]
    dst = edge_indices[1]
    loop = jnp.arange(N, dtype=src.dtype)
    src2 = jnp.concatenate([src, loop])
    dst2 = jnp.concatenate([dst, loop])
    deg = jnp.zeros((N,), dtype=x.dtype).at[dst2].add(1.0)
    deg_inv_sqrt = jax.lax.rsqrt(jnp.maximum(deg, 1e-12))
    norm = deg_inv_sqrt[src2] * deg_inv_sqrt[dst2]
    h = x @ W
    msg = h[src2] * norm[:, None]
    out = jnp.zeros((N, W.shape[1]), dtype=x.dtype).at[dst2].add(msg)
    return out + b


def _batch_norm(x, gamma, beta, eps=1e-5):
    # training-mode batch norm over the node dimension (biased variance, like torch)
    mean = jnp.mean(x, axis=0)
    var = jnp.mean((x - mean) ** 2, axis=0)
    return (x - mean) * jax.lax.rsqrt(var + eps) * gamma + beta


def reference(x, edge_indices, W1, b1, gamma1, beta1, W2, b2, gamma2, beta2):
    h = _gcn_conv(x, edge_indices, W1, b1)
    h = jax.nn.leaky_relu(h, negative_slope=0.01)
    h = _batch_norm(h, gamma1, beta1)
    # F.dropout treated as identity for a deterministic reference
    h = _gcn_conv(h, edge_indices, W2, b2)
    h = _batch_norm(h, gamma2, beta2)
    return h

if __name__ == "__main__":
    import jax
    _d = setup_inputs()
    print(jax.jit(kernel)(*tuple(_d.values())))

</pallas_src>

<mosaic_0001>
#map = affine_map<(d0, d1) -> (0, 0)>
#map1 = affine_map<(d0, d1) -> (0, 0, 0, 0)>
#map2 = affine_map<(d0, d1) -> (0, 0, 0)>
module attributes {stable_mosaic.version = 14 : i64} {
  func.func @_agg_body(%arg0: i32, %arg1: i32, %arg2: memref<10000x128xf32, #tpu.memory_space<hbm>>, %arg3: memref<2x16x107x128xi32, #tpu.memory_space<hbm>>, %arg4: memref<2x16x107x128xi32, #tpu.memory_space<hbm>>, %arg5: memref<2x10112x128xf32, #tpu.memory_space<hbm>>, %arg6: memref<4x128xi32, #tpu.memory_space<vmem>>, %arg7: memref<4x128xi32, #tpu.memory_space<vmem>>, %arg8: memref<2x128x128xf32, #tpu.memory_space<vmem>>, %arg9: memref<10112x128xf32, #tpu.memory_space<vmem_shared>>, %arg10: memref<!tpu.dma_semaphore, #tpu.memory_space<semaphore_mem>>, %arg11: memref<!tpu.dma_semaphore, #tpu.memory_space<semaphore_mem>>) attributes {dimension_semantics = [#tpu.dimension_semantics<core_parallel>, #tpu.dimension_semantics<subcore_parallel>], iteration_bounds = array<i64: 2, 16>, scalar_prefetch = 0 : i64, scratch_operands = 6 : i64, tpu.core_type = #tpu.core_type<sc_vector_subcore>, window_params = [{transform_indices = #map}, {transform_indices = #map1}, {transform_indices = #map1}, {transform_indices = #map2}]} {
    %broadcast_in_dim3A = arith.constant 0.000000e+00 : f32
    %broadcast_in_dim3A_0 = vector.broadcast %broadcast_in_dim3A : f32 to vector<16xf32>
    %scan3A = arith.constant 0 : i32
    %scan3A_1 = arith.constant 0 : i32
    %scan3A_2 = arith.constant 128 : i32
    %scan3A_3 = arith.addi %scan3A_1, %scan3A_2 : i32
    %scan3A_4 = arith.constant 1 : i32
    scf.for %scan3A_178 = %scan3A_1 to %scan3A_3 step %scan3A_4  : i32 {
      %swap3A = arith.constant 0 : i32
      %swap3A_179 = arith.index_cast %swap3A : i32 to index
      %swap3A_180 = arith.index_cast %scan3A_178 : i32 to index
      %swap3A_181 = arith.constant 0 : index
      %swap3A_182 = tpu.vector_load %arg8[%swap3A_179, %swap3A_180, %swap3A_181] {strides = array<i32>} : memref<2x128x128xf32, #tpu.memory_space<vmem>>, vector<1x1x16xf32>,
      %swap3A_183 = vector.shape_cast %swap3A_182 : vector<1x1x16xf32> to vector<16xf32>
      %swap3A_184 = vector.shape_cast %broadcast_in_dim3A_0 : vector<16xf32> to vector<1x1x16xf32>
      tpu.vector_store %arg8[%swap3A_179, %swap3A_180, %swap3A_181], %swap3A_184 {strides = array<i32>} : memref<2x128x128xf32, #tpu.memory_space<vmem>>, vector<1x1x16xf32>,
      %swap3A_185 = arith.constant 0 : i32
      %swap3A_186 = arith.index_cast %swap3A_185 : i32 to index
      %swap3A_187 = arith.index_cast %scan3A_178 : i32 to index
      %swap3A_188 = arith.constant 16 : index
      %swap3A_189 = tpu.vector_load %arg8[%swap3A_186, %swap3A_187, %swap3A_188] {strides = array<i32>} : memref<2x128x128xf32, #tpu.memory_space<vmem>>, vector<1x1x16xf32>,
      %swap3A_190 = vector.shape_cast %swap3A_189 : vector<1x1x16xf32> to vector<16xf32>
      %swap3A_191 = vector.shape_cast %broadcast_in_dim3A_0 : vector<16xf32> to vector<1x1x16xf32>
      tpu.vector_store %arg8[%swap3A_186, %swap3A_187, %swap3A_188], %swap3A_191 {strides = array<i32>} : memref<2x128x128xf32, #tpu.memory_space<vmem>>, vector<1x1x16xf32>,
      %swap3A_192 = arith.constant 0 : i32
      %swap3A_193 = arith.index_cast %swap3A_192 : i32 to index
      %swap3A_194 = arith.index_cast %scan3A_178 : i32 to index
      %swap3A_195 = arith.constant 32 : index
      %swap3A_196 = tpu.vector_load %arg8[%swap3A_193, %swap3A_194, %swap3A_195] {strides = array<i32>} : memref<2x128x128xf32, #tpu.memory_space<vmem>>, vector<1x1x16xf32>,
      %swap3A_197 = vector.shape_cast %swap3A_196 : vector<1x1x16xf32> to vector<16xf32>
      %swap3A_198 = vector.shape_cast %broadcast_in_dim3A_0 : vector<16xf32> to vector<1x1x16xf32>
      tpu.vector_store %arg8[%swap3A_193, %swap3A_194, %swap3A_195], %swap3A_198 {strides = array<i32>} : memref<2x128x128xf32, #tpu.memory_space<vmem>>, vector<1x1x16xf32>,
      %swap3A_199 = arith.constant 0 : i32
      %swap3A_200 = arith.index_cast %swap3A_199 : i32 to index
      %swap3A_201 = arith.index_cast %scan3A_178 : i32 to index
      %swap3A_202 = arith.constant 48 : index
      %swap3A_203 = tpu.vector_load %arg8[%swap3A_200, %swap3A_201, %swap3A_202] {strides = array<i32>} : memref<2x128x128xf32, #tpu.memory_space<vmem>>, vector<1x1x16xf32>,
      %swap3A_204 = vector.shape_cast %swap3A_203 : vector<1x1x16xf32> to vector<16xf32>
      %swap3A_205 = vector.shape_cast %broadcast_in_dim3A_0 : vector<16xf32> to vector<1x1x16xf32>
      tpu.vector_store %arg8[%swap3A_200, %swap3A_201, %swap3A_202], %swap3A_205 {strides = array<i32>} : memref<2x128x128xf32, #tpu.memory_space<vmem>>, vector<1x1x16xf32>,
      %swap3A_206 = arith.constant 0 : i32
      %swap3A_207 = arith.index_cast %swap3A_206 : i32 to index
      %swap3A_208 = arith.index_cast %scan3A_178 : i32 to index
      %swap3A_209 = arith.constant 64 : index
      %swap3A_210 = tpu.vector_load %arg8[%swap3A_207, %swap3A_208, %swap3A_209] {strides = array<i32>} : memref<2x128x128xf32, #tpu.memory_space<vmem>>, vector<1x1x16xf32>,
      %swap3A_211 = vector.shape_cast %swap3A_210 : vector<1x1x16xf32> to vector<16xf32>
      %swap3A_212 = vector.shape_cast %broadcast_in_dim3A_0 : vector<16xf32> to vector<1x1x16xf32>
      tpu.vector_store %arg8[%swap3A_207, %swap3A_208, %swap3A_209], %swap3A_212 {strides = array<i32>} : memref<2x128x128xf32, #tpu.memory_space<vmem>>, vector<1x1x16xf32>,
      %swap3A_213 = arith.constant 0 : i32
      %swap3A_214 = arith.index_cast %swap3A_213 : i32 to index
      %swap3A_215 = arith.index_cast %scan3A_178 : i32 to index
      %swap3A_216 = arith.constant 80 : index
      %swap3A_217 = tpu.vector_load %arg8[%swap3A_214, %swap3A_215, %swap3A_216] {strides = array<i32>} : memref<2x128x128xf32, #tpu.memory_space<vmem>>, vector<1x1x16xf32>,
      %swap3A_218 = vector.shape_cast %swap3A_217 : vector<1x1x16xf32> to vector<16xf32>
      %swap3A_219 = vector.shape_cast %broadcast_in_dim3A_0 : vector<16xf32> to vector<1x1x16xf32>
      tpu.vector_store %arg8[%swap3A_214, %swap3A_215, %swap3A_216], %swap3A_219 {strides = array<i32>} : memref<2x128x128xf32, #tpu.memory_space<vmem>>, vector<1x1x16xf32>,
      %swap3A_220 = arith.constant 0 : i32
      %swap3A_221 = arith.index_cast %swap3A_220 : i32 to index
      %swap3A_222 = arith.index_cast %scan3A_178 : i32 to index
      %swap3A_223 = arith.constant 96 : index
      %swap3A_224 = tpu.vector_load %arg8[%swap3A_221, %swap3A_222, %swap3A_223] {strides = array<i32>} : memref<2x128x128xf32, #tpu.memory_space<vmem>>, vector<1x1x16xf32>,
      %swap3A_225 = vector.shape_cast %swap3A_224 : vector<1x1x16xf32> to vector<16xf32>
      %swap3A_226 = vector.shape_cast %broadcast_in_dim3A_0 : vector<16xf32> to vector<1x1x16xf32>
      tpu.vector_store %arg8[%swap3A_221, %swap3A_222, %swap3A_223], %swap3A_226 {strides = array<i32>} : memref<2x128x128xf32, #tpu.memory_space<vmem>>, vector<1x1x16xf32>,
      %swap3A_227 = arith.constant 0 : i32
      %swap3A_228 = arith.index_cast %swap3A_227 : i32 to index
      %swap3A_229 = arith.index_cast %scan3A_178 : i32 to index
      %swap3A_230 = arith.constant 112 : index
      %swap3A_231 = tpu.vector_load %arg8[%swap3A_228, %swap3A_229, %swap3A_230] {strides = array<i32>} : memref<2x128x128xf32, #tpu.memory_space<vmem>>, vector<1x1x16xf32>,
      %swap3A_232 = vector.shape_cast %swap3A_231 : vector<1x1x16xf32> to vector<16xf32>
      %swap3A_233 = vector.shape_cast %broadcast_in_dim3A_0 : vector<16xf32> to vector<1x1x16xf32>
      tpu.vector_store %arg8[%swap3A_228, %swap3A_229, %swap3A_230], %swap3A_233 {strides = array<i32>} : memref<2x128x128xf32, #tpu.memory_space<vmem>>, vector<1x1x16xf32>,
    }
    %scan3A_5 = arith.constant 128 : i32
    %mul3A = arith.constant 632 : i32
    %mul3A_6 = arith.muli %arg1, %mul3A : i32
    %add3A = arith.constant 0 : i32
    %add3A_7 = arith.addi %mul3A_6, %add3A : i32
    %run_scoped3A = arith.constant 0 : i32
    "tpu.region"() ({
      %run_scoped3A_178 = tpu.sem_alloc : memref<!tpu.dma_semaphore, #tpu.memory_space<semaphore_mem>>
      %dma_start3A_179 = arith.constant 0 : i32
      %dma_start3A_180 = arith.constant 0 : i32
      %dma_start3A_181 = tpu.memref_slice %arg8[%run_scoped3A, %dma_start3A_179, %dma_start3A_180] : memref<2x128x128xf32, #tpu.memory_space<vmem>> -> memref<1x128x128xf32, #tpu.memory_space<vmem>>
      %dma_start3A_182 = tpu.memref_squeeze %dma_start3A_181 : memref<1x128x128xf32, #tpu.memory_space<vmem>> -> memref<128x128xf32, #tpu.memory_space<vmem>>
      %dma_start3A_183 = arith.constant 0 : i32
      %dma_start3A_184 = tpu.memref_slice %arg9[%add3A_7, %dma_start3A_183] : memref<10112x128xf32, #tpu.memory_space<vmem_shared>> -> memref<128x128xf32, #tpu.memory_space<vmem_shared>>
      %dma_start3A_185 = arith.constant 0 : i32
      %dma_start3A_186 = tpu.memref_slice %arg9[%add3A_7, %dma_start3A_185] : memref<10112x128xf32, #tpu.memory_space<vmem_shared>> -> memref<128x128xf32, #tpu.memory_space<vmem_shared>>
      %dma_start3A_187 = arith.constant 0 : i32
      %dma_start3A_188 = arith.constant 0 : i32
      %dma_start3A_189 = tpu.memref_slice %arg8[%run_scoped3A, %dma_start3A_187, %dma_start3A_188] : memref<2x128x128xf32, #tpu.memory_space<vmem>> -> memref<1x128x128xf32, #tpu.memory_space<vmem>>
      %dma_start3A_190 = tpu.memref_squeeze %dma_start3A_189 : memref<1x128x128xf32, #tpu.memory_space<vmem>> -> memref<128x128xf32, #tpu.memory_space<vmem>>
      tpu.enqueue_dma source(%dma_start3A_190 : memref<128x128xf32, #tpu.memory_space<vmem>>) target(%dma_start3A_186 : memref<128x128xf32, #tpu.memory_space<vmem_shared>>) target_semaphore(%run_scoped3A_178 : memref<!tpu.dma_semaphore, #tpu.memory_space<semaphore_mem>>)
      %dma_wait3A_191 = arith.constant 0 : i32
      %dma_wait3A_192 = arith.constant 0 : i32
      %dma_wait3A_193 = tpu.memref_slice %arg8[%run_scoped3A, %dma_wait3A_191, %dma_wait3A_192] : memref<2x128x128xf32, #tpu.memory_space<vmem>> -> memref<1x128x128xf32, #tpu.memory_space<vmem>>
      %dma_wait3A_194 = tpu.memref_squeeze %dma_wait3A_193 : memref<1x128x128xf32, #tpu.memory_space<vmem>> -> memref<128x128xf32, #tpu.memory_space<vmem>>
      %dma_wait3A_195 = arith.constant 0 : i32
      %dma_wait3A_196 = tpu.memref_slice %arg9[%add3A_7, %dma_wait3A_195] : memref<10112x128xf32, #tpu.memory_space<vmem_shared>> -> memref<128x128xf32, #tpu.memory_space<vmem_shared>>
      %dma_wait3A_197 = arith.constant 0 : i32
      %dma_wait3A_198 = tpu.memref_slice %arg9[%add3A_7, %dma_wait3A_197] : memref<10112x128xf32, #tpu.memory_space<vmem_shared>> -> memref<128x128xf32, #tpu.memory_space<vmem_shared>>
      %dma_wait3A_199 = arith.constant 0 : i32
      %dma_wait3A_200 = arith.constant 0 : i32
      %dma_wait3A_201 = tpu.memref_slice %arg8[%run_scoped3A, %dma_wait3A_199, %dma_wait3A_200] : memref<2x128x128xf32, #tpu.memory_space<vmem>> -> memref<1x128x128xf32, #tpu.memory_space<vmem>>
      %dma_wait3A_202 = tpu.memref_squeeze %dma_wait3A_201 : memref<1x128x128xf32, #tpu.memory_space<vmem>> -> memref<128x128xf32, #tpu.memory_space<vmem>>
      tpu.wait_dma2 semaphore(%run_scoped3A_178 : memref<!tpu.dma_semaphore, #tpu.memory_space<semaphore_mem>>) src(%dma_wait3A_202 : memref<128x128xf32, #tpu.memory_space<vmem>>) dst(%dma_wait3A_198 : memref<128x128xf32, #tpu.memory_space<vmem_shared>>)
      tpu.yield
    }) : () -> ()
    %mul3A_8 = arith.constant 632 : i32
    %mul3A_9 = arith.muli %arg1, %mul3A_8 : i32
    %add3A_10 = arith.constant 128 : i32
    %add3A_11 = arith.addi %mul3A_9, %add3A_10 : i32
    %run_scoped3A_12 = arith.constant 0 : i32
    "tpu.region"() ({
      %run_scoped3A_178 = tpu.sem_alloc : memref<!tpu.dma_semaphore, #tpu.memory_space<semaphore_mem>>
      %dma_start3A_179 = arith.constant 0 : i32
      %dma_start3A_180 = arith.constant 0 : i32
      %dma_start3A_181 = tpu.memref_slice %arg8[%run_scoped3A_12, %dma_start3A_179, %dma_start3A_180] : memref<2x128x128xf32, #tpu.memory_space<vmem>> -> memref<1x128x128xf32, #tpu.memory_space<vmem>>
      %dma_start3A_182 = tpu.memref_squeeze %dma_start3A_181 : memref<1x128x128xf32, #tpu.memory_space<vmem>> -> memref<128x128xf32, #tpu.memory_space<vmem>>
      %dma_start3A_183 = arith.constant 0 : i32
      %dma_start3A_184 = tpu.memref_slice %arg9[%add3A_11, %dma_start3A_183] : memref<10112x128xf32, #tpu.memory_space<vmem_shared>> -> memref<128x128xf32, #tpu.memory_space<vmem_shared>>
      %dma_start3A_185 = arith.constant 0 : i32
      %dma_start3A_186 = tpu.memref_slice %arg9[%add3A_11, %dma_start3A_185] : memref<10112x128xf32, #tpu.memory_space<vmem_shared>> -> memref<128x128xf32, #tpu.memory_space<vmem_shared>>
      %dma_start3A_187 = arith.constant 0 : i32
      %dma_start3A_188 = arith.constant 0 : i32
      %dma_start3A_189 = tpu.memref_slice %arg8[%run_scoped3A_12, %dma_start3A_187, %dma_start3A_188] : memref<2x128x128xf32, #tpu.memory_space<vmem>> -> memref<1x128x128xf32, #tpu.memory_space<vmem>>
      %dma_start3A_190 = tpu.memref_squeeze %dma_start3A_189 : memref<1x128x128xf32, #tpu.memory_space<vmem>> -> memref<128x128xf32, #tpu.memory_space<vmem>>
      tpu.enqueue_dma source(%dma_start3A_190 : memref<128x128xf32, #tpu.memory_space<vmem>>) target(%dma_start3A_186 : memref<128x128xf32, #tpu.memory_space<vmem_shared>>) target_semaphore(%run_scoped3A_178 : memref<!tpu.dma_semaphore, #tpu.memory_space<semaphore_mem>>)
      %dma_wait3A_191 = arith.constant 0 : i32
      %dma_wait3A_192 = arith.constant 0 : i32
      %dma_wait3A_193 = tpu.memref_slice %arg8[%run_scoped3A_12, %dma_wait3A_191, %dma_wait3A_192] : memref<2x128x128xf32, #tpu.memory_space<vmem>> -> memref<1x128x128xf32, #tpu.memory_space<vmem>>
      %dma_wait3A_194 = tpu.memref_squeeze %dma_wait3A_193 : memref<1x128x128xf32, #tpu.memory_space<vmem>> -> memref<128x128xf32, #tpu.memory_space<vmem>>
      %dma_wait3A_195 = arith.constant 0 : i32
      %dma_wait3A_196 = tpu.memref_slice %arg9[%add3A_11, %dma_wait3A_195] : memref<10112x128xf32, #tpu.memory_space<vmem_shared>> -> memref<128x128xf32, #tpu.memory_space<vmem_shared>>
      %dma_wait3A_197 = arith.constant 0 : i32
      %dma_wait3A_198 = tpu.memref_slice %arg9[%add3A_11, %dma_wait3A_197] : memref<10112x128xf32, #tpu.memory_space<vmem_shared>> -> memref<128x128xf32, #tpu.memory_space<vmem_shared>>
      %dma_wait3A_199 = arith.constant 0 : i32
      %dma_wait3A_200 = arith.constant 0 : i32
      %dma_wait3A_201 = tpu.memref_slice %arg8[%run_scoped3A_12, %dma_wait3A_199, %dma_wait3A_200] : memref<2x128x128xf32, #tpu.memory_space<vmem>> -> memref<1x128x128xf32, #tpu.memory_space<vmem>>
      %dma_wait3A_202 = tpu.memref_squeeze %dma_wait3A_201 : memref<1x128x128xf32, #tpu.memory_space<vmem>> -> memref<128x128xf32, #tpu.memory_space<vmem>>
      tpu.wait_dma2 semaphore(%run_scoped3A_178 : memref<!tpu.dma_semaphore, #tpu.memory_space<semaphore_mem>>) src(%dma_wait3A_202 : memref<128x128xf32, #tpu.memory_space<vmem>>) dst(%dma_wait3A_198 : memref<128x128xf32, #tpu.memory_space<vmem_shared>>)
      tpu.yield
    }) : () -> ()
    %mul3A_13 = arith.constant 632 : i32
    %mul3A_14 = arith.muli %arg1, %mul3A_13 : i32
    %add3A_15 = arith.constant 256 : i32
    %add3A_16 = arith.addi %mul3A_14, %add3A_15 : i32
    %run_scoped3A_17 = arith.constant 0 : i32
    "tpu.region"() ({
      %run_scoped3A_178 = tpu.sem_alloc : memref<!tpu.dma_semaphore, #tpu.memory_space<semaphore_mem>>
      %dma_start3A_179 = arith.constant 0 : i32
      %dma_start3A_180 = arith.constant 0 : i32
      %dma_start3A_181 = tpu.memref_slice %arg8[%run_scoped3A_17, %dma_start3A_179, %dma_start3A_180] : memref<2x128x128xf32, #tpu.memory_space<vmem>> -> memref<1x128x128xf32, #tpu.memory_space<vmem>>
      %dma_start3A_182 = tpu.memref_squeeze %dma_start3A_181 : memref<1x128x128xf32, #tpu.memory_space<vmem>> -> memref<128x128xf32, #tpu.memory_space<vmem>>
      %dma_start3A_183 = arith.constant 0 : i32
      %dma_start3A_184 = tpu.memref_slice %arg9[%add3A_16, %dma_start3A_183] : memref<10112x128xf32, #tpu.memory_space<vmem_shared>> -> memref<128x128xf32, #tpu.memory_space<vmem_shared>>
      %dma_start3A_185 = arith.constant 0 : i32
      %dma_start3A_186 = tpu.memref_slice %arg9[%add3A_16, %dma_start3A_185] : memref<10112x128xf32, #tpu.memory_space<vmem_shared>> -> memref<128x128xf32, #tpu.memory_space<vmem_shared>>
      %dma_start3A_187 = arith.constant 0 : i32
      %dma_start3A_188 = arith.constant 0 : i32
      %dma_start3A_189 = tpu.memref_slice %arg8[%run_scoped3A_17, %dma_start3A_187, %dma_start3A_188] : memref<2x128x128xf32, #tpu.memory_space<vmem>> -> memref<1x128x128xf32, #tpu.memory_space<vmem>>
      %dma_start3A_190 = tpu.memref_squeeze %dma_start3A_189 : memref<1x128x128xf32, #tpu.memory_space<vmem>> -> memref<128x128xf32, #tpu.memory_space<vmem>>
      tpu.enqueue_dma source(%dma_start3A_190 : memref<128x128xf32, #tpu.memory_space<vmem>>) target(%dma_start3A_186 : memref<128x128xf32, #tpu.memory_space<vmem_shared>>) target_semaphore(%run_scoped3A_178 : memref<!tpu.dma_semaphore, #tpu.memory_space<semaphore_mem>>)
      %dma_wait3A_191 = arith.constant 0 : i32
      %dma_wait3A_192 = arith.constant 0 : i32
      %dma_wait3A_193 = tpu.memref_slice %arg8[%run_scoped3A_17, %dma_wait3A_191, %dma_wait3A_192] : memref<2x128x128xf32, #tpu.memory_space<vmem>> -> memref<1x128x128xf32, #tpu.memory_space<vmem>>
      %dma_wait3A_194 = tpu.memref_squeeze %dma_wait3A_193 : memref<1x128x128xf32, #tpu.memory_space<vmem>> -> memref<128x128xf32, #tpu.memory_space<vmem>>
      %dma_wait3A_195 = arith.constant 0 : i32
      %dma_wait3A_196 = tpu.memref_slice %arg9[%add3A_16, %dma_wait3A_195] : memref<10112x128xf32, #tpu.memory_space<vmem_shared>> -> memref<128x128xf32, #tpu.memory_space<vmem_shared>>
      %dma_wait3A_197 = arith.constant 0 : i32
      %dma_wait3A_198 = tpu.memref_slice %arg9[%add3A_16, %dma_wait3A_197] : memref<10112x128xf32, #tpu.memory_space<vmem_shared>> -> memref<128x128xf32, #tpu.memory_space<vmem_shared>>
      %dma_wait3A_199 = arith.constant 0 : i32
      %dma_wait3A_200 = arith.constant 0 : i32
      %dma_wait3A_201 = tpu.memref_slice %arg8[%run_scoped3A_17, %dma_wait3A_199, %dma_wait3A_200] : memref<2x128x128xf32, #tpu.memory_space<vmem>> -> memref<1x128x128xf32, #tpu.memory_space<vmem>>
      %dma_wait3A_202 = tpu.memref_squeeze %dma_wait3A_201 : memref<1x128x128xf32, #tpu.memory_space<vmem>> -> memref<128x128xf32, #tpu.memory_space<vmem>>
      tpu.wait_dma2 semaphore(%run_scoped3A_178 : memref<!tpu.dma_semaphore, #tpu.memory_space<semaphore_mem>>) src(%dma_wait3A_202 : memref<128x128xf32, #tpu.memory_space<vmem>>) dst(%dma_wait3A_198 : memref<128x128xf32, #tpu.memory_space<vmem_shared>>)
      tpu.yield
    }) : () -> ()
    %mul3A_18 = arith.constant 632 : i32
    %mul3A_19 = arith.muli %arg1, %mul3A_18 : i32
    %add3A_20 = arith.constant 384 : i32
    %add3A_21 = arith.addi %mul3A_19, %add3A_20 : i32
    %run_scoped3A_22 = arith.constant 0 : i32
    "tpu.region"() ({
      %run_scoped3A_178 = tpu.sem_alloc : memref<!tpu.dma_semaphore, #tpu.memory_space<semaphore_mem>>
      %dma_start3A_179 = arith.constant 0 : i32
      %dma_start3A_180 = arith.constant 0 : i32
      %dma_start3A_181 = tpu.memref_slice %arg8[%run_scoped3A_22, %dma_start3A_179, %dma_start3A_180] : memref<2x128x128xf32, #tpu.memory_space<vmem>> -> memref<1x128x128xf32, #tpu.memory_space<vmem>>
      %dma_start3A_182 = tpu.memref_squeeze %dma_start3A_181 : memref<1x128x128xf32, #tpu.memory_space<vmem>> -> memref<128x128xf32, #tpu.memory_space<vmem>>
      %dma_start3A_183 = arith.constant 0 : i32
      %dma_start3A_184 = tpu.memref_slice %arg9[%add3A_21, %dma_start3A_183] : memref<10112x128xf32, #tpu.memory_space<vmem_shared>> -> memref<128x128xf32, #tpu.memory_space<vmem_shared>>
      %dma_start3A_185 = arith.constant 0 : i32
      %dma_start3A_186 = tpu.memref_slice %arg9[%add3A_21, %dma_start3A_185] : memref<10112x128xf32, #tpu.memory_space<vmem_shared>> -> memref<128x128xf32, #tpu.memory_space<vmem_shared>>
      %dma_start3A_187 = arith.constant 0 : i32
      %dma_start3A_188 = arith.constant 0 : i32
      %dma_start3A_189 = tpu.memref_slice %arg8[%run_scoped3A_22, %dma_start3A_187, %dma_start3A_188] : memref<2x128x128xf32, #tpu.memory_space<vmem>> -> memref<1x128x128xf32, #tpu.memory_space<vmem>>
      %dma_start3A_190 = tpu.memref_squeeze %dma_start3A_189 : memref<1x128x128xf32, #tpu.memory_space<vmem>> -> memref<128x128xf32, #tpu.memory_space<vmem>>
      tpu.enqueue_dma source(%dma_start3A_190 : memref<128x128xf32, #tpu.memory_space<vmem>>) target(%dma_start3A_186 : memref<128x128xf32, #tpu.memory_space<vmem_shared>>) target_semaphore(%run_scoped3A_178 : memref<!tpu.dma_semaphore, #tpu.memory_space<semaphore_mem>>)
      %dma_wait3A_191 = arith.constant 0 : i32
      %dma_wait3A_192 = arith.constant 0 : i32
      %dma_wait3A_193 = tpu.memref_slice %arg8[%run_scoped3A_22, %dma_wait3A_191, %dma_wait3A_192] : memref<2x128x128xf32, #tpu.memory_space<vmem>> -> memref<1x128x128xf32, #tpu.memory_space<vmem>>
      %dma_wait3A_194 = tpu.memref_squeeze %dma_wait3A_193 : memref<1x128x128xf32, #tpu.memory_space<vmem>> -> memref<128x128xf32, #tpu.memory_space<vmem>>
      %dma_wait3A_195 = arith.constant 0 : i32
      %dma_wait3A_196 = tpu.memref_slice %arg9[%add3A_21, %dma_wait3A_195] : memref<10112x128xf32, #tpu.memory_space<vmem_shared>> -> memref<128x128xf32, #tpu.memory_space<vmem_shared>>
      %dma_wait3A_197 = arith.constant 0 : i32
      %dma_wait3A_198 = tpu.memref_slice %arg9[%add3A_21, %dma_wait3A_197] : memref<10112x128xf32, #tpu.memory_space<vmem_shared>> -> memref<128x128xf32, #tpu.memory_space<vmem_shared>>
      %dma_wait3A_199 = arith.constant 0 : i32
      %dma_wait3A_200 = arith.constant 0 : i32
      %dma_wait3A_201 = tpu.memref_slice %arg8[%run_scoped3A_22, %dma_wait3A_199, %dma_wait3A_200] : memref<2x128x128xf32, #tpu.memory_space<vmem>> -> memref<1x128x128xf32, #tpu.memory_space<vmem>>
      %dma_wait3A_202 = tpu.memref_squeeze %dma_wait3A_201 : memref<1x128x128xf32, #tpu.memory_space<vmem>> -> memref<128x128xf32, #tpu.memory_space<vmem>>
      tpu.wait_dma2 semaphore(%run_scoped3A_178 : memref<!tpu.dma_semaphore, #tpu.memory_space<semaphore_mem>>) src(%dma_wait3A_202 : memref<128x128xf32, #tpu.memory_space<vmem>>) dst(%dma_wait3A_198 : memref<128x128xf32, #tpu.memory_space<vmem_shared>>)
      tpu.yield
    }) : () -> ()
    %mul3A_23 = arith.constant 632 : i32
    %mul3A_24 = arith.muli %arg1, %mul3A_23 : i32
    %add3A_25 = arith.constant 512 : i32
    %add3A_26 = arith.addi %mul3A_24, %add3A_25 : i32
    %run_scoped3A_27 = arith.constant 0 : i32
    "tpu.region"() ({
      %run_scoped3A_178 = tpu.sem_alloc : memref<!tpu.dma_semaphore, #tpu.memory_space<semaphore_mem>>
      %dma_start3A_179 = arith.constant 0 : i32
      %dma_start3A_180 = arith.constant 0 : i32
      %dma_start3A_181 = tpu.memref_slice %arg8[%run_scoped3A_27, %dma_start3A_179, %dma_start3A_180] : memref<2x128x128xf32, #tpu.memory_space<vmem>> -> memref<1x120x128xf32, #tpu.memory_space<vmem>>
      %dma_start3A_182 = tpu.memref_squeeze %dma_start3A_181 : memref<1x120x128xf32, #tpu.memory_space<vmem>> -> memref<120x128xf32, #tpu.memory_space<vmem>>
      %dma_start3A_183 = arith.constant 0 : i32
      %dma_start3A_184 = tpu.memref_slice %arg9[%add3A_26, %dma_start3A_183] : memref<10112x128xf32, #tpu.memory_space<vmem_shared>> -> memref<120x128xf32, #tpu.memory_space<vmem_shared>>
      %dma_start3A_185 = arith.constant 0 : i32
      %dma_start3A_186 = tpu.memref_slice %arg9[%add3A_26, %dma_start3A_185] : memref<10112x128xf32, #tpu.memory_space<vmem_shared>> -> memref<120x128xf32, #tpu.memory_space<vmem_shared>>
      %dma_start3A_187 = arith.constant 0 : i32
      %dma_start3A_188 = arith.constant 0 : i32
      %dma_start3A_189 = tpu.memref_slice %arg8[%run_scoped3A_27, %dma_start3A_187, %dma_start3A_188] : memref<2x128x128xf32, #tpu.memory_space<vmem>> -> memref<1x120x128xf32, #tpu.memory_space<vmem>>
      %dma_start3A_190 = tpu.memref_squeeze %dma_start3A_189 : memref<1x120x128xf32, #tpu.memory_space<vmem>> -> memref<120x128xf32, #tpu.memory_space<vmem>>
      tpu.enqueue_dma source(%dma_start3A_190 : memref<120x128xf32, #tpu.memory_space<vmem>>) target(%dma_start3A_186 : memref<120x128xf32, #tpu.memory_space<vmem_shared>>) target_semaphore(%run_scoped3A_178 : memref<!tpu.dma_semaphore, #tpu.memory_space<semaphore_mem>>)
      %dma_wait3A_191 = arith.constant 0 : i32
      %dma_wait3A_192 = arith.constant 0 : i32
      %dma_wait3A_193 = tpu.memref_slice %arg8[%run_scoped3A_27, %dma_wait3A_191, %dma_wait3A_192] : memref<2x128x128xf32, #tpu.memory_space<vmem>> -> memref<1x120x128xf32, #tpu.memory_space<vmem>>
      %dma_wait3A_194 = tpu.memref_squeeze %dma_wait3A_193 : memref<1x120x128xf32, #tpu.memory_space<vmem>> -> memref<120x128xf32, #tpu.memory_space<vmem>>
      %dma_wait3A_195 = arith.constant 0 : i32
      %dma_wait3A_196 = tpu.memref_slice %arg9[%add3A_26, %dma_wait3A_195] : memref<10112x128xf32, #tpu.memory_space<vmem_shared>> -> memref<120x128xf32, #tpu.memory_space<vmem_shared>>
      %dma_wait3A_197 = arith.constant 0 : i32
      %dma_wait3A_198 = tpu.memref_slice %arg9[%add3A_26, %dma_wait3A_197] : memref<10112x128xf32, #tpu.memory_space<vmem_shared>> -> memref<120x128xf32, #tpu.memory_space<vmem_shared>>
      %dma_wait3A_199 = arith.constant 0 : i32
      %dma_wait3A_200 = arith.constant 0 : i32
      %dma_wait3A_201 = tpu.memref_slice %arg8[%run_scoped3A_27, %dma_wait3A_199, %dma_wait3A_200] : memref<2x128x128xf32, #tpu.memory_space<vmem>> -> memref<1x120x128xf32, #tpu.memory_space<vmem>>
      %dma_wait3A_202 = tpu.memref_squeeze %dma_wait3A_201 : memref<1x120x128xf32, #tpu.memory_space<vmem>> -> memref<120x128xf32, #tpu.memory_space<vmem>>
      tpu.wait_dma2 semaphore(%run_scoped3A_178 : memref<!tpu.dma_semaphore, #tpu.memory_space<semaphore_mem>>) src(%dma_wait3A_202 : memref<120x128xf32, #tpu.memory_space<vmem>>) dst(%dma_wait3A_198 : memref<120x128xf32, #tpu.memory_space<vmem_shared>>)
      tpu.yield
    }) : () -> ()
    %barrier3A = arith.constant 0 : index
    tpu.barrier barrier_id(%barrier3A)
    %eq3A = arith.constant 0 : i32
    %eq3A_28 = arith.cmpi eq, %arg0, %eq3A : i32
    %jit3A = arith.constant 50 : i32
    %jit3A_29 = arith.constant 107 : i32
    %select_n3A = arith.select %eq3A_28, %jit3A, %jit3A_29 : i32
    %dma_start3A = arith.constant 0 : i32
    %dma_start3A_30 = arith.constant 0 : i32
    %dma_start3A_31 = arith.constant 0 : i32
    %dma_start3A_32 = tpu.memref_slice %arg6[%dma_start3A_30, %dma_start3A_31] : memref<4x128xi32, #tpu.memory_space<vmem>> -> memref<1x128xi32, #tpu.memory_space<vmem>>
    %dma_start3A_33 = tpu.memref_squeeze %dma_start3A_32 : memref<1x128xi32, #tpu.memory_space<vmem>> -> memref<128xi32, #tpu.memory_space<vmem>>
    %dma_start3A_34 = arith.constant 0 : i32
    %dma_start3A_35 = tpu.memref_slice %arg3[%arg0, %arg1, %dma_start3A, %dma_start3A_34] : memref<2x16x107x128xi32, #tpu.memory_space<hbm>> -> memref<1x1x1x128xi32, #tpu.memory_space<hbm>>
    %dma_start3A_36 = tpu.memref_squeeze %dma_start3A_35 : memref<1x1x1x128xi32, #tpu.memory_space<hbm>> -> memref<128xi32, #tpu.memory_space<hbm>>
    %dma_start3A_37 = arith.constant 0 : i32
    %dma_start3A_38 = tpu.memref_slice %arg6[%dma_start3A_30, %dma_start3A_37] : memref<4x128xi32, #tpu.memory_space<vmem>> -> memref<1x128xi32, #tpu.memory_space<vmem>>
    %dma_start3A_39 = tpu.memref_squeeze %dma_start3A_38 : memref<1x128xi32, #tpu.memory_space<vmem>> -> memref<128xi32, #tpu.memory_space<vmem>>
    %dma_start3A_40 = arith.constant 0 : i32
    %dma_start3A_41 = tpu.memref_slice %arg3[%arg0, %arg1, %dma_start3A, %dma_start3A_40] : memref<2x16x107x128xi32, #tpu.memory_space<hbm>> -> memref<1x1x1x128xi32, #tpu.memory_space<hbm>>
    %dma_start3A_42 = tpu.memref_squeeze %dma_start3A_41 : memref<1x1x1x128xi32, #tpu.memory_space<hbm>> -> memref<128xi32, #tpu.memory_space<hbm>>
    tpu.enqueue_dma source(%dma_start3A_42 : memref<128xi32, #tpu.memory_space<hbm>>) target(%dma_start3A_39 : memref<128xi32, #tpu.memory_space<vmem>>) target_semaphore(%arg10 : memref<!tpu.dma_semaphore, #tpu.memory_space<semaphore_mem>>)
    %dma_start3A_43 = arith.constant 0 : i32
    %dma_start3A_44 = arith.constant 0 : i32
    %dma_start3A_45 = arith.constant 0 : i32
    %dma_start3A_46 = tpu.memref_slice %arg7[%dma_start3A_44, %dma_start3A_45] : memref<4x128xi32, #tpu.memory_space<vmem>> -> memref<1x128xi32, #tpu.memory_space<vmem>>
    %dma_start3A_47 = tpu.memref_squeeze %dma_start3A_46 : memref<1x128xi32, #tpu.memory_space<vmem>> -> memref<128xi32, #tpu.memory_space<vmem>>
    %dma_start3A_48 = arith.constant 0 : i32
    %dma_start3A_49 = tpu.memref_slice %arg4[%arg0, %arg1, %dma_start3A_43, %dma_start3A_48] : memref<2x16x107x128xi32, #tpu.memory_space<hbm>> -> memref<1x1x1x128xi32, #tpu.memory_space<hbm>>
    %dma_start3A_50 = tpu.memref_squeeze %dma_start3A_49 : memref<1x1x1x128xi32, #tpu.memory_space<hbm>> -> memref<128xi32, #tpu.memory_space<hbm>>
    %dma_start3A_51 = arith.constant 0 : i32
    %dma_start3A_52 = tpu.memref_slice %arg7[%dma_start3A_44, %dma_start3A_51] : memref<4x128xi32, #tpu.memory_space<vmem>> -> memref<1x128xi32, #tpu.memory_space<vmem>>
    %dma_start3A_53 = tpu.memref_squeeze %dma_start3A_52 : memref<1x128xi32, #tpu.memory_space<vmem>> -> memref<128xi32, #tpu.memory_space<vmem>>
    %dma_start3A_54 = arith.constant 0 : i32
    %dma_start3A_55 = tpu.memref_slice %arg4[%arg0, %arg1, %dma_start3A_43, %dma_start3A_54] : memref<2x16x107x128xi32, #tpu.memory_space<hbm>> -> memref<1x1x1x128xi32, #tpu.memory_space<hbm>>
    %dma_start3A_56 = tpu.memref_squeeze %dma_start3A_55 : memref<1x1x1x128xi32, #tpu.memory_space<hbm>> -> memref<128xi32, #tpu.memory_space<hbm>>
    tpu.enqueue_dma source(%dma_start3A_56 : memref<128xi32, #tpu.memory_space<hbm>>) target(%dma_start3A_53 : memref<128xi32, #tpu.memory_space<vmem>>) target_semaphore(%arg10 : memref<!tpu.dma_semaphore, #tpu.memory_space<semaphore_mem>>)
    %dma_start3A_57 = arith.constant 1 : i32
    %dma_start3A_58 = arith.constant 1 : i32
    %dma_start3A_59 = arith.constant 0 : i32
    %dma_start3A_60 = tpu.memref_slice %arg6[%dma_start3A_58, %dma_start3A_59] : memref<4x128xi32, #tpu.memory_space<vmem>> -> memref<1x128xi32, #tpu.memory_space<vmem>>
    %dma_start3A_61 = tpu.memref_squeeze %dma_start3A_60 : memref<1x128xi32, #tpu.memory_space<vmem>> -> memref<128xi32, #tpu.memory_space<vmem>>
    %dma_start3A_62 = arith.constant 0 : i32
    %dma_start3A_63 = tpu.memref_slice %arg3[%arg0, %arg1, %dma_start3A_57, %dma_start3A_62] : memref<2x16x107x128xi32, #tpu.memory_space<hbm>> -> memref<1x1x1x128xi32, #tpu.memory_space<hbm>>
    %dma_start3A_64 = tpu.memref_squeeze %dma_start3A_63 : memref<1x1x1x128xi32, #tpu.memory_space<hbm>> -> memref<128xi32, #tpu.memory_space<hbm>>
    %dma_start3A_65 = arith.constant 0 : i32
    %dma_start3A_66 = tpu.memref_slice %arg6[%dma_start3A_58, %dma_start3A_65] : memref<4x128xi32, #tpu.memory_space<vmem>> -> memref<1x128xi32, #tpu.memory_space<vmem>>
    %dma_start3A_67 = tpu.memref_squeeze %dma_start3A_66 : memref<1x128xi32, #tpu.memory_space<vmem>> -> memref<128xi32, #tpu.memory_space<vmem>>
    %dma_start3A_68 = arith.constant 0 : i32
    %dma_start3A_69 = tpu.memref_slice %arg3[%arg0, %arg1, %dma_start3A_57, %dma_start3A_68] : memref<2x16x107x128xi32, #tpu.memory_space<hbm>> -> memref<1x1x1x128xi32, #tpu.memory_space<hbm>>
    %dma_start3A_70 = tpu.memref_squeeze %dma_start3A_69 : memref<1x1x1x128xi32, #tpu.memory_space<hbm>> -> memref<128xi32, #tpu.memory_space<hbm>>
    tpu.enqueue_dma source(%dma_start3A_70 : memref<128xi32, #tpu.memory_space<hbm>>) target(%dma_start3A_67 : memref<128xi32, #tpu.memory_space<vmem>>) target_semaphore(%arg10 : memref<!tpu.dma_semaphore, #tpu.memory_space<semaphore_mem>>)
    %dma_start3A_71 = arith.constant 1 : i32
    %dma_start3A_72 = arith.constant 1 : i32
    %dma_start3A_73 = arith.constant 0 : i32
    %dma_start3A_74 = tpu.memref_slice %arg7[%dma_start3A_72, %dma_start3A_73] : memref<4x128xi32, #tpu.memory_space<vmem>> -> memref<1x128xi32, #tpu.memory_space<vmem>>
    %dma_start3A_75 = tpu.memref_squeeze %dma_start3A_74 : memref<1x128xi32, #tpu.memory_space<vmem>> -> memref<128xi32, #tpu.memory_space<vmem>>
    %dma_start3A_76 = arith.constant 0 : i32
    %dma_start3A_77 = tpu.memref_slice %arg4[%arg0, %arg1, %dma_start3A_71, %dma_start3A_76] : memref<2x16x107x128xi32, #tpu.memory_space<hbm>> -> memref<1x1x1x128xi32, #tpu.memory_space<hbm>>
    %dma_start3A_78 = tpu.memref_squeeze %dma_start3A_77 : memref<1x1x1x128xi32, #tpu.memory_space<hbm>> -> memref<128xi32, #tpu.memory_space<hbm>>
    %dma_start3A_79 = arith.constant 0 : i32
    %dma_start3A_80 = tpu.memref_slice %arg7[%dma_start3A_72, %dma_start3A_79] : memref<4x128xi32, #tpu.memory_space<vmem>> -> memref<1x128xi32, #tpu.memory_space<vmem>>
    %dma_start3A_81 = tpu.memref_squeeze %dma_start3A_80 : memref<1x128xi32, #tpu.memory_space<vmem>> -> memref<128xi32, #tpu.memory_space<vmem>>
    %dma_start3A_82 = arith.constant 0 : i32
    %dma_start3A_83 = tpu.memref_slice %arg4[%arg0, %arg1, %dma_start3A_71, %dma_start3A_82] : memref<2x16x107x128xi32, #tpu.memory_space<hbm>> -> memref<1x1x1x128xi32, #tpu.memory_space<hbm>>
    %dma_start3A_84 = tpu.memref_squeeze %dma_start3A_83 : memref<1x1x1x128xi32, #tpu.memory_space<hbm>> -> memref<128xi32, #tpu.memory_space<hbm>>
    tpu.enqueue_dma source(%dma_start3A_84 : memref<128xi32, #tpu.memory_space<hbm>>) target(%dma_start3A_81 : memref<128xi32, #tpu.memory_space<vmem>>) target_semaphore(%arg10 : memref<!tpu.dma_semaphore, #tpu.memory_space<semaphore_mem>>)
    %dma_wait3A = arith.constant 0 : i32
    %dma_wait3A_85 = arith.constant 0 : i32
    %dma_wait3A_86 = arith.constant 0 : i32
    %dma_wait3A_87 = tpu.memref_slice %arg6[%dma_wait3A_85, %dma_wait3A_86] : memref<4x128xi32, #tpu.memory_space<vmem>> -> memref<1x128xi32, #tpu.memory_space<vmem>>
    %dma_wait3A_88 = tpu.memref_squeeze %dma_wait3A_87 : memref<1x128xi32, #tpu.memory_space<vmem>> -> memref<128xi32, #tpu.memory_space<vmem>>
    %dma_wait3A_89 = arith.constant 0 : i32
    %dma_wait3A_90 = tpu.memref_slice %arg3[%arg0, %arg1, %dma_wait3A, %dma_wait3A_89] : memref<2x16x107x128xi32, #tpu.memory_space<hbm>> -> memref<1x1x1x128xi32, #tpu.memory_space<hbm>>
    %dma_wait3A_91 = tpu.memref_squeeze %dma_wait3A_90 : memref<1x1x1x128xi32, #tpu.memory_space<hbm>> -> memref<128xi32, #tpu.memory_space<hbm>>
    %dma_wait3A_92 = arith.constant 0 : i32
    %dma_wait3A_93 = tpu.memref_slice %arg6[%dma_wait3A_85, %dma_wait3A_92] : memref<4x128xi32, #tpu.memory_space<vmem>> -> memref<1x128xi32, #tpu.memory_space<vmem>>
    %dma_wait3A_94 = tpu.memref_squeeze %dma_wait3A_93 : memref<1x128xi32, #tpu.memory_space<vmem>> -> memref<128xi32, #tpu.memory_space<vmem>>
    %dma_wait3A_95 = arith.constant 0 : i32
    %dma_wait3A_96 = tpu.memref_slice %arg3[%arg0, %arg1, %dma_wait3A, %dma_wait3A_95] : memref<2x16x107x128xi32, #tpu.memory_space<hbm>> -> memref<1x1x1x128xi32, #tpu.memory_space<hbm>>
    %dma_wait3A_97 = tpu.memref_squeeze %dma_wait3A_96 : memref<1x1x1x128xi32, #tpu.memory_space<hbm>> -> memref<128xi32, #tpu.memory_space<hbm>>
    tpu.wait_dma2 semaphore(%arg10 : memref<!tpu.dma_semaphore, #tpu.memory_space<semaphore_mem>>) src(%dma_wait3A_97 : memref<128xi32, #tpu.memory_space<hbm>>) dst(%dma_wait3A_94 : memref<128xi32, #tpu.memory_space<vmem>>)
    %dma_wait3A_98 = arith.constant 0 : i32
    %dma_wait3A_99 = arith.constant 0 : i32
    %dma_wait3A_100 = arith.constant 0 : i32
    %dma_wait3A_101 = tpu.memref_slice %arg7[%dma_wait3A_99, %dma_wait3A_100] : memref<4x128xi32, #tpu.memory_space<vmem>> -> memref<1x128xi32, #tpu.memory_space<vmem>>
    %dma_wait3A_102 = tpu.memref_squeeze %dma_wait3A_101 : memref<1x128xi32, #tpu.memory_space<vmem>> -> memref<128xi32, #tpu.memory_space<vmem>>
    %dma_wait3A_103 = arith.constant 0 : i32
    %dma_wait3A_104 = tpu.memref_slice %arg4[%arg0, %arg1, %dma_wait3A_98, %dma_wait3A_103] : memref<2x16x107x128xi32, #tpu.memory_space<hbm>> -> memref<1x1x1x128xi32, #tpu.memory_space<hbm>>
    %dma_wait3A_105 = tpu.memref_squeeze %dma_wait3A_104 : memref<1x1x1x128xi32, #tpu.memory_space<hbm>> -> memref<128xi32, #tpu.memory_space<hbm>>
    %dma_wait3A_106 = arith.constant 0 : i32
    %dma_wait3A_107 = tpu.memref_slice %arg7[%dma_wait3A_99, %dma_wait3A_106] : memref<4x128xi32, #tpu.memory_space<vmem>> -> memref<1x128xi32, #tpu.memory_space<vmem>>
    %dma_wait3A_108 = tpu.memref_squeeze %dma_wait3A_107 : memref<1x128xi32, #tpu.memory_space<vmem>> -> memref<128xi32, #tpu.memory_space<vmem>>
    %dma_wait3A_109 = arith.constant 0 : i32
    %dma_wait3A_110 = tpu.memref_slice %arg4[%arg0, %arg1, %dma_wait3A_98, %dma_wait3A_109] : memref<2x16x107x128xi32, #tpu.memory_space<hbm>> -> memref<1x1x1x128xi32, #tpu.memory_space<hbm>>
    %dma_wait3A_111 = tpu.memref_squeeze %dma_wait3A_110 : memref<1x1x1x128xi32, #tpu.memory_space<hbm>> -> memref<128xi32, #tpu.memory_space<hbm>>
    tpu.wait_dma2 semaphore(%arg10 : memref<!tpu.dma_semaphore, #tpu.memory_space<semaphore_mem>>) src(%dma_wait3A_111 : memref<128xi32, #tpu.memory_space<hbm>>) dst(%dma_wait3A_108 : memref<128xi32, #tpu.memory_space<vmem>>)
    %dma_start3A_112 = arith.constant 0 : i32
    %dma_start3A_113 = arith.constant 0 : i32
    %dma_start3A_114 = arith.constant 0 : i32
    %dma_start3A_115 = arith.constant 0 : i32
    %dma_start3A_116 = tpu.memref_slice %arg8[%dma_start3A_113, %dma_start3A_114, %dma_start3A_115] : memref<2x128x128xf32, #tpu.memory_space<vmem>> -> memref<1x128x128xf32, #tpu.memory_space<vmem>>
    %dma_start3A_117 = tpu.memref_squeeze %dma_start3A_116 : memref<1x128x128xf32, #tpu.memory_space<vmem>> -> memref<128x128xf32, #tpu.memory_space<vmem>>
    %dma_start3A_118 = arith.constant 0 : i32
    %dma_start3A_119 = tpu.memref_slice %arg6[%dma_start3A_112, %dma_start3A_118] : memref<4x128xi32, #tpu.memory_space<vmem>> -> memref<1x128xi32, #tpu.memory_space<vmem>>
    %dma_start3A_120 = tpu.memref_squeeze %dma_start3A_119 : memref<1x128xi32, #tpu.memory_space<vmem>> -> memref<128xi32, #tpu.memory_space<vmem>>
    %dma_start3A_121 = arith.constant 0 : i32
    %dma_start3A_122 = arith.constant 0 : i32
    %dma_start3A_123 = tpu.memref_slice %arg2[%dma_start3A_121, %dma_start3A_122] : memref<10000x128xf32, #tpu.memory_space<hbm>> -> memref<10000x128xf32, #tpu.memory_space<hbm>>
    tpu.enqueue_indirect_dma source(%dma_start3A_123 : memref<10000x128xf32, #tpu.memory_space<hbm>>) target(%dma_start3A_117 : memref<128x128xf32, #tpu.memory_space<vmem>>) offsets(%dma_start3A_120 : memref<128xi32, #tpu.memory_space<vmem>>) semaphore(%arg11 : memref<!tpu.dma_semaphore, #tpu.memory_space<semaphore_mem>>)
    %while3A = arith.constant 0 : i32
    %while3A_124 = arith.constant 0 : i32
    %while3A_125 = arith.subi %select_n3A, %while3A_124 : i32
    %while3A_126 = arith.addi %while3A_124, %while3A_125 : i32
    %while3A_127 = arith.constant 1 : i32
    %while3A_128 = arith.divsi %while3A_125, %while3A_127 : i32
    %while3A_129 = arith.muli %while3A_128, %while3A_127 : i32
    %while3A_130 = arith.addi %while3A_124, %while3A_129 : i32
    %while3A_131 = arith.constant 1 : i32
    scf.for %while3A_178 = %while3A_124 to %while3A_130 step %while3A_131  : i32 {
      %jit3A_179 = arith.constant 2 : i32
      %eq3A_180 = arith.constant 0 : i32
      %eq3A_181 = arith.cmpi eq, %jit3A_179, %eq3A_180 : i32
      %jit3A_182 = arith.constant 1 : i32
      %select_n3A_183 = arith.select %eq3A_181, %jit3A_182, %jit3A_179 : i32
      %rem3A = arith.remsi %while3A_178, %select_n3A_183 : i32
      %ne3A = arith.constant 0 : i32
      %ne3A_184 = arith.cmpi ne, %rem3A, %ne3A : i32
      %lt3A = arith.constant 0 : i32
      %lt3A_185 = arith.cmpi slt, %rem3A, %lt3A : i32
      %lt3A_186 = arith.constant 0 : i32
      %lt3A_187 = arith.cmpi slt, %select_n3A_183, %lt3A_186 : i32
      %ne3A_188 = arith.xori %lt3A_185, %lt3A_187 : i1
      %and3A = arith.andi %ne3A_188, %ne3A_184 : i1
      %add3A_189 = arith.addi %rem3A, %select_n3A_183 : i32
      %select_n3A_190 = arith.select %and3A, %add3A_189, %rem3A : i32
      %jit3A_191 = arith.constant 4 : i32
      %eq3A_192 = arith.constant 0 : i32
      %eq3A_193 = arith.cmpi eq, %jit3A_191, %eq3A_192 : i32
      %jit3A_194 = arith.constant 1 : i32
      %select_n3A_195 = arith.select %eq3A_193, %jit3A_194, %jit3A_191 : i32
      %rem3A_196 = arith.remsi %while3A_178, %select_n3A_195 : i32
      %ne3A_197 = arith.constant 0 : i32
      %ne3A_198 = arith.cmpi ne, %rem3A_196, %ne3A_197 : i32
      %lt3A_199 = arith.constant 0 : i32
      %lt3A_200 = arith.cmpi slt, %rem3A_196, %lt3A_199 : i32
      %lt3A_201 = arith.constant 0 : i32
      %lt3A_202 = arith.cmpi slt, %select_n3A_195, %lt3A_201 : i32
      %ne3A_203 = arith.xori %lt3A_200, %lt3A_202 : i1
      %and3A_204 = arith.andi %ne3A_203, %ne3A_198 : i1
      %add3A_205 = arith.addi %rem3A_196, %select_n3A_195 : i32
      %select_n3A_206 = arith.select %and3A_204, %add3A_205, %rem3A_196 : i32
      %dma_wait3A_207 = arith.constant 0 : i32
      %dma_wait3A_208 = arith.constant 0 : i32
      %dma_wait3A_209 = tpu.memref_slice %arg8[%select_n3A_190, %dma_wait3A_207, %dma_wait3A_208] : memref<2x128x128xf32, #tpu.memory_space<vmem>> -> memref<1x128x128xf32, #tpu.memory_space<vmem>>
      %dma_wait3A_210 = tpu.memref_squeeze %dma_wait3A_209 : memref<1x128x128xf32, #tpu.memory_space<vmem>> -> memref<128x128xf32, #tpu.memory_space<vmem>>
      %dma_wait3A_211 = arith.constant 0 : i32
      %dma_wait3A_212 = tpu.memref_slice %arg6[%select_n3A_206, %dma_wait3A_211] : memref<4x128xi32, #tpu.memory_space<vmem>> -> memref<1x128xi32, #tpu.memory_space<vmem>>
      %dma_wait3A_213 = tpu.memref_squeeze %dma_wait3A_212 : memref<1x128xi32, #tpu.memory_space<vmem>> -> memref<128xi32, #tpu.memory_space<vmem>>
      %dma_wait3A_214 = arith.constant 0 : i32
      %dma_wait3A_215 = arith.constant 0 : i32
      %dma_wait3A_216 = tpu.memref_slice %arg2[%dma_wait3A_214, %dma_wait3A_215] : memref<10000x128xf32, #tpu.memory_space<hbm>> -> memref<10000x128xf32, #tpu.memory_space<hbm>>
      tpu.wait_indirect_dma semaphore(%arg11 : memref<!tpu.dma_semaphore, #tpu.memory_space<semaphore_mem>>) src(%dma_wait3A_216 : memref<10000x128xf32, #tpu.memory_space<hbm>>) dst(%dma_wait3A_210 : memref<128x128xf32, #tpu.memory_space<vmem>>)
      %add3A_217 = arith.constant 2 : i32
      %add3A_218 = arith.addi %while3A_178, %add3A_217 : i32
      %sub3A = arith.constant 1 : i32
      %sub3A_219 = arith.subi %select_n3A, %sub3A : i32
      %min3A = arith.minsi %add3A_218, %sub3A_219 : i32
      %add3A_220 = arith.constant 2 : i32
      %add3A_221 = arith.addi %while3A_178, %add3A_220 : i32
      %jit3A_222 = arith.constant 4 : i32
      %eq3A_223 = arith.constant 0 : i32
      %eq3A_224 = arith.cmpi eq, %jit3A_222, %eq3A_223 : i32
      %jit3A_225 = arith.constant 1 : i32
      %select_n3A_226 = arith.select %eq3A_224, %jit3A_225, %jit3A_222 : i32
      %rem3A_227 = arith.remsi %add3A_221, %select_n3A_226 : i32
      %ne3A_228 = arith.constant 0 : i32
      %ne3A_229 = arith.cmpi ne, %rem3A_227, %ne3A_228 : i32
      %lt3A_230 = arith.constant 0 : i32
      %lt3A_231 = arith.cmpi slt, %rem3A_227, %lt3A_230 : i32
      %lt3A_232 = arith.constant 0 : i32
      %lt3A_233 = arith.cmpi slt, %select_n3A_226, %lt3A_232 : i32
      %ne3A_234 = arith.xori %lt3A_231, %lt3A_233 : i1
      %and3A_235 = arith.andi %ne3A_234, %ne3A_229 : i1
      %add3A_236 = arith.addi %rem3A_227, %select_n3A_226 : i32
      %select_n3A_237 = arith.select %and3A_235, %add3A_236, %rem3A_227 : i32
      %dma_start3A_238 = arith.constant 0 : i32
      %dma_start3A_239 = tpu.memref_slice %arg6[%select_n3A_237, %dma_start3A_238] : memref<4x128xi32, #tpu.memory_space<vmem>> -> memref<1x128xi32, #tpu.memory_space<vmem>>
      %dma_start3A_240 = tpu.memref_squeeze %dma_start3A_239 : memref<1x128xi32, #tpu.memory_space<vmem>> -> memref<128xi32, #tpu.memory_space<vmem>>
      %dma_start3A_241 = arith.constant 0 : i32
      %dma_start3A_242 = tpu.memref_slice %arg3[%arg0, %arg1, %min3A, %dma_start3A_241] : memref<2x16x107x128xi32, #tpu.memory_space<hbm>> -> memref<1x1x1x128xi32, #tpu.memory_space<hbm>>
      %dma_start3A_243 = tpu.memref_squeeze %dma_start3A_242 : memref<1x1x1x128xi32, #tpu.memory_space<hbm>> -> memref<128xi32, #tpu.memory_space<hbm>>
      %dma_start3A_244 = arith.constant 0 : i32
      %dma_start3A_245 = tpu.memref_slice %arg6[%select_n3A_237, %dma_start3A_244] : memref<4x128xi32, #tpu.memory_space<vmem>> -> memref<1x128xi32, #tpu.memory_space<vmem>>
      %dma_start3A_246 = tpu.memref_squeeze %dma_start3A_245 : memref<1x128xi32, #tpu.memory_space<vmem>> -> memref<128xi32, #tpu.memory_space<vmem>>
      %dma_start3A_247 = arith.constant 0 : i32
      %dma_start3A_248 = tpu.memref_slice %arg3[%arg0, %arg1, %min3A, %dma_start3A_247] : memref<2x16x107x128xi32, #tpu.memory_space<hbm>> -> memref<1x1x1x128xi32, #tpu.memory_space<hbm>>
      %dma_start3A_249 = tpu.memref_squeeze %dma_start3A_248 : memref<1x1x1x128xi32, #tpu.memory_space<hbm>> -> memref<128xi32, #tpu.memory_space<hbm>>
      tpu.enqueue_dma source(%dma_start3A_249 : memref<128xi32, #tpu.memory_space<hbm>>) target(%dma_start3A_246 : memref<128xi32, #tpu.memory_space<vmem>>) target_semaphore(%arg10 : memref<!tpu.dma_semaphore, #tpu.memory_space<semaphore_mem>>)
      %add3A_250 = arith.constant 2 : i32
      %add3A_251 = arith.addi %while3A_178, %add3A_250 : i32
      %jit3A_252 = arith.constant 4 : i32
      %eq3A_253 = arith.constant 0 : i32
      %eq3A_254 = arith.cmpi eq, %jit3A_252, %eq3A_253 : i32
      %jit3A_255 = arith.constant 1 : i32
      %select_n3A_256 = arith.select %eq3A_254, %jit3A_255, %jit3A_252 : i32
      %rem3A_257 = arith.remsi %add3A_251, %select_n3A_256 : i32
      %ne3A_258 = arith.constant 0 : i32
      %ne3A_259 = arith.cmpi ne, %rem3A_257, %ne3A_258 : i32
      %lt3A_260 = arith.constant 0 : i32
      %lt3A_261 = arith.cmpi slt, %rem3A_257, %lt3A_260 : i32
      %lt3A_262 = arith.constant 0 : i32
      %lt3A_263 = arith.cmpi slt, %select_n3A_256, %lt3A_262 : i32
      %ne3A_264 = arith.xori %lt3A_261, %lt3A_263 : i1
      %and3A_265 = arith.andi %ne3A_264, %ne3A_259 : i1
      %add3A_266 = arith.addi %rem3A_257, %select_n3A_256 : i32
      %select_n3A_267 = arith.select %and3A_265, %add3A_266, %rem3A_257 : i32
      %dma_start3A_268 = arith.constant 0 : i32
      %dma_start3A_269 = tpu.memref_slice %arg7[%select_n3A_267, %dma_start3A_268] : memref<4x128xi32, #tpu.memory_space<vmem>> -> memref<1x128xi32, #tpu.memory_space<vmem>>
      %dma_start3A_270 = tpu.memref_squeeze %dma_start3A_269 : memref<1x128xi32, #tpu.memory_space<vmem>> -> memref<128xi32, #tpu.memory_space<vmem>>
      %dma_start3A_271 = arith.constant 0 : i32
      %dma_start3A_272 = tpu.memref_slice %arg4[%arg0, %arg1, %min3A, %dma_start3A_271] : memref<2x16x107x128xi32, #tpu.memory_space<hbm>> -> memref<1x1x1x128xi32, #tpu.memory_space<hbm>>
      %dma_start3A_273 = tpu.memref_squeeze %dma_start3A_272 : memref<1x1x1x128xi32, #tpu.memory_space<hbm>> -> memref<128xi32, #tpu.memory_space<hbm>>
      %dma_start3A_274 = arith.constant 0 : i32
      %dma_start3A_275 = tpu.memref_slice %arg7[%select_n3A_267, %dma_start3A_274] : memref<4x128xi32, #tpu.memory_space<vmem>> -> memref<1x128xi32, #tpu.memory_space<vmem>>
      %dma_start3A_276 = tpu.memref_squeeze %dma_start3A_275 : memref<1x128xi32, #tpu.memory_space<vmem>> -> memref<128xi32, #tpu.memory_space<vmem>>
      %dma_start3A_277 = arith.constant 0 : i32
      %dma_start3A_278 = tpu.memref_slice %arg4[%arg0, %arg1, %min3A, %dma_start3A_277] : memref<2x16x107x128xi32, #tpu.memory_space<hbm>> -> memref<1x1x1x128xi32, #tpu.memory_space<hbm>>
      %dma_start3A_279 = tpu.memref_squeeze %dma_start3A_278 : memref<1x1x1x128xi32, #tpu.memory_space<hbm>> -> memref<128xi32, #tpu.memory_space<hbm>>
      tpu.enqueue_dma source(%dma_start3A_279 : memref<128xi32, #tpu.memory_space<hbm>>) target(%dma_start3A_276 : memref<128xi32, #tpu.memory_space<vmem>>) target_semaphore(%arg10 : memref<!tpu.dma_semaphore, #tpu.memory_space<semaphore_mem>>)
      %add3A_280 = arith.constant 1 : i32
      %add3A_281 = arith.addi %while3A_178, %add3A_280 : i32
      %sub3A_282 = arith.constant 1 : i32
      %sub3A_283 = arith.subi %select_n3A, %sub3A_282 : i32
      %min3A_284 = arith.minsi %add3A_281, %sub3A_283 : i32
      %add3A_285 = arith.constant 1 : i32
      %add3A_286 = arith.addi %while3A_178, %add3A_285 : i32
      %jit3A_287 = arith.constant 4 : i32
      %eq3A_288 = arith.constant 0 : i32
      %eq3A_289 = arith.cmpi eq, %jit3A_287, %eq3A_288 : i32
      %jit3A_290 = arith.constant 1 : i32
      %select_n3A_291 = arith.select %eq3A_289, %jit3A_290, %jit3A_287 : i32
      %rem3A_292 = arith.remsi %add3A_286, %select_n3A_291 : i32
      %ne3A_293 = arith.constant 0 : i32
      %ne3A_294 = arith.cmpi ne, %rem3A_292, %ne3A_293 : i32
      %lt3A_295 = arith.constant 0 : i32
      %lt3A_296 = arith.cmpi slt, %rem3A_292, %lt3A_295 : i32
      %lt3A_297 = arith.constant 0 : i32
      %lt3A_298 = arith.cmpi slt, %select_n3A_291, %lt3A_297 : i32
      %ne3A_299 = arith.xori %lt3A_296, %lt3A_298 : i1
      %and3A_300 = arith.andi %ne3A_299, %ne3A_294 : i1
      %add3A_301 = arith.addi %rem3A_292, %select_n3A_291 : i32
      %select_n3A_302 = arith.select %and3A_300, %add3A_301, %rem3A_292 : i32
      %dma_wait3A_303 = arith.constant 0 : i32
      %dma_wait3A_304 = tpu.memref_slice %arg6[%select_n3A_302, %dma_wait3A_303] : memref<4x128xi32, #tpu.memory_space<vmem>> -> memref<1x128xi32, #tpu.memory_space<vmem>>
      %dma_wait3A_305 = tpu.memref_squeeze %dma_wait3A_304 : memref<1x128xi32, #tpu.memory_space<vmem>> -> memref<128xi32, #tpu.memory_space<vmem>>
      %dma_wait3A_306 = arith.constant 0 : i32
      %dma_wait3A_307 = tpu.memref_slice %arg3[%arg0, %arg1, %min3A_284, %dma_wait3A_306] : memref<2x16x107x128xi32, #tpu.memory_space<hbm>> -> memref<1x1x1x128xi32, #tpu.memory_space<hbm>>
      %dma_wait3A_308 = tpu.memref_squeeze %dma_wait3A_307 : memref<1x1x1x128xi32, #tpu.memory_space<hbm>> -> memref<128xi32, #tpu.memory_space<hbm>>
      %dma_wait3A_309 = arith.constant 0 : i32
      %dma_wait3A_310 = tpu.memref_slice %arg6[%select_n3A_302, %dma_wait3A_309] : memref<4x128xi32, #tpu.memory_space<vmem>> -> memref<1x128xi32, #tpu.memory_space<vmem>>
      %dma_wait3A_311 = tpu.memref_squeeze %dma_wait3A_310 : memref<1x128xi32, #tpu.memory_space<vmem>> -> memref<128xi32, #tpu.memory_space<vmem>>
      %dma_wait3A_312 = arith.constant 0 : i32
      %dma_wait3A_313 = tpu.memref_slice %arg3[%arg0, %arg1, %min3A_284, %dma_wait3A_312] : memref<2x16x107x128xi32, #tpu.memory_space<hbm>> -> memref<1x1x1x128xi32, #tpu.memory_space<hbm>>
      %dma_wait3A_314 = tpu.memref_squeeze %dma_wait3A_313 : memref<1x1x1x128xi32, #tpu.memory_space<hbm>> -> memref<128xi32, #tpu.memory_space<hbm>>
      tpu.wait_dma2 semaphore(%arg10 : memref<!tpu.dma_semaphore, #tpu.memory_space<semaphore_mem>>) src(%dma_wait3A_314 : memref<128xi32, #tpu.memory_space<hbm>>) dst(%dma_wait3A_311 : memref<128xi32, #tpu.memory_space<vmem>>)
      %add3A_315 = arith.constant 1 : i32
      %add3A_316 = arith.addi %while3A_178, %add3A_315 : i32
      %jit3A_317 = arith.constant 4 : i32
      %eq3A_318 = arith.constant 0 : i32
      %eq3A_319 = arith.cmpi eq, %jit3A_317, %eq3A_318 : i32
      %jit3A_320 = arith.constant 1 : i32
      %select_n3A_321 = arith.select %eq3A_319, %jit3A_320, %jit3A_317 : i32
      %rem3A_322 = arith.remsi %add3A_316, %select_n3A_321 : i32
      %ne3A_323 = arith.constant 0 : i32
      %ne3A_324 = arith.cmpi ne, %rem3A_322, %ne3A_323 : i32
      %lt3A_325 = arith.constant 0 : i32
      %lt3A_326 = arith.cmpi slt, %rem3A_322, %lt3A_325 : i32
      %lt3A_327 = arith.constant 0 : i32
      %lt3A_328 = arith.cmpi slt, %select_n3A_321, %lt3A_327 : i32
      %ne3A_329 = arith.xori %lt3A_326, %lt3A_328 : i1
      %and3A_330 = arith.andi %ne3A_329, %ne3A_324 : i1
      %add3A_331 = arith.addi %rem3A_322, %select_n3A_321 : i32
      %select_n3A_332 = arith.select %and3A_330, %add3A_331, %rem3A_322 : i32
      %dma_wait3A_333 = arith.constant 0 : i32
      %dma_wait3A_334 = tpu.memref_slice %arg7[%select_n3A_332, %dma_wait3A_333] : memref<4x128xi32, #tpu.memory_space<vmem>> -> memref<1x128xi32, #tpu.memory_space<vmem>>
      %dma_wait3A_335 = tpu.memref_squeeze %dma_wait3A_334 : memref<1x128xi32, #tpu.memory_space<vmem>> -> memref<128xi32, #tpu.memory_space<vmem>>
      %dma_wait3A_336 = arith.constant 0 : i32
      %dma_wait3A_337 = tpu.memref_slice %arg4[%arg0, %arg1, %min3A_284, %dma_wait3A_336] : memref<2x16x107x128xi32, #tpu.memory_space<hbm>> -> memref<1x1x1x128xi32, #tpu.memory_space<hbm>>
      %dma_wait3A_338 = tpu.memref_squeeze %dma_wait3A_337 : memref<1x1x1x128xi32, #tpu.memory_space<hbm>> -> memref<128xi32, #tpu.memory_space<hbm>>
      %dma_wait3A_339 = arith.constant 0 : i32
      %dma_wait3A_340 = tpu.memref_slice %arg7[%select_n3A_332, %dma_wait3A_339] : memref<4x128xi32, #tpu.memory_space<vmem>> -> memref<1x128xi32, #tpu.memory_space<vmem>>
      %dma_wait3A_341 = tpu.memref_squeeze %dma_wait3A_340 : memref<1x128xi32, #tpu.memory_space<vmem>> -> memref<128xi32, #tpu.memory_space<vmem>>
      %dma_wait3A_342 = arith.constant 0 : i32
      %dma_wait3A_343 = tpu.memref_slice %arg4[%arg0, %arg1, %min3A_284, %dma_wait3A_342] : memref<2x16x107x128xi32, #tpu.memory_space<hbm>> -> memref<1x1x1x128xi32, #tpu.memory_space<hbm>>
      %dma_wait3A_344 = tpu.memref_squeeze %dma_wait3A_343 : memref<1x1x1x128xi32, #tpu.memory_space<hbm>> -> memref<128xi32, #tpu.memory_space<hbm>>
      tpu.wait_dma2 semaphore(%arg10 : memref<!tpu.dma_semaphore, #tpu.memory_space<semaphore_mem>>) src(%dma_wait3A_344 : memref<128xi32, #tpu.memory_space<hbm>>) dst(%dma_wait3A_341 : memref<128xi32, #tpu.memory_space<vmem>>)
      %add3A_345 = arith.constant 1 : i32
      %add3A_346 = arith.addi %while3A_178, %add3A_345 : i32
      %jit3A_347 = arith.constant 4 : i32
      %eq3A_348 = arith.constant 0 : i32
      %eq3A_349 = arith.cmpi eq, %jit3A_347, %eq3A_348 : i32
      %jit3A_350 = arith.constant 1 : i32
      %select_n3A_351 = arith.select %eq3A_349, %jit3A_350, %jit3A_347 : i32
      %rem3A_352 = arith.remsi %add3A_346, %select_n3A_351 : i32
      %ne3A_353 = arith.constant 0 : i32
      %ne3A_354 = arith.cmpi ne, %rem3A_352, %ne3A_353 : i32
      %lt3A_355 = arith.constant 0 : i32
      %lt3A_356 = arith.cmpi slt, %rem3A_352, %lt3A_355 : i32
      %lt3A_357 = arith.constant 0 : i32
      %lt3A_358 = arith.cmpi slt, %select_n3A_351, %lt3A_357 : i32
      %ne3A_359 = arith.xori %lt3A_356, %lt3A_358 : i1
      %and3A_360 = arith.andi %ne3A_359, %ne3A_354 : i1
      %add3A_361 = arith.addi %rem3A_352, %select_n3A_351 : i32
      %select_n3A_362 = arith.select %and3A_360, %add3A_361, %rem3A_352 : i32
      %add3A_363 = arith.constant 1 : i32
      %add3A_364 = arith.addi %while3A_178, %add3A_363 : i32
      %jit3A_365 = arith.constant 2 : i32
      %eq3A_366 = arith.constant 0 : i32
      %eq3A_367 = arith.cmpi eq, %jit3A_365, %eq3A_366 : i32
      %jit3A_368 = arith.constant 1 : i32
      %select_n3A_369 = arith.select %eq3A_367, %jit3A_368, %jit3A_365 : i32
      %rem3A_370 = arith.remsi %add3A_364, %select_n3A_369 : i32
      %ne3A_371 = arith.constant 0 : i32
      %ne3A_372 = arith.cmpi ne, %rem3A_370, %ne3A_371 : i32
      %lt3A_373 = arith.constant 0 : i32
      %lt3A_374 = arith.cmpi slt, %rem3A_370, %lt3A_373 : i32
      %lt3A_375 = arith.constant 0 : i32
      %lt3A_376 = arith.cmpi slt, %select_n3A_369, %lt3A_375 : i32
      %ne3A_377 = arith.xori %lt3A_374, %lt3A_376 : i1
      %and3A_378 = arith.andi %ne3A_377, %ne3A_372 : i1
      %add3A_379 = arith.addi %rem3A_370, %select_n3A_369 : i32
      %select_n3A_380 = arith.select %and3A_378, %add3A_379, %rem3A_370 : i32
      %dma_start3A_381 = arith.constant 0 : i32
      %dma_start3A_382 = arith.constant 0 : i32
      %dma_start3A_383 = tpu.memref_slice %arg8[%select_n3A_380, %dma_start3A_381, %dma_start3A_382] : memref<2x128x128xf32, #tpu.memory_space<vmem>> -> memref<1x128x128xf32, #tpu.memory_space<vmem>>
      %dma_start3A_384 = tpu.memref_squeeze %dma_start3A_383 : memref<1x128x128xf32, #tpu.memory_space<vmem>> -> memref<128x128xf32, #tpu.memory_space<vmem>>
      %dma_start3A_385 = arith.constant 0 : i32
      %dma_start3A_386 = tpu.memref_slice %arg6[%select_n3A_362, %dma_start3A_385] : memref<4x128xi32, #tpu.memory_space<vmem>> -> memref<1x128xi32, #tpu.memory_space<vmem>>
      %dma_start3A_387 = tpu.memref_squeeze %dma_start3A_386 : memref<1x128xi32, #tpu.memory_space<vmem>> -> memref<128xi32, #tpu.memory_space<vmem>>
      %dma_start3A_388 = arith.constant 0 : i32
      %dma_start3A_389 = arith.constant 0 : i32
      %dma_start3A_390 = tpu.memref_slice %arg2[%dma_start3A_388, %dma_start3A_389] : memref<10000x128xf32, #tpu.memory_space<hbm>> -> memref<10000x128xf32, #tpu.memory_space<hbm>>
      tpu.enqueue_indirect_dma source(%dma_start3A_390 : memref<10000x128xf32, #tpu.memory_space<hbm>>) target(%dma_start3A_384 : memref<128x128xf32, #tpu.memory_space<vmem>>) offsets(%dma_start3A_387 : memref<128xi32, #tpu.memory_space<vmem>>) semaphore(%arg11 : memref<!tpu.dma_semaphore, #tpu.memory_space<semaphore_mem>>)
      %jit3A_391 = arith.constant 4 : i32
      %eq3A_392 = arith.constant 0 : i32
      %eq3A_393 = arith.cmpi eq, %jit3A_391, %eq3A_392 : i32
      %jit3A_394 = arith.constant 1 : i32
      %select_n3A_395 = arith.select %eq3A_393, %jit3A_394, %jit3A_391 : i32
      %rem3A_396 = arith.remsi %while3A_178, %select_n3A_395 : i32
      %ne3A_397 = arith.constant 0 : i32
      %ne3A_398 = arith.cmpi ne, %rem3A_396, %ne3A_397 : i32
      %lt3A_399 = arith.constant 0 : i32
      %lt3A_400 = arith.cmpi slt, %rem3A_396, %lt3A_399 : i32
      %lt3A_401 = arith.constant 0 : i32
      %lt3A_402 = arith.cmpi slt, %select_n3A_395, %lt3A_401 : i32
      %ne3A_403 = arith.xori %lt3A_400, %lt3A_402 : i1
      %and3A_404 = arith.andi %ne3A_403, %ne3A_398 : i1
      %add3A_405 = arith.addi %rem3A_396, %select_n3A_395 : i32
      %select_n3A_406 = arith.select %and3A_404, %add3A_405, %rem3A_396 : i32
      "tpu.region"() ({
        %run_scoped3A_407 = tpu.sem_alloc : memref<!tpu.dma_semaphore, #tpu.memory_space<semaphore_mem>>
        %dma_start3A_408 = arith.constant 0 : i32
        %dma_start3A_409 = arith.constant 0 : i32
        %dma_start3A_410 = tpu.memref_slice %arg8[%select_n3A_190, %dma_start3A_408, %dma_start3A_409] : memref<2x128x128xf32, #tpu.memory_space<vmem>> -> memref<1x128x128xf32, #tpu.memory_space<vmem>>
        %dma_start3A_411 = tpu.memref_squeeze %dma_start3A_410 : memref<1x128x128xf32, #tpu.memory_space<vmem>> -> memref<128x128xf32, #tpu.memory_space<vmem>>
        %dma_start3A_412 = arith.constant 0 : i32
        %dma_start3A_413 = tpu.memref_slice %arg7[%select_n3A_406, %dma_start3A_412] : memref<4x128xi32, #tpu.memory_space<vmem>> -> memref<1x128xi32, #tpu.memory_space<vmem>>
        %dma_start3A_414 = tpu.memref_squeeze %dma_start3A_413 : memref<1x128xi32, #tpu.memory_space<vmem>> -> memref<128xi32, #tpu.memory_space<vmem>>
        %dma_start3A_415 = arith.constant 0 : i32
        %dma_start3A_416 = arith.constant 0 : i32
        %dma_start3A_417 = tpu.memref_slice %arg9[%dma_start3A_415, %dma_start3A_416] : memref<10112x128xf32, #tpu.memory_space<vmem_shared>> -> memref<10112x128xf32, #tpu.memory_space<vmem_shared>>
        tpu.enqueue_indirect_dma source(%dma_start3A_411 : memref<128x128xf32, #tpu.memory_space<vmem>>) target(%dma_start3A_417 : memref<10112x128xf32, #tpu.memory_space<vmem_shared>>) offsets(%dma_start3A_414 : memref<128xi32, #tpu.memory_space<vmem>>) semaphore(%run_scoped3A_407 : memref<!tpu.dma_semaphore, #tpu.memory_space<semaphore_mem>>) {add = true}
        %dma_wait3A_418 = arith.constant 0 : i32
        %dma_wait3A_419 = arith.constant 0 : i32
        %dma_wait3A_420 = tpu.memref_slice %arg8[%select_n3A_190, %dma_wait3A_418, %dma_wait3A_419] : memref<2x128x128xf32, #tpu.memory_space<vmem>> -> memref<1x128x128xf32, #tpu.memory_space<vmem>>
        %dma_wait3A_421 = tpu.memref_squeeze %dma_wait3A_420 : memref<1x128x128xf32, #tpu.memory_space<vmem>> -> memref<128x128xf32, #tpu.memory_space<vmem>>
        %dma_wait3A_422 = arith.constant 0 : i32
        %dma_wait3A_423 = tpu.memref_slice %arg7[%select_n3A_406, %dma_wait3A_422] : memref<4x128xi32, #tpu.memory_space<vmem>> -> memref<1x128xi32, #tpu.memory_space<vmem>>
        %dma_wait3A_424 = tpu.memref_squeeze %dma_wait3A_423 : memref<1x128xi32, #tpu.memory_space<vmem>> -> memref<128xi32, #tpu.memory_space<vmem>>
        %dma_wait3A_425 = arith.constant 0 : i32
        %dma_wait3A_426 = arith.constant 0 : i32
        %dma_wait3A_427 = tpu.memref_slice %arg9[%dma_wait3A_425, %dma_wait3A_426] : memref<10112x128xf32, #tpu.memory_space<vmem_shared>> -> memref<10112x128xf32, #tpu.memory_space<vmem_shared>>
        tpu.wait_indirect_dma semaphore(%run_scoped3A_407 : memref<!tpu.dma_semaphore, #tpu.memory_space<semaphore_mem>>) src(%dma_wait3A_421 : memref<128x128xf32, #tpu.memory_space<vmem>>) dst(%dma_wait3A_427 : memref<10112x128xf32, #tpu.memory_space<vmem_shared>>)
        tpu.yield
      }) : () -> ()
    }
    %while3A_132 = arith.constant 1 : i32
    scf.for %while3A_178 = %while3A_130 to %while3A_126 step %while3A_132  : i32 {
      %jit3A_179 = arith.constant 2 : i32
      %eq3A_180 = arith.constant 0 : i32
      %eq3A_181 = arith.cmpi eq, %jit3A_179, %eq3A_180 : i32
      %jit3A_182 = arith.constant 1 : i32
      %select_n3A_183 = arith.select %eq3A_181, %jit3A_182, %jit3A_179 : i32
      %rem3A = arith.remsi %while3A_178, %select_n3A_183 : i32
      %ne3A = arith.constant 0 : i32
      %ne3A_184 = arith.cmpi ne, %rem3A, %ne3A : i32
      %lt3A = arith.constant 0 : i32
      %lt3A_185 = arith.cmpi slt, %rem3A, %lt3A : i32
      %lt3A_186 = arith.constant 0 : i32
      %lt3A_187 = arith.cmpi slt, %select_n3A_183, %lt3A_186 : i32
      %ne3A_188 = arith.xori %lt3A_185, %lt3A_187 : i1
      %and3A = arith.andi %ne3A_188, %ne3A_184 : i1
      %add3A_189 = arith.addi %rem3A, %select_n3A_183 : i32
      %select_n3A_190 = arith.select %and3A, %add3A_189, %rem3A : i32
      %jit3A_191 = arith.constant 4 : i32
      %eq3A_192 = arith.constant 0 : i32
      %eq3A_193 = arith.cmpi eq, %jit3A_191, %eq3A_192 : i32
      %jit3A_194 = arith.constant 1 : i32
      %select_n3A_195 = arith.select %eq3A_193, %jit3A_194, %jit3A_191 : i32
      %rem3A_196 = arith.remsi %while3A_178, %select_n3A_195 : i32
      %ne3A_197 = arith.constant 0 : i32
      %ne3A_198 = arith.cmpi ne, %rem3A_196, %ne3A_197 : i32
      %lt3A_199 = arith.constant 0 : i32
      %lt3A_200 = arith.cmpi slt, %rem3A_196, %lt3A_199 : i32
      %lt3A_201 = arith.constant 0 : i32
      %lt3A_202 = arith.cmpi slt, %select_n3A_195, %lt3A_201 : i32
      %ne3A_203 = arith.xori %lt3A_200, %lt3A_202 : i1
      %and3A_204 = arith.andi %ne3A_203, %ne3A_198 : i1
      %add3A_205 = arith.addi %rem3A_196, %select_n3A_195 : i32
      %select_n3A_206 = arith.select %and3A_204, %add3A_205, %rem3A_196 : i32
      %dma_wait3A_207 = arith.constant 0 : i32
      %dma_wait3A_208 = arith.constant 0 : i32
      %dma_wait3A_209 = tpu.memref_slice %arg8[%select_n3A_190, %dma_wait3A_207, %dma_wait3A_208] : memref<2x128x128xf32, #tpu.memory_space<vmem>> -> memref<1x128x128xf32, #tpu.memory_space<vmem>>
      %dma_wait3A_210 = tpu.memref_squeeze %dma_wait3A_209 : memref<1x128x128xf32, #tpu.memory_space<vmem>> -> memref<128x128xf32, #tpu.memory_space<vmem>>
      %dma_wait3A_211 = arith.constant 0 : i32
      %dma_wait3A_212 = tpu.memref_slice %arg6[%select_n3A_206, %dma_wait3A_211] : memref<4x128xi32, #tpu.memory_space<vmem>> -> memref<1x128xi32, #tpu.memory_space<vmem>>
      %dma_wait3A_213 = tpu.memref_squeeze %dma_wait3A_212 : memref<1x128xi32, #tpu.memory_space<vmem>> -> memref<128xi32, #tpu.memory_space<vmem>>
      %dma_wait3A_214 = arith.constant 0 : i32
      %dma_wait3A_215 = arith.constant 0 : i32
      %dma_wait3A_216 = tpu.memref_slice %arg2[%dma_wait3A_214, %dma_wait3A_215] : memref<10000x128xf32, #tpu.memory_space<hbm>> -> memref<10000x128xf32, #tpu.memory_space<hbm>>
      tpu.wait_indirect_dma semaphore(%arg11 : memref<!tpu.dma_semaphore, #tpu.memory_space<semaphore_mem>>) src(%dma_wait3A_216 : memref<10000x128xf32, #tpu.memory_space<hbm>>) dst(%dma_wait3A_210 : memref<128x128xf32, #tpu.memory_space<vmem>>)
      %add3A_217 = arith.constant 2 : i32
      %add3A_218 = arith.addi %while3A_178, %add3A_217 : i32
      %sub3A = arith.constant 1 : i32
      %sub3A_219 = arith.subi %select_n3A, %sub3A : i32
      %min3A = arith.minsi %add3A_218, %sub3A_219 : i32
      %add3A_220 = arith.constant 2 : i32
      %add3A_221 = arith.addi %while3A_178, %add3A_220 : i32
      %jit3A_222 = arith.constant 4 : i32
      %eq3A_223 = arith.constant 0 : i32
      %eq3A_224 = arith.cmpi eq, %jit3A_222, %eq3A_223 : i32
      %jit3A_225 = arith.constant 1 : i32
      %select_n3A_226 = arith.select %eq3A_224, %jit3A_225, %jit3A_222 : i32
      %rem3A_227 = arith.remsi %add3A_221, %select_n3A_226 : i32
      %ne3A_228 = arith.constant 0 : i32
      %ne3A_229 = arith.cmpi ne, %rem3A_227, %ne3A_228 : i32
      %lt3A_230 = arith.constant 0 : i32
      %lt3A_231 = arith.cmpi slt, %rem3A_227, %lt3A_230 : i32
      %lt3A_232 = arith.constant 0 : i32
      %lt3A_233 = arith.cmpi slt, %select_n3A_226, %lt3A_232 : i32
      %ne3A_234 = arith.xori %lt3A_231, %lt3A_233 : i1
      %and3A_235 = arith.andi %ne3A_234, %ne3A_229 : i1
      %add3A_236 = arith.addi %rem3A_227, %select_n3A_226 : i32
      %select_n3A_237 = arith.select %and3A_235, %add3A_236, %rem3A_227 : i32
      %dma_start3A_238 = arith.constant 0 : i32
      %dma_start3A_239 = tpu.memref_slice %arg6[%select_n3A_237, %dma_start3A_238] : memref<4x128xi32, #tpu.memory_space<vmem>> -> memref<1x128xi32, #tpu.memory_space<vmem>>
      %dma_start3A_240 = tpu.memref_squeeze %dma_start3A_239 : memref<1x128xi32, #tpu.memory_space<vmem>> -> memref<128xi32, #tpu.memory_space<vmem>>
      %dma_start3A_241 = arith.constant 0 : i32
      %dma_start3A_242 = tpu.memref_slice %arg3[%arg0, %arg1, %min3A, %dma_start3A_241] : memref<2x16x107x128xi32, #tpu.memory_space<hbm>> -> memref<1x1x1x128xi32, #tpu.memory_space<hbm>>
      %dma_start3A_243 = tpu.memref_squeeze %dma_start3A_242 : memref<1x1x1x128xi32, #tpu.memory_space<hbm>> -> memref<128xi32, #tpu.memory_space<hbm>>
      %dma_start3A_244 = arith.constant 0 : i32
      %dma_start3A_245 = tpu.memref_slice %arg6[%select_n3A_237, %dma_start3A_244] : memref<4x128xi32, #tpu.memory_space<vmem>> -> memref<1x128xi32, #tpu.memory_space<vmem>>
      %dma_start3A_246 = tpu.memref_squeeze %dma_start3A_245 : memref<1x128xi32, #tpu.memory_space<vmem>> -> memref<128xi32, #tpu.memory_space<vmem>>
      %dma_start3A_247 = arith.constant 0 : i32
      %dma_start3A_248 = tpu.memref_slice %arg3[%arg0, %arg1, %min3A, %dma_start3A_247] : memref<2x16x107x128xi32, #tpu.memory_space<hbm>> -> memref<1x1x1x128xi32, #tpu.memory_space<hbm>>
      %dma_start3A_249 = tpu.memref_squeeze %dma_start3A_248 : memref<1x1x1x128xi32, #tpu.memory_space<hbm>> -> memref<128xi32, #tpu.memory_space<hbm>>
      tpu.enqueue_dma source(%dma_start3A_249 : memref<128xi32, #tpu.memory_space<hbm>>) target(%dma_start3A_246 : memref<128xi32, #tpu.memory_space<vmem>>) target_semaphore(%arg10 : memref<!tpu.dma_semaphore, #tpu.memory_space<semaphore_mem>>)
      %add3A_250 = arith.constant 2 : i32
      %add3A_251 = arith.addi %while3A_178, %add3A_250 : i32
      %jit3A_252 = arith.constant 4 : i32
      %eq3A_253 = arith.constant 0 : i32
      %eq3A_254 = arith.cmpi eq, %jit3A_252, %eq3A_253 : i32
      %jit3A_255 = arith.constant 1 : i32
      %select_n3A_256 = arith.select %eq3A_254, %jit3A_255, %jit3A_252 : i32
      %rem3A_257 = arith.remsi %add3A_251, %select_n3A_256 : i32
      %ne3A_258 = arith.constant 0 : i32
      %ne3A_259 = arith.cmpi ne, %rem3A_257, %ne3A_258 : i32
      %lt3A_260 = arith.constant 0 : i32
      %lt3A_261 = arith.cmpi slt, %rem3A_257, %lt3A_260 : i32
      %lt3A_262 = arith.constant 0 : i32
      %lt3A_263 = arith.cmpi slt, %select_n3A_256, %lt3A_262 : i32
      %ne3A_264 = arith.xori %lt3A_261, %lt3A_263 : i1
      %and3A_265 = arith.andi %ne3A_264, %ne3A_259 : i1
      %add3A_266 = arith.addi %rem3A_257, %select_n3A_256 : i32
      %select_n3A_267 = arith.select %and3A_265, %add3A_266, %rem3A_257 : i32
      %dma_start3A_268 = arith.constant 0 : i32
      %dma_start3A_269 = tpu.memref_slice %arg7[%select_n3A_267, %dma_start3A_268] : memref<4x128xi32, #tpu.memory_space<vmem>> -> memref<1x128xi32, #tpu.memory_space<vmem>>
      %dma_start3A_270 = tpu.memref_squeeze %dma_start3A_269 : memref<1x128xi32, #tpu.memory_space<vmem>> -> memref<128xi32, #tpu.memory_space<vmem>>
      %dma_start3A_271 = arith.constant 0 : i32
      %dma_start3A_272 = tpu.memref_slice %arg4[%arg0, %arg1, %min3A, %dma_start3A_271] : memref<2x16x107x128xi32, #tpu.memory_space<hbm>> -> memref<1x1x1x128xi32, #tpu.memory_space<hbm>>
      %dma_start3A_273 = tpu.memref_squeeze %dma_start3A_272 : memref<1x1x1x128xi32, #tpu.memory_space<hbm>> -> memref<128xi32, #tpu.memory_space<hbm>>
      %dma_start3A_274 = arith.constant 0 : i32
      %dma_start3A_275 = tpu.memref_slice %arg7[%select_n3A_267, %dma_start3A_274] : memref<4x128xi32, #tpu.memory_space<vmem>> -> memref<1x128xi32, #tpu.memory_space<vmem>>
      %dma_start3A_276 = tpu.memref_squeeze %dma_start3A_275 : memref<1x128xi32, #tpu.memory_space<vmem>> -> memref<128xi32, #tpu.memory_space<vmem>>
      %dma_start3A_277 = arith.constant 0 : i32
      %dma_start3A_278 = tpu.memref_slice %arg4[%arg0, %arg1, %min3A, %dma_start3A_277] : memref<2x16x107x128xi32, #tpu.memory_space<hbm>> -> memref<1x1x1x128xi32, #tpu.memory_space<hbm>>
      %dma_start3A_279 = tpu.memref_squeeze %dma_start3A_278 : memref<1x1x1x128xi32, #tpu.memory_space<hbm>> -> memref<128xi32, #tpu.memory_space<hbm>>
      tpu.enqueue_dma source(%dma_start3A_279 : memref<128xi32, #tpu.memory_space<hbm>>) target(%dma_start3A_276 : memref<128xi32, #tpu.memory_space<vmem>>) target_semaphore(%arg10 : memref<!tpu.dma_semaphore, #tpu.memory_space<semaphore_mem>>)
      %add3A_280 = arith.constant 1 : i32
      %add3A_281 = arith.addi %while3A_178, %add3A_280 : i32
      %sub3A_282 = arith.constant 1 : i32
      %sub3A_283 = arith.subi %select_n3A, %sub3A_282 : i32
      %min3A_284 = arith.minsi %add3A_281, %sub3A_283 : i32
      %add3A_285 = arith.constant 1 : i32
      %add3A_286 = arith.addi %while3A_178, %add3A_285 : i32
      %jit3A_287 = arith.constant 4 : i32
      %eq3A_288 = arith.constant 0 : i32
      %eq3A_289 = arith.cmpi eq, %jit3A_287, %eq3A_288 : i32
      %jit3A_290 = arith.constant 1 : i32
      %select_n3A_291 = arith.select %eq3A_289, %jit3A_290, %jit3A_287 : i32
      %rem3A_292 = arith.remsi %add3A_286, %select_n3A_291 : i32
      %ne3A_293 = arith.constant 0 : i32
      %ne3A_294 = arith.cmpi ne, %rem3A_292, %ne3A_293 : i32
      %lt3A_295 = arith.constant 0 : i32
      %lt3A_296 = arith.cmpi slt, %rem3A_292, %lt3A_295 : i32
      %lt3A_297 = arith.constant 0 : i32
      %lt3A_298 = arith.cmpi slt, %select_n3A_291, %lt3A_297 : i32
      %ne3A_299 = arith.xori %lt3A_296, %lt3A_298 : i1
      %and3A_300 = arith.andi %ne3A_299, %ne3A_294 : i1
      %add3A_301 = arith.addi %rem3A_292, %select_n3A_291 : i32
      %select_n3A_302 = arith.select %and3A_300, %add3A_301, %rem3A_292 : i32
      %dma_wait3A_303 = arith.constant 0 : i32
      %dma_wait3A_304 = tpu.memref_slice %arg6[%select_n3A_302, %dma_wait3A_303] : memref<4x128xi32, #tpu.memory_space<vmem>> -> memref<1x128xi32, #tpu.memory_space<vmem>>
      %dma_wait3A_305 = tpu.memref_squeeze %dma_wait3A_304 : memref<1x128xi32, #tpu.memory_space<vmem>> -> memref<128xi32, #tpu.memory_space<vmem>>
      %dma_wait3A_306 = arith.constant 0 : i32
      %dma_wait3A_307 = tpu.memref_slice %arg3[%arg0, %arg1, %min3A_284, %dma_wait3A_306] : memref<2x16x107x128xi32, #tpu.memory_space<hbm>> -> memref<1x1x1x128xi32, #tpu.memory_space<hbm>>
      %dma_wait3A_308 = tpu.memref_squeeze %dma_wait3A_307 : memref<1x1x1x128xi32, #tpu.memory_space<hbm>> -> memref<128xi32, #tpu.memory_space<hbm>>
      %dma_wait3A_309 = arith.constant 0 : i32
      %dma_wait3A_310 = tpu.memref_slice %arg6[%select_n3A_302, %dma_wait3A_309] : memref<4x128xi32, #tpu.memory_space<vmem>> -> memref<1x128xi32, #tpu.memory_space<vmem>>
      %dma_wait3A_311 = tpu.memref_squeeze %dma_wait3A_310 : memref<1x128xi32, #tpu.memory_space<vmem>> -> memref<128xi32, #tpu.memory_space<vmem>>
      %dma_wait3A_312 = arith.constant 0 : i32
      %dma_wait3A_313 = tpu.memref_slice %arg3[%arg0, %arg1, %min3A_284, %dma_wait3A_312] : memref<2x16x107x128xi32, #tpu.memory_space<hbm>> -> memref<1x1x1x128xi32, #tpu.memory_space<hbm>>
      %dma_wait3A_314 = tpu.memref_squeeze %dma_wait3A_313 : memref<1x1x1x128xi32, #tpu.memory_space<hbm>> -> memref<128xi32, #tpu.memory_space<hbm>>
      tpu.wait_dma2 semaphore(%arg10 : memref<!tpu.dma_semaphore, #tpu.memory_space<semaphore_mem>>) src(%dma_wait3A_314 : memref<128xi32, #tpu.memory_space<hbm>>) dst(%dma_wait3A_311 : memref<128xi32, #tpu.memory_space<vmem>>)
      %add3A_315 = arith.constant 1 : i32
      %add3A_316 = arith.addi %while3A_178, %add3A_315 : i32
      %jit3A_317 = arith.constant 4 : i32
      %eq3A_318 = arith.constant 0 : i32
      %eq3A_319 = arith.cmpi eq, %jit3A_317, %eq3A_318 : i32
      %jit3A_320 = arith.constant 1 : i32
      %select_n3A_321 = arith.select %eq3A_319, %jit3A_320, %jit3A_317 : i32
      %rem3A_322 = arith.remsi %add3A_316, %select_n3A_321 : i32
      %ne3A_323 = arith.constant 0 : i32
      %ne3A_324 = arith.cmpi ne, %rem3A_322, %ne3A_323 : i32
      %lt3A_325 = arith.constant 0 : i32
      %lt3A_326 = arith.cmpi slt, %rem3A_322, %lt3A_325 : i32
      %lt3A_327 = arith.constant 0 : i32
      %lt3A_328 = arith.cmpi slt, %select_n3A_321, %lt3A_327 : i32
      %ne3A_329 = arith.xori %lt3A_326, %lt3A_328 : i1
      %and3A_330 = arith.andi %ne3A_329, %ne3A_324 : i1
      %add3A_331 = arith.addi %rem3A_322, %select_n3A_321 : i32
      %select_n3A_332 = arith.select %and3A_330, %add3A_331, %rem3A_322 : i32
      %dma_wait3A_333 = arith.constant 0 : i32
      %dma_wait3A_334 = tpu.memref_slice %arg7[%select_n3A_332, %dma_wait3A_333] : memref<4x128xi32, #tpu.memory_space<vmem>> -> memref<1x128xi32, #tpu.memory_space<vmem>>
      %dma_wait3A_335 = tpu.memref_squeeze %dma_wait3A_334 : memref<1x128xi32, #tpu.memory_space<vmem>> -> memref<128xi32, #tpu.memory_space<vmem>>
      %dma_wait3A_336 = arith.constant 0 : i32
      %dma_wait3A_337 = tpu.memref_slice %arg4[%arg0, %arg1, %min3A_284, %dma_wait3A_336] : memref<2x16x107x128xi32, #tpu.memory_space<hbm>> -> memref<1x1x1x128xi32, #tpu.memory_space<hbm>>
      %dma_wait3A_338 = tpu.memref_squeeze %dma_wait3A_337 : memref<1x1x1x128xi32, #tpu.memory_space<hbm>> -> memref<128xi32, #tpu.memory_space<hbm>>
      %dma_wait3A_339 = arith.constant 0 : i32
      %dma_wait3A_340 = tpu.memref_slice %arg7[%select_n3A_332, %dma_wait3A_339] : memref<4x128xi32, #tpu.memory_space<vmem>> -> memref<1x128xi32, #tpu.memory_space<vmem>>
      %dma_wait3A_341 = tpu.memref_squeeze %dma_wait3A_340 : memref<1x128xi32, #tpu.memory_space<vmem>> -> memref<128xi32, #tpu.memory_space<vmem>>
      %dma_wait3A_342 = arith.constant 0 : i32
      %dma_wait3A_343 = tpu.memref_slice %arg4[%arg0, %arg1, %min3A_284, %dma_wait3A_342] : memref<2x16x107x128xi32, #tpu.memory_space<hbm>> -> memref<1x1x1x128xi32, #tpu.memory_space<hbm>>
      %dma_wait3A_344 = tpu.memref_squeeze %dma_wait3A_343 : memref<1x1x1x128xi32, #tpu.memory_space<hbm>> -> memref<128xi32, #tpu.memory_space<hbm>>
      tpu.wait_dma2 semaphore(%arg10 : memref<!tpu.dma_semaphore, #tpu.memory_space<semaphore_mem>>) src(%dma_wait3A_344 : memref<128xi32, #tpu.memory_space<hbm>>) dst(%dma_wait3A_341 : memref<128xi32, #tpu.memory_space<vmem>>)
      %add3A_345 = arith.constant 1 : i32
      %add3A_346 = arith.addi %while3A_178, %add3A_345 : i32
      %jit3A_347 = arith.constant 4 : i32
      %eq3A_348 = arith.constant 0 : i32
      %eq3A_349 = arith.cmpi eq, %jit3A_347, %eq3A_348 : i32
      %jit3A_350 = arith.constant 1 : i32
      %select_n3A_351 = arith.select %eq3A_349, %jit3A_350, %jit3A_347 : i32
      %rem3A_352 = arith.remsi %add3A_346, %select_n3A_351 : i32
      %ne3A_353 = arith.constant 0 : i32
      %ne3A_354 = arith.cmpi ne, %rem3A_352, %ne3A_353 : i32
      %lt3A_355 = arith.constant 0 : i32
      %lt3A_356 = arith.cmpi slt, %rem3A_352, %lt3A_355 : i32
      %lt3A_357 = arith.constant 0 : i32
      %lt3A_358 = arith.cmpi slt, %select_n3A_351, %lt3A_357 : i32
      %ne3A_359 = arith.xori %lt3A_356, %lt3A_358 : i1
      %and3A_360 = arith.andi %ne3A_359, %ne3A_354 : i1
      %add3A_361 = arith.addi %rem3A_352, %select_n3A_351 : i32
      %select_n3A_362 = arith.select %and3A_360, %add3A_361, %rem3A_352 : i32
      %add3A_363 = arith.constant 1 : i32
      %add3A_364 = arith.addi %while3A_178, %add3A_363 : i32
      %jit3A_365 = arith.constant 2 : i32
      %eq3A_366 = arith.constant 0 : i32
      %eq3A_367 = arith.cmpi eq, %jit3A_365, %eq3A_366 : i32
      %jit3A_368 = arith.constant 1 : i32
      %select_n3A_369 = arith.select %eq3A_367, %jit3A_368, %jit3A_365 : i32
      %rem3A_370 = arith.remsi %add3A_364, %select_n3A_369 : i32
      %ne3A_371 = arith.constant 0 : i32
      %ne3A_372 = arith.cmpi ne, %rem3A_370, %ne3A_371 : i32
      %lt3A_373 = arith.constant 0 : i32
      %lt3A_374 = arith.cmpi slt, %rem3A_370, %lt3A_373 : i32
      %lt3A_375 = arith.constant 0 : i32
      %lt3A_376 = arith.cmpi slt, %select_n3A_369, %lt3A_375 : i32
      %ne3A_377 = arith.xori %lt3A_374, %lt3A_376 : i1
      %and3A_378 = arith.andi %ne3A_377, %ne3A_372 : i1
      %add3A_379 = arith.addi %rem3A_370, %select_n3A_369 : i32
      %select_n3A_380 = arith.select %and3A_378, %add3A_379, %rem3A_370 : i32
      %dma_start3A_381 = arith.constant 0 : i32
      %dma_start3A_382 = arith.constant 0 : i32
      %dma_start3A_383 = tpu.memref_slice %arg8[%select_n3A_380, %dma_start3A_381, %dma_start3A_382] : memref<2x128x128xf32, #tpu.memory_space<vmem>> -> memref<1x128x128xf32, #tpu.memory_space<vmem>>
      %dma_start3A_384 = tpu.memref_squeeze %dma_start3A_383 : memref<1x128x128xf32, #tpu.memory_space<vmem>> -> memref<128x128xf32, #tpu.memory_space<vmem>>
      %dma_start3A_385 = arith.constant 0 : i32
      %dma_start3A_386 = tpu.memref_slice %arg6[%select_n3A_362, %dma_start3A_385] : memref<4x128xi32, #tpu.memory_space<vmem>> -> memref<1x128xi32, #tpu.memory_space<vmem>>
      %dma_start3A_387 = tpu.memref_squeeze %dma_start3A_386 : memref<1x128xi32, #tpu.memory_space<vmem>> -> memref<128xi32, #tpu.memory_space<vmem>>
      %dma_start3A_388 = arith.constant 0 : i32
      %dma_start3A_389 = arith.constant 0 : i32
      %dma_start3A_390 = tpu.memref_slice %arg2[%dma_start3A_388, %dma_start3A_389] : memref<10000x128xf32, #tpu.memory_space<hbm>> -> memref<10000x128xf32, #tpu.memory_space<hbm>>
      tpu.enqueue_indirect_dma source(%dma_start3A_390 : memref<10000x128xf32, #tpu.memory_space<hbm>>) target(%dma_start3A_384 : memref<128x128xf32, #tpu.memory_space<vmem>>) offsets(%dma_start3A_387 : memref<128xi32, #tpu.memory_space<vmem>>) semaphore(%arg11 : memref<!tpu.dma_semaphore, #tpu.memory_space<semaphore_mem>>)
      %jit3A_391 = arith.constant 4 : i32
      %eq3A_392 = arith.constant 0 : i32
      %eq3A_393 = arith.cmpi eq, %jit3A_391, %eq3A_392 : i32
      %jit3A_394 = arith.constant 1 : i32
      %select_n3A_395 = arith.select %eq3A_393, %jit3A_394, %jit3A_391 : i32
      %rem3A_396 = arith.remsi %while3A_178, %select_n3A_395 : i32
      %ne3A_397 = arith.constant 0 : i32
      %ne3A_398 = arith.cmpi ne, %rem3A_396, %ne3A_397 : i32
      %lt3A_399 = arith.constant 0 : i32
      %lt3A_400 = arith.cmpi slt, %rem3A_396, %lt3A_399 : i32
      %lt3A_401 = arith.constant 0 : i32
      %lt3A_402 = arith.cmpi slt, %select_n3A_395, %lt3A_401 : i32
      %ne3A_403 = arith.xori %lt3A_400, %lt3A_402 : i1
      %and3A_404 = arith.andi %ne3A_403, %ne3A_398 : i1
      %add3A_405 = arith.addi %rem3A_396, %select_n3A_395 : i32
      %select_n3A_406 = arith.select %and3A_404, %add3A_405, %rem3A_396 : i32
      "tpu.region"() ({
        %run_scoped3A_407 = tpu.sem_alloc : memref<!tpu.dma_semaphore, #tpu.memory_space<semaphore_mem>>
        %dma_start3A_408 = arith.constant 0 : i32
        %dma_start3A_409 = arith.constant 0 : i32
        %dma_start3A_410 = tpu.memref_slice %arg8[%select_n3A_190, %dma_start3A_408, %dma_start3A_409] : memref<2x128x128xf32, #tpu.memory_space<vmem>> -> memref<1x128x128xf32, #tpu.memory_space<vmem>>
        %dma_start3A_411 = tpu.memref_squeeze %dma_start3A_410 : memref<1x128x128xf32, #tpu.memory_space<vmem>> -> memref<128x128xf32, #tpu.memory_space<vmem>>
        %dma_start3A_412 = arith.constant 0 : i32
        %dma_start3A_413 = tpu.memref_slice %arg7[%select_n3A_406, %dma_start3A_412] : memref<4x128xi32, #tpu.memory_space<vmem>> -> memref<1x128xi32, #tpu.memory_space<vmem>>
        %dma_start3A_414 = tpu.memref_squeeze %dma_start3A_413 : memref<1x128xi32, #tpu.memory_space<vmem>> -> memref<128xi32, #tpu.memory_space<vmem>>
        %dma_start3A_415 = arith.constant 0 : i32
        %dma_start3A_416 = arith.constant 0 : i32
        %dma_start3A_417 = tpu.memref_slice %arg9[%dma_start3A_415, %dma_start3A_416] : memref<10112x128xf32, #tpu.memory_space<vmem_shared>> -> memref<10112x128xf32, #tpu.memory_space<vmem_shared>>
        tpu.enqueue_indirect_dma source(%dma_start3A_411 : memref<128x128xf32, #tpu.memory_space<vmem>>) target(%dma_start3A_417 : memref<10112x128xf32, #tpu.memory_space<vmem_shared>>) offsets(%dma_start3A_414 : memref<128xi32, #tpu.memory_space<vmem>>) semaphore(%run_scoped3A_407 : memref<!tpu.dma_semaphore, #tpu.memory_space<semaphore_mem>>) {add = true}
        %dma_wait3A_418 = arith.constant 0 : i32
        %dma_wait3A_419 = arith.constant 0 : i32
        %dma_wait3A_420 = tpu.memref_slice %arg8[%select_n3A_190, %dma_wait3A_418, %dma_wait3A_419] : memref<2x128x128xf32, #tpu.memory_space<vmem>> -> memref<1x128x128xf32, #tpu.memory_space<vmem>>
        %dma_wait3A_421 = tpu.memref_squeeze %dma_wait3A_420 : memref<1x128x128xf32, #tpu.memory_space<vmem>> -> memref<128x128xf32, #tpu.memory_space<vmem>>
        %dma_wait3A_422 = arith.constant 0 : i32
        %dma_wait3A_423 = tpu.memref_slice %arg7[%select_n3A_406, %dma_wait3A_422] : memref<4x128xi32, #tpu.memory_space<vmem>> -> memref<1x128xi32, #tpu.memory_space<vmem>>
        %dma_wait3A_424 = tpu.memref_squeeze %dma_wait3A_423 : memref<1x128xi32, #tpu.memory_space<vmem>> -> memref<128xi32, #tpu.memory_space<vmem>>
        %dma_wait3A_425 = arith.constant 0 : i32
        %dma_wait3A_426 = arith.constant 0 : i32
        %dma_wait3A_427 = tpu.memref_slice %arg9[%dma_wait3A_425, %dma_wait3A_426] : memref<10112x128xf32, #tpu.memory_space<vmem_shared>> -> memref<10112x128xf32, #tpu.memory_space<vmem_shared>>
        tpu.wait_indirect_dma semaphore(%run_scoped3A_407 : memref<!tpu.dma_semaphore, #tpu.memory_space<semaphore_mem>>) src(%dma_wait3A_421 : memref<128x128xf32, #tpu.memory_space<vmem>>) dst(%dma_wait3A_427 : memref<10112x128xf32, #tpu.memory_space<vmem_shared>>)
        tpu.yield
      }) : () -> ()
    }
    %dma_wait3A_133 = arith.constant 0 : i32
    %dma_wait3A_134 = arith.constant 0 : i32
    %dma_wait3A_135 = arith.constant 0 : i32
    %dma_wait3A_136 = arith.constant 0 : i32
    %dma_wait3A_137 = tpu.memref_slice %arg8[%dma_wait3A_134, %dma_wait3A_135, %dma_wait3A_136] : memref<2x128x128xf32, #tpu.memory_space<vmem>> -> memref<1x128x128xf32, #tpu.memory_space<vmem>>
    %dma_wait3A_138 = tpu.memref_squeeze %dma_wait3A_137 : memref<1x128x128xf32, #tpu.memory_space<vmem>> -> memref<128x128xf32, #tpu.memory_space<vmem>>
    %dma_wait3A_139 = arith.constant 0 : i32
    %dma_wait3A_140 = tpu.memref_slice %arg6[%dma_wait3A_133, %dma_wait3A_139] : memref<4x128xi32, #tpu.memory_space<vmem>> -> memref<1x128xi32, #tpu.memory_space<vmem>>
    %dma_wait3A_141 = tpu.memref_squeeze %dma_wait3A_140 : memref<1x128xi32, #tpu.memory_space<vmem>> -> memref<128xi32, #tpu.memory_space<vmem>>
    %dma_wait3A_142 = arith.constant 0 : i32
    %dma_wait3A_143 = arith.constant 0 : i32
    %dma_wait3A_144 = tpu.memref_slice %arg2[%dma_wait3A_142, %dma_wait3A_143] : memref<10000x128xf32, #tpu.memory_space<hbm>> -> memref<10000x128xf32, #tpu.memory_space<hbm>>
    tpu.wait_indirect_dma semaphore(%arg11 : memref<!tpu.dma_semaphore, #tpu.memory_space<semaphore_mem>>) src(%dma_wait3A_144 : memref<10000x128xf32, #tpu.memory_space<hbm>>) dst(%dma_wait3A_138 : memref<128x128xf32, #tpu.memory_space<vmem>>)
    %dma_wait3A_145 = arith.constant 0 : i32
    %dma_wait3A_146 = arith.constant 0 : i32
    %dma_wait3A_147 = arith.constant 0 : i32
    %dma_wait3A_148 = tpu.memref_slice %arg6[%dma_wait3A_146, %dma_wait3A_147] : memref<4x128xi32, #tpu.memory_space<vmem>> -> memref<1x128xi32, #tpu.memory_space<vmem>>
    %dma_wait3A_149 = tpu.memref_squeeze %dma_wait3A_148 : memref<1x128xi32, #tpu.memory_space<vmem>> -> memref<128xi32, #tpu.memory_space<vmem>>
    %dma_wait3A_150 = arith.constant 0 : i32
    %dma_wait3A_151 = tpu.memref_slice %arg3[%arg0, %arg1, %dma_wait3A_145, %dma_wait3A_150] : memref<2x16x107x128xi32, #tpu.memory_space<hbm>> -> memref<1x1x1x128xi32, #tpu.memory_space<hbm>>
    %dma_wait3A_152 = tpu.memref_squeeze %dma_wait3A_151 : memref<1x1x1x128xi32, #tpu.memory_space<hbm>> -> memref<128xi32, #tpu.memory_space<hbm>>
    %dma_wait3A_153 = arith.constant 0 : i32
    %dma_wait3A_154 = tpu.memref_slice %arg6[%dma_wait3A_146, %dma_wait3A_153] : memref<4x128xi32, #tpu.memory_space<vmem>> -> memref<1x128xi32, #tpu.memory_space<vmem>>
    %dma_wait3A_155 = tpu.memref_squeeze %dma_wait3A_154 : memref<1x128xi32, #tpu.memory_space<vmem>> -> memref<128xi32, #tpu.memory_space<vmem>>
    %dma_wait3A_156 = arith.constant 0 : i32
    %dma_wait3A_157 = tpu.memref_slice %arg3[%arg0, %arg1, %dma_wait3A_145, %dma_wait3A_156] : memref<2x16x107x128xi32, #tpu.memory_space<hbm>> -> memref<1x1x1x128xi32, #tpu.memory_space<hbm>>
    %dma_wait3A_158 = tpu.memref_squeeze %dma_wait3A_157 : memref<1x1x1x128xi32, #tpu.memory_space<hbm>> -> memref<128xi32, #tpu.memory_space<hbm>>
    tpu.wait_dma2 semaphore(%arg10 : memref<!tpu.dma_semaphore, #tpu.memory_space<semaphore_mem>>) src(%dma_wait3A_158 : memref<128xi32, #tpu.memory_space<hbm>>) dst(%dma_wait3A_155 : memref<128xi32, #tpu.memory_space<vmem>>)
    %dma_wait3A_159 = arith.constant 0 : i32
    %dma_wait3A_160 = arith.constant 0 : i32
    %dma_wait3A_161 = arith.constant 0 : i32
    %dma_wait3A_162 = tpu.memref_slice %arg7[%dma_wait3A_160, %dma_wait3A_161] : memref<4x128xi32, #tpu.memory_space<vmem>> -> memref<1x128xi32, #tpu.memory_space<vmem>>
    %dma_wait3A_163 = tpu.memref_squeeze %dma_wait3A_162 : memref<1x128xi32, #tpu.memory_space<vmem>> -> memref<128xi32, #tpu.memory_space<vmem>>
    %dma_wait3A_164 = arith.constant 0 : i32
    %dma_wait3A_165 = tpu.memref_slice %arg4[%arg0, %arg1, %dma_wait3A_159, %dma_wait3A_164] : memref<2x16x107x128xi32, #tpu.memory_space<hbm>> -> memref<1x1x1x128xi32, #tpu.memory_space<hbm>>
    %dma_wait3A_166 = tpu.memref_squeeze %dma_wait3A_165 : memref<1x1x1x128xi32, #tpu.memory_space<hbm>> -> memref<128xi32, #tpu.memory_space<hbm>>
    %dma_wait3A_167 = arith.constant 0 : i32
    %dma_wait3A_168 = tpu.memref_slice %arg7[%dma_wait3A_160, %dma_wait3A_167] : memref<4x128xi32, #tpu.memory_space<vmem>> -> memref<1x128xi32, #tpu.memory_space<vmem>>
    %dma_wait3A_169 = tpu.memref_squeeze %dma_wait3A_168 : memref<1x128xi32, #tpu.memory_space<vmem>> -> memref<128xi32, #tpu.memory_space<vmem>>
    %dma_wait3A_170 = arith.constant 0 : i32
    %dma_wait3A_171 = tpu.memref_slice %arg4[%arg0, %arg1, %dma_wait3A_159, %dma_wait3A_170] : memref<2x16x107x128xi32, #tpu.memory_space<hbm>> -> memref<1x1x1x128xi32, #tpu.memory_space<hbm>>
    %dma_wait3A_172 = tpu.memref_squeeze %dma_wait3A_171 : memref<1x1x1x128xi32, #tpu.memory_space<hbm>> -> memref<128xi32, #tpu.memory_space<hbm>>
    tpu.wait_dma2 semaphore(%arg10 : memref<!tpu.dma_semaphore, #tpu.memory_space<semaphore_mem>>) src(%dma_wait3A_172 : memref<128xi32, #tpu.memory_space<hbm>>) dst(%dma_wait3A_169 : memref<128xi32, #tpu.memory_space<vmem>>)
    %barrier3A_173 = arith.constant 0 : index
    tpu.barrier barrier_id(%barrier3A_173)
    %mul3A_174 = arith.constant 632 : i32
    %mul3A_175 = arith.muli %arg1, %mul3A_174 : i32
    %mul3A_176 = arith.constant 632 : i32
    %mul3A_177 = arith.muli %arg1, %mul3A_176 : i32
    "tpu.region"() ({
      %run_scoped3A_178 = tpu.sem_alloc : memref<!tpu.dma_semaphore, #tpu.memory_space<semaphore_mem>>
      %dma_start3A_179 = arith.constant 0 : i32
      %dma_start3A_180 = tpu.memref_slice %arg5[%arg0, %mul3A_177, %dma_start3A_179] : memref<2x10112x128xf32, #tpu.memory_space<hbm>> -> memref<1x632x128xf32, #tpu.memory_space<hbm>>
      %dma_start3A_181 = tpu.memref_squeeze %dma_start3A_180 : memref<1x632x128xf32, #tpu.memory_space<hbm>> -> memref<632x128xf32, #tpu.memory_space<hbm>>
      %dma_start3A_182 = arith.constant 0 : i32
      %dma_start3A_183 = tpu.memref_slice %arg9[%mul3A_175, %dma_start3A_182] : memref<10112x128xf32, #tpu.memory_space<vmem_shared>> -> memref<632x128xf32, #tpu.memory_space<vmem_shared>>
      tpu.enqueue_dma source(%dma_start3A_183 : memref<632x128xf32, #tpu.memory_space<vmem_shared>>) target(%dma_start3A_181 : memref<632x128xf32, #tpu.memory_space<hbm>>) target_semaphore(%run_scoped3A_178 : memref<!tpu.dma_semaphore, #tpu.memory_space<semaphore_mem>>)
      %dma_wait3A_184 = arith.constant 0 : i32
      %dma_wait3A_185 = tpu.memref_slice %arg5[%arg0, %mul3A_177, %dma_wait3A_184] : memref<2x10112x128xf32, #tpu.memory_space<hbm>> -> memref<1x632x128xf32, #tpu.memory_space<hbm>>
      %dma_wait3A_186 = tpu.memref_squeeze %dma_wait3A_185 : memref<1x632x128xf32, #tpu.memory_space<hbm>> -> memref<632x128xf32, #tpu.memory_space<hbm>>
      %dma_wait3A_187 = arith.constant 0 : i32
      %dma_wait3A_188 = tpu.memref_slice %arg9[%mul3A_175, %dma_wait3A_187] : memref<10112x128xf32, #tpu.memory_space<vmem_shared>> -> memref<632x128xf32, #tpu.memory_space<vmem_shared>>
      tpu.wait_dma2 semaphore(%run_scoped3A_178 : memref<!tpu.dma_semaphore, #tpu.memory_space<semaphore_mem>>) src(%dma_wait3A_188 : memref<632x128xf32, #tpu.memory_space<vmem_shared>>) dst(%dma_wait3A_186 : memref<632x128xf32, #tpu.memory_space<hbm>>)
      tpu.yield
    }) : () -> ()
    return
  }
}

#map = affine_map<(d0, d1) -> (0, 0, 0, 0)>
#map1 = affine_map<(d0, d1) -> (0, 0)>
module attributes {stable_mosaic.version = 14 : i64} {
  func.func @_deg_body(%arg0: i32, %arg1: i32, %arg2: memref<2x16x107x128xi32, #tpu.memory_space<hbm>>, %arg3: memref<2x10240xf32, #tpu.memory_space<hbm>>, %arg4: memref<107x128xi32, #tpu.memory_space<vmem>>, %arg5: memref<128xf32, #tpu.memory_space<vmem>>, %arg6: memref<640xf32, #tpu.memory_space<vmem>>, %arg7: memref<10240xf32, #tpu.memory_space<vmem_shared>>) attributes {dimension_semantics = [#tpu.dimension_semantics<core_parallel>, #tpu.dimension_semantics<subcore_parallel>], iteration_bounds = array<i64: 2, 16>, scalar_prefetch = 0 : i64, scratch_operands = 4 : i64, tpu.core_type = #tpu.core_type<sc_vector_subcore>, window_params = [{transform_indices = #map}, {transform_indices = #map1}]} {
    "tpu.region"() ({
      %run_scoped3A = tpu.sem_alloc : memref<!tpu.dma_semaphore, #tpu.memory_space<semaphore_mem>>
      %dma_start3A = arith.constant 0 : i32
      %dma_start3A_56 = arith.constant 0 : i32
      %dma_start3A_57 = tpu.memref_slice %arg2[%arg0, %arg1, %dma_start3A, %dma_start3A_56] : memref<2x16x107x128xi32, #tpu.memory_space<hbm>> -> memref<1x1x107x128xi32, #tpu.memory_space<hbm>>
      %dma_start3A_58 = tpu.memref_squeeze %dma_start3A_57 : memref<1x1x107x128xi32, #tpu.memory_space<hbm>> -> memref<107x128xi32, #tpu.memory_space<hbm>>
      %dma_start3A_59 = arith.constant 0 : i32
      %dma_start3A_60 = arith.constant 0 : i32
      %dma_start3A_61 = tpu.memref_slice %arg2[%arg0, %arg1, %dma_start3A_59, %dma_start3A_60] : memref<2x16x107x128xi32, #tpu.memory_space<hbm>> -> memref<1x1x107x128xi32, #tpu.memory_space<hbm>>
      %dma_start3A_62 = tpu.memref_squeeze %dma_start3A_61 : memref<1x1x107x128xi32, #tpu.memory_space<hbm>> -> memref<107x128xi32, #tpu.memory_space<hbm>>
      tpu.enqueue_dma source(%dma_start3A_62 : memref<107x128xi32, #tpu.memory_space<hbm>>) target(%arg4 : memref<107x128xi32, #tpu.memory_space<vmem>>) target_semaphore(%run_scoped3A : memref<!tpu.dma_semaphore, #tpu.memory_space<semaphore_mem>>)
      %dma_wait3A = arith.constant 0 : i32
      %dma_wait3A_63 = arith.constant 0 : i32
      %dma_wait3A_64 = tpu.memref_slice %arg2[%arg0, %arg1, %dma_wait3A, %dma_wait3A_63] : memref<2x16x107x128xi32, #tpu.memory_space<hbm>> -> memref<1x1x107x128xi32, #tpu.memory_space<hbm>>
      %dma_wait3A_65 = tpu.memref_squeeze %dma_wait3A_64 : memref<1x1x107x128xi32, #tpu.memory_space<hbm>> -> memref<107x128xi32, #tpu.memory_space<hbm>>
      %dma_wait3A_66 = arith.constant 0 : i32
      %dma_wait3A_67 = arith.constant 0 : i32
      %dma_wait3A_68 = tpu.memref_slice %arg2[%arg0, %arg1, %dma_wait3A_66, %dma_wait3A_67] : memref<2x16x107x128xi32, #tpu.memory_space<hbm>> -> memref<1x1x107x128xi32, #tpu.memory_space<hbm>>
      %dma_wait3A_69 = tpu.memref_squeeze %dma_wait3A_68 : memref<1x1x107x128xi32, #tpu.memory_space<hbm>> -> memref<107x128xi32, #tpu.memory_space<hbm>>
      tpu.wait_dma2 semaphore(%run_scoped3A : memref<!tpu.dma_semaphore, #tpu.memory_space<semaphore_mem>>) src(%dma_wait3A_69 : memref<107x128xi32, #tpu.memory_space<hbm>>) dst(%arg4 : memref<107x128xi32, #tpu.memory_space<vmem>>)
      tpu.yield
    }) : () -> ()
    %broadcast_in_dim3A = arith.constant 1.000000e+00 : f32
    %broadcast_in_dim3A_0 = vector.broadcast %broadcast_in_dim3A : f32 to vector<16xf32>
    %broadcast_in_dim3A_1 = arith.constant 0.000000e+00 : f32
    %broadcast_in_dim3A_2 = vector.broadcast %broadcast_in_dim3A_1 : f32 to vector<16xf32>
    %swap3A = arith.constant 0 : index
    %swap3A_3 = tpu.vector_load %arg5[%swap3A] {strides = array<i32>} : memref<128xf32, #tpu.memory_space<vmem>>, vector<16xf32>,
    %swap3A_4 = vector.shape_cast %swap3A_3 : vector<16xf32> to vector<16xf32>
    %swap3A_5 = vector.shape_cast %broadcast_in_dim3A_0 : vector<16xf32> to vector<16xf32>
    tpu.vector_store %arg5[%swap3A], %swap3A_5 {strides = array<i32>} : memref<128xf32, #tpu.memory_space<vmem>>, vector<16xf32>,
    %swap3A_6 = arith.constant 16 : index
    %swap3A_7 = tpu.vector_load %arg5[%swap3A_6] {strides = array<i32>} : memref<128xf32, #tpu.memory_space<vmem>>, vector<16xf32>,
    %swap3A_8 = vector.shape_cast %swap3A_7 : vector<16xf32> to vector<16xf32>
    %swap3A_9 = vector.shape_cast %broadcast_in_dim3A_0 : vector<16xf32> to vector<16xf32>
    tpu.vector_store %arg5[%swap3A_6], %swap3A_9 {strides = array<i32>} : memref<128xf32, #tpu.memory_space<vmem>>, vector<16xf32>,
    %swap3A_10 = arith.constant 32 : index
    %swap3A_11 = tpu.vector_load %arg5[%swap3A_10] {strides = array<i32>} : memref<128xf32, #tpu.memory_space<vmem>>, vector<16xf32>,
    %swap3A_12 = vector.shape_cast %swap3A_11 : vector<16xf32> to vector<16xf32>
    %swap3A_13 = vector.shape_cast %broadcast_in_dim3A_0 : vector<16xf32> to vector<16xf32>
    tpu.vector_store %arg5[%swap3A_10], %swap3A_13 {strides = array<i32>} : memref<128xf32, #tpu.memory_space<vmem>>, vector<16xf32>,
    %swap3A_14 = arith.constant 48 : index
    %swap3A_15 = tpu.vector_load %arg5[%swap3A_14] {strides = array<i32>} : memref<128xf32, #tpu.memory_space<vmem>>, vector<16xf32>,
    %swap3A_16 = vector.shape_cast %swap3A_15 : vector<16xf32> to vector<16xf32>
    %swap3A_17 = vector.shape_cast %broadcast_in_dim3A_0 : vector<16xf32> to vector<16xf32>
    tpu.vector_store %arg5[%swap3A_14], %swap3A_17 {strides = array<i32>} : memref<128xf32, #tpu.memory_space<vmem>>, vector<16xf32>,
    %swap3A_18 = arith.constant 64 : index
    %swap3A_19 = tpu.vector_load %arg5[%swap3A_18] {strides = array<i32>} : memref<128xf32, #tpu.memory_space<vmem>>, vector<16xf32>,
    %swap3A_20 = vector.shape_cast %swap3A_19 : vector<16xf32> to vector<16xf32>
    %swap3A_21 = vector.shape_cast %broadcast_in_dim3A_0 : vector<16xf32> to vector<16xf32>
    tpu.vector_store %arg5[%swap3A_18], %swap3A_21 {strides = array<i32>} : memref<128xf32, #tpu.memory_space<vmem>>, vector<16xf32>,
    %swap3A_22 = arith.constant 80 : index
    %swap3A_23 = tpu.vector_load %arg5[%swap3A_22] {strides = array<i32>} : memref<128xf32, #tpu.memory_space<vmem>>, vector<16xf32>,
    %swap3A_24 = vector.shape_cast %swap3A_23 : vector<16xf32> to vector<16xf32>
    %swap3A_25 = vector.shape_cast %broadcast_in_dim3A_0 : vector<16xf32> to vector<16xf32>
    tpu.vector_store %arg5[%swap3A_22], %swap3A_25 {strides = array<i32>} : memref<128xf32, #tpu.memory_space<vmem>>, vector<16xf32>,
    %swap3A_26 = arith.constant 96 : index
    %swap3A_27 = tpu.vector_load %arg5[%swap3A_26] {strides = array<i32>} : memref<128xf32, #tpu.memory_space<vmem>>, vector<16xf32>,
    %swap3A_28 = vector.shape_cast %swap3A_27 : vector<16xf32> to vector<16xf32>
    %swap3A_29 = vector.shape_cast %broadcast_in_dim3A_0 : vector<16xf32> to vector<16xf32>
    tpu.vector_store %arg5[%swap3A_26], %swap3A_29 {strides = array<i32>} : memref<128xf32, #tpu.memory_space<vmem>>, vector<16xf32>,
    %swap3A_30 = arith.constant 112 : index
    %swap3A_31 = tpu.vector_load %arg5[%swap3A_30] {strides = array<i32>} : memref<128xf32, #tpu.memory_space<vmem>>, vector<16xf32>,
    %swap3A_32 = vector.shape_cast %swap3A_31 : vector<16xf32> to vector<16xf32>
    %swap3A_33 = vector.shape_cast %broadcast_in_dim3A_0 : vector<16xf32> to vector<16xf32>
    tpu.vector_store %arg5[%swap3A_30], %swap3A_33 {strides = array<i32>} : memref<128xf32, #tpu.memory_space<vmem>>, vector<16xf32>,
    %scan3A = arith.constant 0 : i32
    %scan3A_34 = arith.constant 0 : i32
    %scan3A_35 = arith.constant 40 : i32
    %scan3A_36 = arith.addi %scan3A_34, %scan3A_35 : i32
    %scan3A_37 = arith.constant 1 : i32
    scf.for %scan3A_56 = %scan3A_34 to %scan3A_36 step %scan3A_37  : i32 {
      %mul3A_57 = arith.constant 16 : i32
      %mul3A_58 = arith.muli %scan3A_56, %mul3A_57 : i32
      %swap3A_59 = arith.index_cast %mul3A_58 : i32 to index
      %swap3A_60 = tpu.vector_load %arg6[%swap3A_59] {strides = array<i32>} : memref<640xf32, #tpu.memory_space<vmem>>, vector<16xf32>,
      %swap3A_61 = vector.shape_cast %swap3A_60 : vector<16xf32> to vector<16xf32>
      %swap3A_62 = vector.shape_cast %broadcast_in_dim3A_2 : vector<16xf32> to vector<16xf32>
      tpu.vector_store %arg6[%swap3A_59], %swap3A_62 {strides = array<i32>} : memref<640xf32, #tpu.memory_space<vmem>>, vector<16xf32>,
    }
    %scan3A_38 = arith.constant 40 : i32
    %mul3A = arith.constant 640 : i32
    %mul3A_39 = arith.muli %arg1, %mul3A : i32
    "tpu.region"() ({
      %run_scoped3A = tpu.sem_alloc : memref<!tpu.dma_semaphore, #tpu.memory_space<semaphore_mem>>
      %dma_start3A = tpu.memref_slice %arg7[%mul3A_39] : memref<10240xf32, #tpu.memory_space<vmem_shared>> -> memref<640xf32, #tpu.memory_space<vmem_shared>>
      %dma_start3A_56 = tpu.memref_slice %arg7[%mul3A_39] : memref<10240xf32, #tpu.memory_space<vmem_shared>> -> memref<640xf32, #tpu.memory_space<vmem_shared>>
      tpu.enqueue_dma source(%arg6 : memref<640xf32, #tpu.memory_space<vmem>>) target(%dma_start3A_56 : memref<640xf32, #tpu.memory_space<vmem_shared>>) target_semaphore(%run_scoped3A : memref<!tpu.dma_semaphore, #tpu.memory_space<semaphore_mem>>)
      %dma_wait3A = tpu.memref_slice %arg7[%mul3A_39] : memref<10240xf32, #tpu.memory_space<vmem_shared>> -> memref<640xf32, #tpu.memory_space<vmem_shared>>
      %dma_wait3A_57 = tpu.memref_slice %arg7[%mul3A_39] : memref<10240xf32, #tpu.memory_space<vmem_shared>> -> memref<640xf32, #tpu.memory_space<vmem_shared>>
      tpu.wait_dma2 semaphore(%run_scoped3A : memref<!tpu.dma_semaphore, #tpu.memory_space<semaphore_mem>>) src(%arg6 : memref<640xf32, #tpu.memory_space<vmem>>) dst(%dma_wait3A_57 : memref<640xf32, #tpu.memory_space<vmem_shared>>)
      tpu.yield
    }) : () -> ()
    %barrier3A = arith.constant 0 : index
    tpu.barrier barrier_id(%barrier3A)
    %eq3A = arith.constant 0 : i32
    %eq3A_40 = arith.cmpi eq, %arg0, %eq3A : i32
    %jit3A = arith.constant 50 : i32
    %jit3A_41 = arith.constant 107 : i32
    %select_n3A = arith.select %eq3A_40, %jit3A, %jit3A_41 : i32
    %while3A = arith.constant 0 : i32
    %while3A_42 = arith.constant 0 : i32
    %while3A_43 = arith.subi %select_n3A, %while3A_42 : i32
    %while3A_44 = arith.addi %while3A_42, %while3A_43 : i32
    %while3A_45 = arith.constant 1 : i32
    %while3A_46 = arith.divsi %while3A_43, %while3A_45 : i32
    %while3A_47 = arith.muli %while3A_46, %while3A_45 : i32
    %while3A_48 = arith.addi %while3A_42, %while3A_47 : i32
    %while3A_49 = arith.constant 1 : i32
    scf.for %while3A_56 = %while3A_42 to %while3A_48 step %while3A_49  : i32 {
      "tpu.region"() ({
        %run_scoped3A = tpu.sem_alloc : memref<!tpu.dma_semaphore, #tpu.memory_space<semaphore_mem>>
        %dma_start3A = arith.constant 0 : i32
        %dma_start3A_57 = tpu.memref_slice %arg4[%while3A_56, %dma_start3A] : memref<107x128xi32, #tpu.memory_space<vmem>> -> memref<1x128xi32, #tpu.memory_space<vmem>>
        %dma_start3A_58 = tpu.memref_squeeze %dma_start3A_57 : memref<1x128xi32, #tpu.memory_space<vmem>> -> memref<128xi32, #tpu.memory_space<vmem>>
        %dma_start3A_59 = arith.constant 0 : i32
        %dma_start3A_60 = tpu.memref_slice %arg7[%dma_start3A_59] : memref<10240xf32, #tpu.memory_space<vmem_shared>> -> memref<10240xf32, #tpu.memory_space<vmem_shared>>
        tpu.enqueue_indirect_dma source(%arg5 : memref<128xf32, #tpu.memory_space<vmem>>) target(%dma_start3A_60 : memref<10240xf32, #tpu.memory_space<vmem_shared>>) offsets(%dma_start3A_58 : memref<128xi32, #tpu.memory_space<vmem>>) semaphore(%run_scoped3A : memref<!tpu.dma_semaphore, #tpu.memory_space<semaphore_mem>>) {add = true}
        %dma_wait3A = arith.constant 0 : i32
        %dma_wait3A_61 = tpu.memref_slice %arg4[%while3A_56, %dma_wait3A] : memref<107x128xi32, #tpu.memory_space<vmem>> -> memref<1x128xi32, #tpu.memory_space<vmem>>
        %dma_wait3A_62 = tpu.memref_squeeze %dma_wait3A_61 : memref<1x128xi32, #tpu.memory_space<vmem>> -> memref<128xi32, #tpu.memory_space<vmem>>
        %dma_wait3A_63 = arith.constant 0 : i32
        %dma_wait3A_64 = tpu.memref_slice %arg7[%dma_wait3A_63] : memref<10240xf32, #tpu.memory_space<vmem_shared>> -> memref<10240xf32, #tpu.memory_space<vmem_shared>>
        tpu.wait_indirect_dma semaphore(%run_scoped3A : memref<!tpu.dma_semaphore, #tpu.memory_space<semaphore_mem>>) src(%arg5 : memref<128xf32, #tpu.memory_space<vmem>>) dst(%dma_wait3A_64 : memref<10240xf32, #tpu.memory_space<vmem_shared>>)
        tpu.yield
      }) : () -> ()
    }
    %while3A_50 = arith.constant 1 : i32
    scf.for %while3A_56 = %while3A_48 to %while3A_44 step %while3A_50  : i32 {
      "tpu.region"() ({
        %run_scoped3A = tpu.sem_alloc : memref<!tpu.dma_semaphore, #tpu.memory_space<semaphore_mem>>
        %dma_start3A = arith.constant 0 : i32
        %dma_start3A_57 = tpu.memref_slice %arg4[%while3A_56, %dma_start3A] : memref<107x128xi32, #tpu.memory_space<vmem>> -> memref<1x128xi32, #tpu.memory_space<vmem>>
        %dma_start3A_58 = tpu.memref_squeeze %dma_start3A_57 : memref<1x128xi32, #tpu.memory_space<vmem>> -> memref<128xi32, #tpu.memory_space<vmem>>
        %dma_start3A_59 = arith.constant 0 : i32
        %dma_start3A_60 = tpu.memref_slice %arg7[%dma_start3A_59] : memref<10240xf32, #tpu.memory_space<vmem_shared>> -> memref<10240xf32, #tpu.memory_space<vmem_shared>>
        tpu.enqueue_indirect_dma source(%arg5 : memref<128xf32, #tpu.memory_space<vmem>>) target(%dma_start3A_60 : memref<10240xf32, #tpu.memory_space<vmem_shared>>) offsets(%dma_start3A_58 : memref<128xi32, #tpu.memory_space<vmem>>) semaphore(%run_scoped3A : memref<!tpu.dma_semaphore, #tpu.memory_space<semaphore_mem>>) {add = true}
        %dma_wait3A = arith.constant 0 : i32
        %dma_wait3A_61 = tpu.memref_slice %arg4[%while3A_56, %dma_wait3A] : memref<107x128xi32, #tpu.memory_space<vmem>> -> memref<1x128xi32, #tpu.memory_space<vmem>>
        %dma_wait3A_62 = tpu.memref_squeeze %dma_wait3A_61 : memref<1x128xi32, #tpu.memory_space<vmem>> -> memref<128xi32, #tpu.memory_space<vmem>>
        %dma_wait3A_63 = arith.constant 0 : i32
        %dma_wait3A_64 = tpu.memref_slice %arg7[%dma_wait3A_63] : memref<10240xf32, #tpu.memory_space<vmem_shared>> -> memref<10240xf32, #tpu.memory_space<vmem_shared>>
        tpu.wait_indirect_dma semaphore(%run_scoped3A : memref<!tpu.dma_semaphore, #tpu.memory_space<semaphore_mem>>) src(%arg5 : memref<128xf32, #tpu.memory_space<vmem>>) dst(%dma_wait3A_64 : memref<10240xf32, #tpu.memory_space<vmem_shared>>)
        tpu.yield
      }) : () -> ()
    }
    %barrier3A_51 = arith.constant 0 : index
    tpu.barrier barrier_id(%barrier3A_51)
    %mul3A_52 = arith.constant 640 : i32
    %mul3A_53 = arith.muli %arg1, %mul3A_52 : i32
    %mul3A_54 = arith.constant 640 : i32
    %mul3A_55 = arith.muli %arg1, %mul3A_54 : i32
    "tpu.region"() ({
      %run_scoped3A = tpu.sem_alloc : memref<!tpu.dma_semaphore, #tpu.memory_space<semaphore_mem>>
      %dma_start3A = tpu.memref_slice %arg3[%arg0, %mul3A_55] : memref<2x10240xf32, #tpu.memory_space<hbm>> -> memref<1x640xf32, #tpu.memory_space<hbm>>
      %dma_start3A_56 = tpu.memref_squeeze %dma_start3A : memref<1x640xf32, #tpu.memory_space<hbm>> -> memref<640xf32, #tpu.memory_space<hbm>>
      %dma_start3A_57 = tpu.memref_slice %arg7[%mul3A_53] : memref<10240xf32, #tpu.memory_space<vmem_shared>> -> memref<640xf32, #tpu.memory_space<vmem_shared>>
      tpu.enqueue_dma source(%dma_start3A_57 : memref<640xf32, #tpu.memory_space<vmem_shared>>) target(%dma_start3A_56 : memref<640xf32, #tpu.memory_space<hbm>>) target_semaphore(%run_scoped3A : memref<!tpu.dma_semaphore, #tpu.memory_space<semaphore_mem>>)
      %dma_wait3A = tpu.memref_slice %arg3[%arg0, %mul3A_55] : memref<2x10240xf32, #tpu.memory_space<hbm>> -> memref<1x640xf32, #tpu.memory_space<hbm>>
      %dma_wait3A_58 = tpu.memref_squeeze %dma_wait3A : memref<1x640xf32, #tpu.memory_space<hbm>> -> memref<640xf32, #tpu.memory_space<hbm>>
      %dma_wait3A_59 = tpu.memref_slice %arg7[%mul3A_53] : memref<10240xf32, #tpu.memory_space<vmem_shared>> -> memref<640xf32, #tpu.memory_space<vmem_shared>>
      tpu.wait_dma2 semaphore(%run_scoped3A : memref<!tpu.dma_semaphore, #tpu.memory_space<semaphore_mem>>) src(%dma_wait3A_59 : memref<640xf32, #tpu.memory_space<vmem_shared>>) dst(%dma_wait3A_58 : memref<640xf32, #tpu.memory_space<hbm>>)
      tpu.yield
    }) : () -> ()
    return
  }
}

#map = affine_map<(d0, d1) -> (0, 0)>
#map1 = affine_map<(d0, d1) -> (0, 0, 0, 0)>
#map2 = affine_map<(d0, d1) -> (0, 0, 0)>
module attributes {stable_mosaic.version = 14 : i64} {
  func.func @_agg_body(%arg0: i32, %arg1: i32, %arg2: memref<10000x128xf32, #tpu.memory_space<hbm>>, %arg3: memref<2x16x107x128xi32, #tpu.memory_space<hbm>>, %arg4: memref<2x16x107x128xi32, #tpu.memory_space<hbm>>, %arg5: memref<2x10112x128xf32, #tpu.memory_space<hbm>>, %arg6: memref<4x128xi32, #tpu.memory_space<vmem>>, %arg7: memref<4x128xi32, #tpu.memory_space<vmem>>, %arg8: memref<2x128x128xf32, #tpu.memory_space<vmem>>, %arg9: memref<10112x128xf32, #tpu.memory_space<vmem_shared>>, %arg10: memref<!tpu.dma_semaphore, #tpu.memory_space<semaphore_mem>>, %arg11: memref<!tpu.dma_semaphore, #tpu.memory_space<semaphore_mem>>) attributes {dimension_semantics = [#tpu.dimension_semantics<core_parallel>, #tpu.dimension_semantics<subcore_parallel>], iteration_bounds = array<i64: 2, 16>, scalar_prefetch = 0 : i64, scratch_operands = 6 : i64, tpu.core_type = #tpu.core_type<sc_vector_subcore>, window_params = [{transform_indices = #map}, {transform_indices = #map1}, {transform_indices = #map1}, {transform_indices = #map2}]} {
    %broadcast_in_dim3A = arith.constant 0.000000e+00 : f32
    %broadcast_in_dim3A_0 = vector.broadcast %broadcast_in_dim3A : f32 to vector<16xf32>
    %scan3A = arith.constant 0 : i32
    %scan3A_1 = arith.constant 0 : i32
    %scan3A_2 = arith.constant 128 : i32
    %scan3A_3 = arith.addi %scan3A_1, %scan3A_2 : i32
    %scan3A_4 = arith.constant 1 : i32
    scf.for %scan3A_178 = %scan3A_1 to %scan3A_3 step %scan3A_4  : i32 {
      %swap3A = arith.constant 0 : i32
      %swap3A_179 = arith.index_cast %swap3A : i32 to index
      %swap3A_180 = arith.index_cast %scan3A_178 : i32 to index
      %swap3A_181 = arith.constant 0 : index
      %swap3A_182 = tpu.vector_load %arg8[%swap3A_179, %swap3A_180, %swap3A_181] {strides = array<i32>} : memref<2x128x128xf32, #tpu.memory_space<vmem>>, vector<1x1x16xf32>,
      %swap3A_183 = vector.shape_cast %swap3A_182 : vector<1x1x16xf32> to vector<16xf32>
      %swap3A_184 = vector.shape_cast %broadcast_in_dim3A_0 : vector<16xf32> to vector<1x1x16xf32>
      tpu.vector_store %arg8[%swap3A_179, %swap3A_180, %swap3A_181], %swap3A_184 {strides = array<i32>} : memref<2x128x128xf32, #tpu.memory_space<vmem>>, vector<1x1x16xf32>,
      %swap3A_185 = arith.constant 0 : i32
      %swap3A_186 = arith.index_cast %swap3A_185 : i32 to index
      %swap3A_187 = arith.index_cast %scan3A_178 : i32 to index
      %swap3A_188 = arith.constant 16 : index
      %swap3A_189 = tpu.vector_load %arg8[%swap3A_186, %swap3A_187, %swap3A_188] {strides = array<i32>} : memref<2x128x128xf32, #tpu.memory_space<vmem>>, vector<1x1x16xf32>,
      %swap3A_190 = vector.shape_cast %swap3A_189 : vector<1x1x16xf32> to vector<16xf32>
      %swap3A_191 = vector.shape_cast %broadcast_in_dim3A_0 : vector<16xf32> to vector<1x1x16xf32>
      tpu.vector_store %arg8[%swap3A_186, %swap3A_187, %swap3A_188], %swap3A_191 {strides = array<i32>} : memref<2x128x128xf32, #tpu.memory_space<vmem>>, vector<1x1x16xf32>,
      %swap3A_192 = arith.constant 0 : i32
      %swap3A_193 = arith.index_cast %swap3A_192 : i32 to index
      %swap3A_194 = arith.index_cast %scan3A_178 : i32 to index
      %swap3A_195 = arith.constant 32 : index
      %swap3A_196 = tpu.vector_load %arg8[%swap3A_193, %swap3A_194, %swap3A_195] {strides = array<i32>} : memref<2x128x128xf32, #tpu.memory_space<vmem>>, vector<1x1x16xf32>,
      %swap3A_197 = vector.shape_cast %swap3A_196 : vector<1x1x16xf32> to vector<16xf32>
      %swap3A_198 = vector.shape_cast %broadcast_in_dim3A_0 : vector<16xf32> to vector<1x1x16xf32>
      tpu.vector_store %arg8[%swap3A_193, %swap3A_194, %swap3A_195], %swap3A_198 {strides = array<i32>} : memref<2x128x128xf32, #tpu.memory_space<vmem>>, vector<1x1x16xf32>,
      %swap3A_199 = arith.constant 0 : i32
      %swap3A_200 = arith.index_cast %swap3A_199 : i32 to index
      %swap3A_201 = arith.index_cast %scan3A_178 : i32 to index
      %swap3A_202 = arith.constant 48 : index
      %swap3A_203 = tpu.vector_load %arg8[%swap3A_200, %swap3A_201, %swap3A_202] {strides = array<i32>} : memref<2x128x128xf32, #tpu.memory_space<vmem>>, vector<1x1x16xf32>,
      %swap3A_204 = vector.shape_cast %swap3A_203 : vector<1x1x16xf32> to vector<16xf32>
      %swap3A_205 = vector.shape_cast %broadcast_in_dim3A_0 : vector<16xf32> to vector<1x1x16xf32>
      tpu.vector_store %arg8[%swap3A_200, %swap3A_201, %swap3A_202], %swap3A_205 {strides = array<i32>} : memref<2x128x128xf32, #tpu.memory_space<vmem>>, vector<1x1x16xf32>,
      %swap3A_206 = arith.constant 0 : i32
      %swap3A_207 = arith.index_cast %swap3A_206 : i32 to index
      %swap3A_208 = arith.index_cast %scan3A_178 : i32 to index
      %swap3A_209 = arith.constant 64 : index
      %swap3A_210 = tpu.vector_load %arg8[%swap3A_207, %swap3A_208, %swap3A_209] {strides = array<i32>} : memref<2x128x128xf32, #tpu.memory_space<vmem>>, vector<1x1x16xf32>,
      %swap3A_211 = vector.shape_cast %swap3A_210 : vector<1x1x16xf32> to vector<16xf32>
      %swap3A_212 = vector.shape_cast %broadcast_in_dim3A_0 : vector<16xf32> to vector<1x1x16xf32>
      tpu.vector_store %arg8[%swap3A_207, %swap3A_208, %swap3A_209], %swap3A_212 {strides = array<i32>} : memref<2x128x128xf32, #tpu.memory_space<vmem>>, vector<1x1x16xf32>,
      %swap3A_213 = arith.constant 0 : i32
      %swap3A_214 = arith.index_cast %swap3A_213 : i32 to index
      %swap3A_215 = arith.index_cast %scan3A_178 : i32 to index
      %swap3A_216 = arith.constant 80 : index
      %swap3A_217 = tpu.vector_load %arg8[%swap3A_214, %swap3A_215, %swap3A_216] {strides = array<i32>} : memref<2x128x128xf32, #tpu.memory_space<vmem>>, vector<1x1x16xf32>,
      %swap3A_218 = vector.shape_cast %swap3A_217 : vector<1x1x16xf32> to vector<16xf32>
      %swap3A_219 = vector.shape_cast %broadcast_in_dim3A_0 : vector<16xf32> to vector<1x1x16xf32>
      tpu.vector_store %arg8[%swap3A_214, %swap3A_215, %swap3A_216], %swap3A_219 {strides = array<i32>} : memref<2x128x128xf32, #tpu.memory_space<vmem>>, vector<1x1x16xf32>,
      %swap3A_220 = arith.constant 0 : i32
      %swap3A_221 = arith.index_cast %swap3A_220 : i32 to index
      %swap3A_222 = arith.index_cast %scan3A_178 : i32 to index
      %swap3A_223 = arith.constant 96 : index
      %swap3A_224 = tpu.vector_load %arg8[%swap3A_221, %swap3A_222, %swap3A_223] {strides = array<i32>} : memref<2x128x128xf32, #tpu.memory_space<vmem>>, vector<1x1x16xf32>,
      %swap3A_225 = vector.shape_cast %swap3A_224 : vector<1x1x16xf32> to vector<16xf32>
      %swap3A_226 = vector.shape_cast %broadcast_in_dim3A_0 : vector<16xf32> to vector<1x1x16xf32>
      tpu.vector_store %arg8[%swap3A_221, %swap3A_222, %swap3A_223], %swap3A_226 {strides = array<i32>} : memref<2x128x128xf32, #tpu.memory_space<vmem>>, vector<1x1x16xf32>,
      %swap3A_227 = arith.constant 0 : i32
      %swap3A_228 = arith.index_cast %swap3A_227 : i32 to index
      %swap3A_229 = arith.index_cast %scan3A_178 : i32 to index
      %swap3A_230 = arith.constant 112 : index
      %swap3A_231 = tpu.vector_load %arg8[%swap3A_228, %swap3A_229, %swap3A_230] {strides = array<i32>} : memref<2x128x128xf32, #tpu.memory_space<vmem>>, vector<1x1x16xf32>,
      %swap3A_232 = vector.shape_cast %swap3A_231 : vector<1x1x16xf32> to vector<16xf32>
      %swap3A_233 = vector.shape_cast %broadcast_in_dim3A_0 : vector<16xf32> to vector<1x1x16xf32>
      tpu.vector_store %arg8[%swap3A_228, %swap3A_229, %swap3A_230], %swap3A_233 {strides = array<i32>} : memref<2x128x128xf32, #tpu.memory_space<vmem>>, vector<1x1x16xf32>,
    }
    %scan3A_5 = arith.constant 128 : i32
    %mul3A = arith.constant 632 : i32
    %mul3A_6 = arith.muli %arg1, %mul3A : i32
    %add3A = arith.constant 0 : i32
    %add3A_7 = arith.addi %mul3A_6, %add3A : i32
    %run_scoped3A = arith.constant 0 : i32
    "tpu.region"() ({
      %run_scoped3A_178 = tpu.sem_alloc : memref<!tpu.dma_semaphore, #tpu.memory_space<semaphore_mem>>
      %dma_start3A_179 = arith.constant 0 : i32
      %dma_start3A_180 = arith.constant 0 : i32
      %dma_start3A_181 = tpu.memref_slice %arg8[%run_scoped3A, %dma_start3A_179, %dma_start3A_180] : memref<2x128x128xf32, #tpu.memory_space<vmem>> -> memref<1x128x128xf32, #tpu.memory_space<vmem>>
      %dma_start3A_182 = tpu.memref_squeeze %dma_start3A_181 : memref<1x128x128xf32, #tpu.memory_space<vmem>> -> memref<128x128xf32, #tpu.memory_space<vmem>>
      %dma_start3A_183 = arith.constant 0 : i32
      %dma_start3A_184 = tpu.memref_slice %arg9[%add3A_7, %dma_start3A_183] : memref<10112x128xf32, #tpu.memory_space<vmem_shared>> -> memref<128x128xf32, #tpu.memory_space<vmem_shared>>
      %dma_start3A_185 = arith.constant 0 : i32
      %dma_start3A_186 = tpu.memref_slice %arg9[%add3A_7, %dma_start3A_185] : memref<10112x128xf32, #tpu.memory_space<vmem_shared>> -> memref<128x128xf32, #tpu.memory_space<vmem_shared>>
      %dma_start3A_187 = arith.constant 0 : i32
      %dma_start3A_188 = arith.constant 0 : i32
      %dma_start3A_189 = tpu.memref_slice %arg8[%run_scoped3A, %dma_start3A_187, %dma_start3A_188] : memref<2x128x128xf32, #tpu.memory_space<vmem>> -> memref<1x128x128xf32, #tpu.memory_space<vmem>>
      %dma_start3A_190 = tpu.memref_squeeze %dma_start3A_189 : memref<1x128x128xf32, #tpu.memory_space<vmem>> -> memref<128x128xf32, #tpu.memory_space<vmem>>
      tpu.enqueue_dma source(%dma_start3A_190 : memref<128x128xf32, #tpu.memory_space<vmem>>) target(%dma_start3A_186 : memref<128x128xf32, #tpu.memory_space<vmem_shared>>) target_semaphore(%run_scoped3A_178 : memref<!tpu.dma_semaphore, #tpu.memory_space<semaphore_mem>>)
      %dma_wait3A_191 = arith.constant 0 : i32
      %dma_wait3A_192 = arith.constant 0 : i32
      %dma_wait3A_193 = tpu.memref_slice %arg8[%run_scoped3A, %dma_wait3A_191, %dma_wait3A_192] : memref<2x128x128xf32, #tpu.memory_space<vmem>> -> memref<1x128x128xf32, #tpu.memory_space<vmem>>
      %dma_wait3A_194 = tpu.memref_squeeze %dma_wait3A_193 : memref<1x128x128xf32, #tpu.memory_space<vmem>> -> memref<128x128xf32, #tpu.memory_space<vmem>>
      %dma_wait3A_195 = arith.constant 0 : i32
      %dma_wait3A_196 = tpu.memref_slice %arg9[%add3A_7, %dma_wait3A_195] : memref<10112x128xf32, #tpu.memory_space<vmem_shared>> -> memref<128x128xf32, #tpu.memory_space<vmem_shared>>
      %dma_wait3A_197 = arith.constant 0 : i32
      %dma_wait3A_198 = tpu.memref_slice %arg9[%add3A_7, %dma_wait3A_197] : memref<10112x128xf32, #tpu.memory_space<vmem_shared>> -> memref<128x128xf32, #tpu.memory_space<vmem_shared>>
      %dma_wait3A_199 = arith.constant 0 : i32
      %dma_wait3A_200 = arith.constant 0 : i32
      %dma_wait3A_201 = tpu.memref_slice %arg8[%run_scoped3A, %dma_wait3A_199, %dma_wait3A_200] : memref<2x128x128xf32, #tpu.memory_space<vmem>> -> memref<1x128x128xf32, #tpu.memory_space<vmem>>
      %dma_wait3A_202 = tpu.memref_squeeze %dma_wait3A_201 : memref<1x128x128xf32, #tpu.memory_space<vmem>> -> memref<128x128xf32, #tpu.memory_space<vmem>>
      tpu.wait_dma2 semaphore(%run_scoped3A_178 : memref<!tpu.dma_semaphore, #tpu.memory_space<semaphore_mem>>) src(%dma_wait3A_202 : memref<128x128xf32, #tpu.memory_space<vmem>>) dst(%dma_wait3A_198 : memref<128x128xf32, #tpu.memory_space<vmem_shared>>)
      tpu.yield
    }) : () -> ()
    %mul3A_8 = arith.constant 632 : i32
    %mul3A_9 = arith.muli %arg1, %mul3A_8 : i32
    %add3A_10 = arith.constant 128 : i32
    %add3A_11 = arith.addi %mul3A_9, %add3A_10 : i32
    %run_scoped3A_12 = arith.constant 0 : i32
    "tpu.region"() ({
      %run_scoped3A_178 = tpu.sem_alloc : memref<!tpu.dma_semaphore, #tpu.memory_space<semaphore_mem>>
      %dma_start3A_179 = arith.constant 0 : i32
      %dma_start3A_180 = arith.constant 0 : i32
      %dma_start3A_181 = tpu.memref_slice %arg8[%run_scoped3A_12, %dma_start3A_179, %dma_start3A_180] : memref<2x128x128xf32, #tpu.memory_space<vmem>> -> memref<1x128x128xf32, #tpu.memory_space<vmem>>
      %dma_start3A_182 = tpu.memref_squeeze %dma_start3A_181 : memref<1x128x128xf32, #tpu.memory_space<vmem>> -> memref<128x128xf32, #tpu.memory_space<vmem>>
      %dma_start3A_183 = arith.constant 0 : i32
      %dma_start3A_184 = tpu.memref_slice %arg9[%add3A_11, %dma_start3A_183] : memref<10112x128xf32, #tpu.memory_space<vmem_shared>> -> memref<128x128xf32, #tpu.memory_space<vmem_shared>>
      %dma_start3A_185 = arith.constant 0 : i32
      %dma_start3A_186 = tpu.memref_slice %arg9[%add3A_11, %dma_start3A_185] : memref<10112x128xf32, #tpu.memory_space<vmem_shared>> -> memref<128x128xf32, #tpu.memory_space<vmem_shared>>
      %dma_start3A_187 = arith.constant 0 : i32
      %dma_start3A_188 = arith.constant 0 : i32
      %dma_start3A_189 = tpu.memref_slice %arg8[%run_scoped3A_12, %dma_start3A_187, %dma_start3A_188] : memref<2x128x128xf32, #tpu.memory_space<vmem>> -> memref<1x128x128xf32, #tpu.memory_space<vmem>>
      %dma_start3A_190 = tpu.memref_squeeze %dma_start3A_189 : memref<1x128x128xf32, #tpu.memory_space<vmem>> -> memref<128x128xf32, #tpu.memory_space<vmem>>
      tpu.enqueue_dma source(%dma_start3A_190 : memref<128x128xf32, #tpu.memory_space<vmem>>) target(%dma_start3A_186 : memref<128x128xf32, #tpu.memory_space<vmem_shared>>) target_semaphore(%run_scoped3A_178 : memref<!tpu.dma_semaphore, #tpu.memory_space<semaphore_mem>>)
      %dma_wait3A_191 = arith.constant 0 : i32
      %dma_wait3A_192 = arith.constant 0 : i32
      %dma_wait3A_193 = tpu.memref_slice %arg8[%run_scoped3A_12, %dma_wait3A_191, %dma_wait3A_192] : memref<2x128x128xf32, #tpu.memory_space<vmem>> -> memref<1x128x128xf32, #tpu.memory_space<vmem>>
      %dma_wait3A_194 = tpu.memref_squeeze %dma_wait3A_193 : memref<1x128x128xf32, #tpu.memory_space<vmem>> -> memref<128x128xf32, #tpu.memory_space<vmem>>
      %dma_wait3A_195 = arith.constant 0 : i32
      %dma_wait3A_196 = tpu.memref_slice %arg9[%add3A_11, %dma_wait3A_195] : memref<10112x128xf32, #tpu.memory_space<vmem_shared>> -> memref<128x128xf32, #tpu.memory_space<vmem_shared>>
      %dma_wait3A_197 = arith.constant 0 : i32
      %dma_wait3A_198 = tpu.memref_slice %arg9[%add3A_11, %dma_wait3A_197] : memref<10112x128xf32, #tpu.memory_space<vmem_shared>> -> memref<128x128xf32, #tpu.memory_space<vmem_shared>>
      %dma_wait3A_199 = arith.constant 0 : i32
      %dma_wait3A_200 = arith.constant 0 : i32
      %dma_wait3A_201 = tpu.memref_slice %arg8[%run_scoped3A_12, %dma_wait3A_199, %dma_wait3A_200] : memref<2x128x128xf32, #tpu.memory_space<vmem>> -> memref<1x128x128xf32, #tpu.memory_space<vmem>>
      %dma_wait3A_202 = tpu.memref_squeeze %dma_wait3A_201 : memref<1x128x128xf32, #tpu.memory_space<vmem>> -> memref<128x128xf32, #tpu.memory_space<vmem>>
      tpu.wait_dma2 semaphore(%run_scoped3A_178 : memref<!tpu.dma_semaphore, #tpu.memory_space<semaphore_mem>>) src(%dma_wait3A_202 : memref<128x128xf32, #tpu.memory_space<vmem>>) dst(%dma_wait3A_198 : memref<128x128xf32, #tpu.memory_space<vmem_shared>>)
      tpu.yield
    }) : () -> ()
    %mul3A_13 = arith.constant 632 : i32
    %mul3A_14 = arith.muli %arg1, %mul3A_13 : i32
    %add3A_15 = arith.constant 256 : i32
    %add3A_16 = arith.addi %mul3A_14, %add3A_15 : i32
    %run_scoped3A_17 = arith.constant 0 : i32
    "tpu.region"() ({
      %run_scoped3A_178 = tpu.sem_alloc : memref<!tpu.dma_semaphore, #tpu.memory_space<semaphore_mem>>
      %dma_start3A_179 = arith.constant 0 : i32
      %dma_start3A_180 = arith.constant 0 : i32
      %dma_start3A_181 = tpu.memref_slice %arg8[%run_scoped3A_17, %dma_start3A_179, %dma_start3A_180] : memref<2x128x128xf32, #tpu.memory_space<vmem>> -> memref<1x128x128xf32, #tpu.memory_space<vmem>>
      %dma_start3A_182 = tpu.memref_squeeze %dma_start3A_181 : memref<1x128x128xf32, #tpu.memory_space<vmem>> -> memref<128x128xf32, #tpu.memory_space<vmem>>
      %dma_start3A_183 = arith.constant 0 : i32
      %dma_start3A_184 = tpu.memref_slice %arg9[%add3A_16, %dma_start3A_183] : memref<10112x128xf32, #tpu.memory_space<vmem_shared>> -> memref<128x128xf32, #tpu.memory_space<vmem_shared>>
      %dma_start3A_185 = arith.constant 0 : i32
      %dma_start3A_186 = tpu.memref_slice %arg9[%add3A_16, %dma_start3A_185] : memref<10112x128xf32, #tpu.memory_space<vmem_shared>> -> memref<128x128xf32, #tpu.memory_space<vmem_shared>>
      %dma_start3A_187 = arith.constant 0 : i32
      %dma_start3A_188 = arith.constant 0 : i32
      %dma_start3A_189 = tpu.memref_slice %arg8[%run_scoped3A_17, %dma_start3A_187, %dma_start3A_188] : memref<2x128x128xf32, #tpu.memory_space<vmem>> -> memref<1x128x128xf32, #tpu.memory_space<vmem>>
      %dma_start3A_190 = tpu.memref_squeeze %dma_start3A_189 : memref<1x128x128xf32, #tpu.memory_space<vmem>> -> memref<128x128xf32, #tpu.memory_space<vmem>>
      tpu.enqueue_dma source(%dma_start3A_190 : memref<128x128xf32, #tpu.memory_space<vmem>>) target(%dma_start3A_186 : memref<128x128xf32, #tpu.memory_space<vmem_shared>>) target_semaphore(%run_scoped3A_178 : memref<!tpu.dma_semaphore, #tpu.memory_space<semaphore_mem>>)
      %dma_wait3A_191 = arith.constant 0 : i32
      %dma_wait3A_192 = arith.constant 0 : i32
      %dma_wait3A_193 = tpu.memref_slice %arg8[%run_scoped3A_17, %dma_wait3A_191, %dma_wait3A_192] : memref<2x128x128xf32, #tpu.memory_space<vmem>> -> memref<1x128x128xf32, #tpu.memory_space<vmem>>
      %dma_wait3A_194 = tpu.memref_squeeze %dma_wait3A_193 : memref<1x128x128xf32, #tpu.memory_space<vmem>> -> memref<128x128xf32, #tpu.memory_space<vmem>>
      %dma_wait3A_195 = arith.constant 0 : i32
      %dma_wait3A_196 = tpu.memref_slice %arg9[%add3A_16, %dma_wait3A_195] : memref<10112x128xf32, #tpu.memory_space<vmem_shared>> -> memref<128x128xf32, #tpu.memory_space<vmem_shared>>
      %dma_wait3A_197 = arith.constant 0 : i32
      %dma_wait3A_198 = tpu.memref_slice %arg9[%add3A_16, %dma_wait3A_197] : memref<10112x128xf32, #tpu.memory_space<vmem_shared>> -> memref<128x128xf32, #tpu.memory_space<vmem_shared>>
      %dma_wait3A_199 = arith.constant 0 : i32
      %dma_wait3A_200 = arith.constant 0 : i32
      %dma_wait3A_201 = tpu.memref_slice %arg8[%run_scoped3A_17, %dma_wait3A_199, %dma_wait3A_200] : memref<2x128x128xf32, #tpu.memory_space<vmem>> -> memref<1x128x128xf32, #tpu.memory_space<vmem>>
      %dma_wait3A_202 = tpu.memref_squeeze %dma_wait3A_201 : memref<1x128x128xf32, #tpu.memory_space<vmem>> -> memref<128x128xf32, #tpu.memory_space<vmem>>
      tpu.wait_dma2 semaphore(%run_scoped3A_178 : memref<!tpu.dma_semaphore, #tpu.memory_space<semaphore_mem>>) src(%dma_wait3A_202 : memref<128x128xf32, #tpu.memory_space<vmem>>) dst(%dma_wait3A_198 : memref<128x128xf32, #tpu.memory_space<vmem_shared>>)
      tpu.yield
    }) : () -> ()
    %mul3A_18 = arith.constant 632 : i32
    %mul3A_19 = arith.muli %arg1, %mul3A_18 : i32
    %add3A_20 = arith.constant 384 : i32
    %add3A_21 = arith.addi %mul3A_19, %add3A_20 : i32
    %run_scoped3A_22 = arith.constant 0 : i32
    "tpu.region"() ({
      %run_scoped3A_178 = tpu.sem_alloc : memref<!tpu.dma_semaphore, #tpu.memory_space<semaphore_mem>>
      %dma_start3A_179 = arith.constant 0 : i32
      %dma_start3A_180 = arith.constant 0 : i32
      %dma_start3A_181 = tpu.memref_slice %arg8[%run_scoped3A_22, %dma_start3A_179, %dma_start3A_180] : memref<2x128x128xf32, #tpu.memory_space<vmem>> -> memref<1x128x128xf32, #tpu.memory_space<vmem>>
      %dma_start3A_182 = tpu.memref_squeeze %dma_start3A_181 : memref<1x128x128xf32, #tpu.memory_space<vmem>> -> memref<128x128xf32, #tpu.memory_space<vmem>>
      %dma_start3A_183 = arith.constant 0 : i32
      %dma_start3A_184 = tpu.memref_slice %arg9[%add3A_21, %dma_start3A_183] : memref<10112x128xf32, #tpu.memory_space<vmem_shared>> -> memref<128x128xf32, #tpu.memory_space<vmem_shared>>
      %dma_start3A_185 = arith.constant 0 : i32
      %dma_start3A_186 = tpu.memref_slice %arg9[%add3A_21, %dma_start3A_185] : memref<10112x128xf32, #tpu.memory_space<vmem_shared>> -> memref<128x128xf32, #tpu.memory_space<vmem_shared>>
      %dma_start3A_187 = arith.constant 0 : i32
      %dma_start3A_188 = arith.constant 0 : i32
      %dma_start3A_189 = tpu.memref_slice %arg8[%run_scoped3A_22, %dma_start3A_187, %dma_start3A_188] : memref<2x128x128xf32, #tpu.memory_space<vmem>> -> memref<1x128x128xf32, #tpu.memory_space<vmem>>
      %dma_start3A_190 = tpu.memref_squeeze %dma_start3A_189 : memref<1x128x128xf32, #tpu.memory_space<vmem>> -> memref<128x128xf32, #tpu.memory_space<vmem>>
      tpu.enqueue_dma source(%dma_start3A_190 : memref<128x128xf32, #tpu.memory_space<vmem>>) target(%dma_start3A_186 : memref<128x128xf32, #tpu.memory_space<vmem_shared>>) target_semaphore(%run_scoped3A_178 : memref<!tpu.dma_semaphore, #tpu.memory_space<semaphore_mem>>)
      %dma_wait3A_191 = arith.constant 0 : i32
      %dma_wait3A_192 = arith.constant 0 : i32
      %dma_wait3A_193 = tpu.memref_slice %arg8[%run_scoped3A_22, %dma_wait3A_191, %dma_wait3A_192] : memref<2x128x128xf32, #tpu.memory_space<vmem>> -> memref<1x128x128xf32, #tpu.memory_space<vmem>>
      %dma_wait3A_194 = tpu.memref_squeeze %dma_wait3A_193 : memref<1x128x128xf32, #tpu.memory_space<vmem>> -> memref<128x128xf32, #tpu.memory_space<vmem>>
      %dma_wait3A_195 = arith.constant 0 : i32
      %dma_wait3A_196 = tpu.memref_slice %arg9[%add3A_21, %dma_wait3A_195] : memref<10112x128xf32, #tpu.memory_space<vmem_shared>> -> memref<128x128xf32, #tpu.memory_space<vmem_shared>>
      %dma_wait3A_197 = arith.constant 0 : i32
      %dma_wait3A_198 = tpu.memref_slice %arg9[%add3A_21, %dma_wait3A_197] : memref<10112x128xf32, #tpu.memory_space<vmem_shared>> -> memref<128x128xf32, #tpu.memory_space<vmem_shared>>
      %dma_wait3A_199 = arith.constant 0 : i32
      %dma_wait3A_200 = arith.constant 0 : i32
      %dma_wait3A_201 = tpu.memref_slice %arg8[%run_scoped3A_22, %dma_wait3A_199, %dma_wait3A_200] : memref<2x128x128xf32, #tpu.memory_space<vmem>> -> memref<1x128x128xf32, #tpu.memory_space<vmem>>
      %dma_wait3A_202 = tpu.memref_squeeze %dma_wait3A_201 : memref<1x128x128xf32, #tpu.memory_space<vmem>> -> memref<128x128xf32, #tpu.memory_space<vmem>>
      tpu.wait_dma2 semaphore(%run_scoped3A_178 : memref<!tpu.dma_semaphore, #tpu.memory_space<semaphore_mem>>) src(%dma_wait3A_202 : memref<128x128xf32, #tpu.memory_space<vmem>>) dst(%dma_wait3A_198 : memref<128x128xf32, #tpu.memory_space<vmem_shared>>)
      tpu.yield
    }) : () -> ()
    %mul3A_23 = arith.constant 632 : i32
    %mul3A_24 = arith.muli %arg1, %mul3A_23 : i32
    %add3A_25 = arith.constant 512 : i32
    %add3A_26 = arith.addi %mul3A_24, %add3A_25 : i32
    %run_scoped3A_27 = arith.constant 0 : i32
    "tpu.region"() ({
      %run_scoped3A_178 = tpu.sem_alloc : memref<!tpu.dma_semaphore, #tpu.memory_space<semaphore_mem>>
      %dma_start3A_179 = arith.constant 0 : i32
      %dma_start3A_180 = arith.constant 0 : i32
      %dma_start3A_181 = tpu.memref_slice %arg8[%run_scoped3A_27, %dma_start3A_179, %dma_start3A_180] : memref<2x128x128xf32, #tpu.memory_space<vmem>> -> memref<1x120x128xf32, #tpu.memory_space<vmem>>
      %dma_start3A_182 = tpu.memref_squeeze %dma_start3A_181 : memref<1x120x128xf32, #tpu.memory_space<vmem>> -> memref<120x128xf32, #tpu.memory_space<vmem>>
      %dma_start3A_183 = arith.constant 0 : i32
      %dma_start3A_184 = tpu.memref_slice %arg9[%add3A_26, %dma_start3A_183] : memref<10112x128xf32, #tpu.memory_space<vmem_shared>> -> memref<120x128xf32, #tpu.memory_space<vmem_shared>>
      %dma_start3A_185 = arith.constant 0 : i32
      %dma_start3A_186 = tpu.memref_slice %arg9[%add3A_26, %dma_start3A_185] : memref<10112x128xf32, #tpu.memory_space<vmem_shared>> -> memref<120x128xf32, #tpu.memory_space<vmem_shared>>
      %dma_start3A_187 = arith.constant 0 : i32
      %dma_start3A_188 = arith.constant 0 : i32
      %dma_start3A_189 = tpu.memref_slice %arg8[%run_scoped3A_27, %dma_start3A_187, %dma_start3A_188] : memref<2x128x128xf32, #tpu.memory_space<vmem>> -> memref<1x120x128xf32, #tpu.memory_space<vmem>>
      %dma_start3A_190 = tpu.memref_squeeze %dma_start3A_189 : memref<1x120x128xf32, #tpu.memory_space<vmem>> -> memref<120x128xf32, #tpu.memory_space<vmem>>
      tpu.enqueue_dma source(%dma_start3A_190 : memref<120x128xf32, #tpu.memory_space<vmem>>) target(%dma_start3A_186 : memref<120x128xf32, #tpu.memory_space<vmem_shared>>) target_semaphore(%run_scoped3A_178 : memref<!tpu.dma_semaphore, #tpu.memory_space<semaphore_mem>>)
      %dma_wait3A_191 = arith.constant 0 : i32
      %dma_wait3A_192 = arith.constant 0 : i32
      %dma_wait3A_193 = tpu.memref_slice %arg8[%run_scoped3A_27, %dma_wait3A_191, %dma_wait3A_192] : memref<2x128x128xf32, #tpu.memory_space<vmem>> -> memref<1x120x128xf32, #tpu.memory_space<vmem>>
      %dma_wait3A_194 = tpu.memref_squeeze %dma_wait3A_193 : memref<1x120x128xf32, #tpu.memory_space<vmem>> -> memref<120x128xf32, #tpu.memory_space<vmem>>
      %dma_wait3A_195 = arith.constant 0 : i32
      %dma_wait3A_196 = tpu.memref_slice %arg9[%add3A_26, %dma_wait3A_195] : memref<10112x128xf32, #tpu.memory_space<vmem_shared>> -> memref<120x128xf32, #tpu.memory_space<vmem_shared>>
      %dma_wait3A_197 = arith.constant 0 : i32
      %dma_wait3A_198 = tpu.memref_slice %arg9[%add3A_26, %dma_wait3A_197] : memref<10112x128xf32, #tpu.memory_space<vmem_shared>> -> memref<120x128xf32, #tpu.memory_space<vmem_shared>>
      %dma_wait3A_199 = arith.constant 0 : i32
      %dma_wait3A_200 = arith.constant 0 : i32
      %dma_wait3A_201 = tpu.memref_slice %arg8[%run_scoped3A_27, %dma_wait3A_199, %dma_wait3A_200] : memref<2x128x128xf32, #tpu.memory_space<vmem>> -> memref<1x120x128xf32, #tpu.memory_space<vmem>>
      %dma_wait3A_202 = tpu.memref_squeeze %dma_wait3A_201 : memref<1x120x128xf32, #tpu.memory_space<vmem>> -> memref<120x128xf32, #tpu.memory_space<vmem>>
      tpu.wait_dma2 semaphore(%run_scoped3A_178 : memref<!tpu.dma_semaphore, #tpu.memory_space<semaphore_mem>>) src(%dma_wait3A_202 : memref<120x128xf32, #tpu.memory_space<vmem>>) dst(%dma_wait3A_198 : memref<120x128xf32, #tpu.memory_space<vmem_shared>>)
      tpu.yield
    }) : () -> ()
    %barrier3A = arith.constant 0 : index
    tpu.barrier barrier_id(%barrier3A)
    %eq3A = arith.constant 0 : i32
    %eq3A_28 = arith.cmpi eq, %arg0, %eq3A : i32
    %jit3A = arith.constant 50 : i32
    %jit3A_29 = arith.constant 107 : i32
    %select_n3A = arith.select %eq3A_28, %jit3A, %jit3A_29 : i32
    %dma_start3A = arith.constant 0 : i32
    %dma_start3A_30 = arith.constant 0 : i32
    %dma_start3A_31 = arith.constant 0 : i32
    %dma_start3A_32 = tpu.memref_slice %arg6[%dma_start3A_30, %dma_start3A_31] : memref<4x128xi32, #tpu.memory_space<vmem>> -> memref<1x128xi32, #tpu.memory_space<vmem>>
    %dma_start3A_33 = tpu.memref_squeeze %dma_start3A_32 : memref<1x128xi32, #tpu.memory_space<vmem>> -> memref<128xi32, #tpu.memory_space<vmem>>
    %dma_start3A_34 = arith.constant 0 : i32
    %dma_start3A_35 = tpu.memref_slice %arg3[%arg0, %arg1, %dma_start3A, %dma_start3A_34] : memref<2x16x107x128xi32, #tpu.memory_space<hbm>> -> memref<1x1x1x128xi32, #tpu.memory_space<hbm>>
    %dma_start3A_36 = tpu.memref_squeeze %dma_start3A_35 : memref<1x1x1x128xi32, #tpu.memory_space<hbm>> -> memref<128xi32, #tpu.memory_space<hbm>>
    %dma_start3A_37 = arith.constant 0 : i32
    %dma_start3A_38 = tpu.memref_slice %arg6[%dma_start3A_30, %dma_start3A_37] : memref<4x128xi32, #tpu.memory_space<vmem>> -> memref<1x128xi32, #tpu.memory_space<vmem>>
    %dma_start3A_39 = tpu.memref_squeeze %dma_start3A_38 : memref<1x128xi32, #tpu.memory_space<vmem>> -> memref<128xi32, #tpu.memory_space<vmem>>
    %dma_start3A_40 = arith.constant 0 : i32
    %dma_start3A_41 = tpu.memref_slice %arg3[%arg0, %arg1, %dma_start3A, %dma_start3A_40] : memref<2x16x107x128xi32, #tpu.memory_space<hbm>> -> memref<1x1x1x128xi32, #tpu.memory_space<hbm>>
    %dma_start3A_42 = tpu.memref_squeeze %dma_start3A_41 : memref<1x1x1x128xi32, #tpu.memory_space<hbm>> -> memref<128xi32, #tpu.memory_space<hbm>>
    tpu.enqueue_dma source(%dma_start3A_42 : memref<128xi32, #tpu.memory_space<hbm>>) target(%dma_start3A_39 : memref<128xi32, #tpu.memory_space<vmem>>) target_semaphore(%arg10 : memref<!tpu.dma_semaphore, #tpu.memory_space<semaphore_mem>>)
    %dma_start3A_43 = arith.constant 0 : i32
    %dma_start3A_44 = arith.constant 0 : i32
    %dma_start3A_45 = arith.constant 0 : i32
    %dma_start3A_46 = tpu.memref_slice %arg7[%dma_start3A_44, %dma_start3A_45] : memref<4x128xi32, #tpu.memory_space<vmem>> -> memref<1x128xi32, #tpu.memory_space<vmem>>
    %dma_start3A_47 = tpu.memref_squeeze %dma_start3A_46 : memref<1x128xi32, #tpu.memory_space<vmem>> -> memref<128xi32, #tpu.memory_space<vmem>>
    %dma_start3A_48 = arith.constant 0 : i32
    %dma_start3A_49 = tpu.memref_slice %arg4[%arg0, %arg1, %dma_start3A_43, %dma_start3A_48] : memref<2x16x107x128xi32, #tpu.memory_space<hbm>> -> memref<1x1x1x128xi32, #tpu.memory_space<hbm>>
    %dma_start3A_50 = tpu.memref_squeeze %dma_start3A_49 : memref<1x1x1x128xi32, #tpu.memory_space<hbm>> -> memref<128xi32, #tpu.memory_space<hbm>>
    %dma_start3A_51 = arith.constant 0 : i32
    %dma_start3A_52 = tpu.memref_slice %arg7[%dma_start3A_44, %dma_start3A_51] : memref<4x128xi32, #tpu.memory_space<vmem>> -> memref<1x128xi32, #tpu.memory_space<vmem>>
    %dma_start3A_53 = tpu.memref_squeeze %dma_start3A_52 : memref<1x128xi32, #tpu.memory_space<vmem>> -> memref<128xi32, #tpu.memory_space<vmem>>
    %dma_start3A_54 = arith.constant 0 : i32
    %dma_start3A_55 = tpu.memref_slice %arg4[%arg0, %arg1, %dma_start3A_43, %dma_start3A_54] : memref<2x16x107x128xi32, #tpu.memory_space<hbm>> -> memref<1x1x1x128xi32, #tpu.memory_space<hbm>>
    %dma_start3A_56 = tpu.memref_squeeze %dma_start3A_55 : memref<1x1x1x128xi32, #tpu.memory_space<hbm>> -> memref<128xi32, #tpu.memory_space<hbm>>
    tpu.enqueue_dma source(%dma_start3A_56 : memref<128xi32, #tpu.memory_space<hbm>>) target(%dma_start3A_53 : memref<128xi32, #tpu.memory_space<vmem>>) target_semaphore(%arg10 : memref<!tpu.dma_semaphore, #tpu.memory_space<semaphore_mem>>)
    %dma_start3A_57 = arith.constant 1 : i32
    %dma_start3A_58 = arith.constant 1 : i32
    %dma_start3A_59 = arith.constant 0 : i32
    %dma_start3A_60 = tpu.memref_slice %arg6[%dma_start3A_58, %dma_start3A_59] : memref<4x128xi32, #tpu.memory_space<vmem>> -> memref<1x128xi32, #tpu.memory_space<vmem>>
    %dma_start3A_61 = tpu.memref_squeeze %dma_start3A_60 : memref<1x128xi32, #tpu.memory_space<vmem>> -> memref<128xi32, #tpu.memory_space<vmem>>
    %dma_start3A_62 = arith.constant 0 : i32
    %dma_start3A_63 = tpu.memref_slice %arg3[%arg0, %arg1, %dma_start3A_57, %dma_start3A_62] : memref<2x16x107x128xi32, #tpu.memory_space<hbm>> -> memref<1x1x1x128xi32, #tpu.memory_space<hbm>>
    %dma_start3A_64 = tpu.memref_squeeze %dma_start3A_63 : memref<1x1x1x128xi32, #tpu.memory_space<hbm>> -> memref<128xi32, #tpu.memory_space<hbm>>
    %dma_start3A_65 = arith.constant 0 : i32
    %dma_start3A_66 = tpu.memref_slice %arg6[%dma_start3A_58, %dma_start3A_65] : memref<4x128xi32, #tpu.memory_space<vmem>> -> memref<1x128xi32, #tpu.memory_space<vmem>>
    %dma_start3A_67 = tpu.memref_squeeze %dma_start3A_66 : memref<1x128xi32, #tpu.memory_space<vmem>> -> memref<128xi32, #tpu.memory_space<vmem>>
    %dma_start3A_68 = arith.constant 0 : i32
    %dma_start3A_69 = tpu.memref_slice %arg3[%arg0, %arg1, %dma_start3A_57, %dma_start3A_68] : memref<2x16x107x128xi32, #tpu.memory_space<hbm>> -> memref<1x1x1x128xi32, #tpu.memory_space<hbm>>
    %dma_start3A_70 = tpu.memref_squeeze %dma_start3A_69 : memref<1x1x1x128xi32, #tpu.memory_space<hbm>> -> memref<128xi32, #tpu.memory_space<hbm>>
    tpu.enqueue_dma source(%dma_start3A_70 : memref<128xi32, #tpu.memory_space<hbm>>) target(%dma_start3A_67 : memref<128xi32, #tpu.memory_space<vmem>>) target_semaphore(%arg10 : memref<!tpu.dma_semaphore, #tpu.memory_space<semaphore_mem>>)
    %dma_start3A_71 = arith.constant 1 : i32
    %dma_start3A_72 = arith.constant 1 : i32
    %dma_start3A_73 = arith.constant 0 : i32
    %dma_start3A_74 = tpu.memref_slice %arg7[%dma_start3A_72, %dma_start3A_73] : memref<4x128xi32, #tpu.memory_space<vmem>> -> memref<1x128xi32, #tpu.memory_space<vmem>>
    %dma_start3A_75 = tpu.memref_squeeze %dma_start3A_74 : memref<1x128xi32, #tpu.memory_space<vmem>> -> memref<128xi32, #tpu.memory_space<vmem>>
    %dma_start3A_76 = arith.constant 0 : i32
    %dma_start3A_77 = tpu.memref_slice %arg4[%arg0, %arg1, %dma_start3A_71, %dma_start3A_76] : memref<2x16x107x128xi32, #tpu.memory_space<hbm>> -> memref<1x1x1x128xi32, #tpu.memory_space<hbm>>
    %dma_start3A_78 = tpu.memref_squeeze %dma_start3A_77 : memref<1x1x1x128xi32, #tpu.memory_space<hbm>> -> memref<128xi32, #tpu.memory_space<hbm>>
    %dma_start3A_79 = arith.constant 0 : i32
    %dma_start3A_80 = tpu.memref_slice %arg7[%dma_start3A_72, %dma_start3A_79] : memref<4x128xi32, #tpu.memory_space<vmem>> -> memref<1x128xi32, #tpu.memory_space<vmem>>
    %dma_start3A_81 = tpu.memref_squeeze %dma_start3A_80 : memref<1x128xi32, #tpu.memory_space<vmem>> -> memref<128xi32, #tpu.memory_space<vmem>>
    %dma_start3A_82 = arith.constant 0 : i32
    %dma_start3A_83 = tpu.memref_slice %arg4[%arg0, %arg1, %dma_start3A_71, %dma_start3A_82] : memref<2x16x107x128xi32, #tpu.memory_space<hbm>> -> memref<1x1x1x128xi32, #tpu.memory_space<hbm>>
    %dma_start3A_84 = tpu.memref_squeeze %dma_start3A_83 : memref<1x1x1x128xi32, #tpu.memory_space<hbm>> -> memref<128xi32, #tpu.memory_space<hbm>>
    tpu.enqueue_dma source(%dma_start3A_84 : memref<128xi32, #tpu.memory_space<hbm>>) target(%dma_start3A_81 : memref<128xi32, #tpu.memory_space<vmem>>) target_semaphore(%arg10 : memref<!tpu.dma_semaphore, #tpu.memory_space<semaphore_mem>>)
    %dma_wait3A = arith.constant 0 : i32
    %dma_wait3A_85 = arith.constant 0 : i32
    %dma_wait3A_86 = arith.constant 0 : i32
    %dma_wait3A_87 = tpu.memref_slice %arg6[%dma_wait3A_85, %dma_wait3A_86] : memref<4x128xi32, #tpu.memory_space<vmem>> -> memref<1x128xi32, #tpu.memory_space<vmem>>
    %dma_wait3A_88 = tpu.memref_squeeze %dma_wait3A_87 : memref<1x128xi32, #tpu.memory_space<vmem>> -> memref<128xi32, #tpu.memory_space<vmem>>
    %dma_wait3A_89 = arith.constant 0 : i32
    %dma_wait3A_90 = tpu.memref_slice %arg3[%arg0, %arg1, %dma_wait3A, %dma_wait3A_89] : memref<2x16x107x128xi32, #tpu.memory_space<hbm>> -> memref<1x1x1x128xi32, #tpu.memory_space<hbm>>
    %dma_wait3A_91 = tpu.memref_squeeze %dma_wait3A_90 : memref<1x1x1x128xi32, #tpu.memory_space<hbm>> -> memref<128xi32, #tpu.memory_space<hbm>>
    %dma_wait3A_92 = arith.constant 0 : i32
    %dma_wait3A_93 = tpu.memref_slice %arg6[%dma_wait3A_85, %dma_wait3A_92] : memref<4x128xi32, #tpu.memory_space<vmem>> -> memref<1x128xi32, #tpu.memory_space<vmem>>
    %dma_wait3A_94 = tpu.memref_squeeze %dma_wait3A_93 : memref<1x128xi32, #tpu.memory_space<vmem>> -> memref<128xi32, #tpu.memory_space<vmem>>
    %dma_wait3A_95 = arith.constant 0 : i32
    %dma_wait3A_96 = tpu.memref_slice %arg3[%arg0, %arg1, %dma_wait3A, %dma_wait3A_95] : memref<2x16x107x128xi32, #tpu.memory_space<hbm>> -> memref<1x1x1x128xi32, #tpu.memory_space<hbm>>
    %dma_wait3A_97 = tpu.memref_squeeze %dma_wait3A_96 : memref<1x1x1x128xi32, #tpu.memory_space<hbm>> -> memref<128xi32, #tpu.memory_space<hbm>>
    tpu.wait_dma2 semaphore(%arg10 : memref<!tpu.dma_semaphore, #tpu.memory_space<semaphore_mem>>) src(%dma_wait3A_97 : memref<128xi32, #tpu.memory_space<hbm>>) dst(%dma_wait3A_94 : memref<128xi32, #tpu.memory_space<vmem>>)
    %dma_wait3A_98 = arith.constant 0 : i32
    %dma_wait3A_99 = arith.constant 0 : i32
    %dma_wait3A_100 = arith.constant 0 : i32
    %dma_wait3A_101 = tpu.memref_slice %arg7[%dma_wait3A_99, %dma_wait3A_100] : memref<4x128xi32, #tpu.memory_space<vmem>> -> memref<1x128xi32, #tpu.memory_space<vmem>>
    %dma_wait3A_102 = tpu.memref_squeeze %dma_wait3A_101 : memref<1x128xi32, #tpu.memory_space<vmem>> -> memref<128xi32, #tpu.memory_space<vmem>>
    %dma_wait3A_103 = arith.constant 0 : i32
    %dma_wait3A_104 = tpu.memref_slice %arg4[%arg0, %arg1, %dma_wait3A_98, %dma_wait3A_103] : memref<2x16x107x128xi32, #tpu.memory_space<hbm>> -> memref<1x1x1x128xi32, #tpu.memory_space<hbm>>
    %dma_wait3A_105 = tpu.memref_squeeze %dma_wait3A_104 : memref<1x1x1x128xi32, #tpu.memory_space<hbm>> -> memref<128xi32, #tpu.memory_space<hbm>>
    %dma_wait3A_106 = arith.constant 0 : i32
    %dma_wait3A_107 = tpu.memref_slice %arg7[%dma_wait3A_99, %dma_wait3A_106] : memref<4x128xi32, #tpu.memory_space<vmem>> -> memref<1x128xi32, #tpu.memory_space<vmem>>
    %dma_wait3A_108 = tpu.memref_squeeze %dma_wait3A_107 : memref<1x128xi32, #tpu.memory_space<vmem>> -> memref<128xi32, #tpu.memory_space<vmem>>
    %dma_wait3A_109 = arith.constant 0 : i32
    %dma_wait3A_110 = tpu.memref_slice %arg4[%arg0, %arg1, %dma_wait3A_98, %dma_wait3A_109] : memref<2x16x107x128xi32, #tpu.memory_space<hbm>> -> memref<1x1x1x128xi32, #tpu.memory_space<hbm>>
    %dma_wait3A_111 = tpu.memref_squeeze %dma_wait3A_110 : memref<1x1x1x128xi32, #tpu.memory_space<hbm>> -> memref<128xi32, #tpu.memory_space<hbm>>
    tpu.wait_dma2 semaphore(%arg10 : memref<!tpu.dma_semaphore, #tpu.memory_space<semaphore_mem>>) src(%dma_wait3A_111 : memref<128xi32, #tpu.memory_space<hbm>>) dst(%dma_wait3A_108 : memref<128xi32, #tpu.memory_space<vmem>>)
    %dma_start3A_112 = arith.constant 0 : i32
    %dma_start3A_113 = arith.constant 0 : i32
    %dma_start3A_114 = arith.constant 0 : i32
    %dma_start3A_115 = arith.constant 0 : i32
    %dma_start3A_116 = tpu.memref_slice %arg8[%dma_start3A_113, %dma_start3A_114, %dma_start3A_115] : memref<2x128x128xf32, #tpu.memory_space<vmem>> -> memref<1x128x128xf32, #tpu.memory_space<vmem>>
    %dma_start3A_117 = tpu.memref_squeeze %dma_start3A_116 : memref<1x128x128xf32, #tpu.memory_space<vmem>> -> memref<128x128xf32, #tpu.memory_space<vmem>>
    %dma_start3A_118 = arith.constant 0 : i32
    %dma_start3A_119 = tpu.memref_slice %arg6[%dma_start3A_112, %dma_start3A_118] : memref<4x128xi32, #tpu.memory_space<vmem>> -> memref<1x128xi32, #tpu.memory_space<vmem>>
    %dma_start3A_120 = tpu.memref_squeeze %dma_start3A_119 : memref<1x128xi32, #tpu.memory_space<vmem>> -> memref<128xi32, #tpu.memory_space<vmem>>
    %dma_start3A_121 = arith.constant 0 : i32
    %dma_start3A_122 = arith.constant 0 : i32
    %dma_start3A_123 = tpu.memref_slice %arg2[%dma_start3A_121, %dma_start3A_122] : memref<10000x128xf32, #tpu.memory_space<hbm>> -> memref<10000x128xf32, #tpu.memory_space<hbm>>
    tpu.enqueue_indirect_dma source(%dma_start3A_123 : memref<10000x128xf32, #tpu.memory_space<hbm>>) target(%dma_start3A_117 : memref<128x128xf32, #tpu.memory_space<vmem>>) offsets(%dma_start3A_120 : memref<128xi32, #tpu.memory_space<vmem>>) semaphore(%arg11 : memref<!tpu.dma_semaphore, #tpu.memory_space<semaphore_mem>>)
    %while3A = arith.constant 0 : i32
    %while3A_124 = arith.constant 0 : i32
    %while3A_125 = arith.subi %select_n3A, %while3A_124 : i32
    %while3A_126 = arith.addi %while3A_124, %while3A_125 : i32
    %while3A_127 = arith.constant 1 : i32
    %while3A_128 = arith.divsi %while3A_125, %while3A_127 : i32
    %while3A_129 = arith.muli %while3A_128, %while3A_127 : i32
    %while3A_130 = arith.addi %while3A_124, %while3A_129 : i32
    %while3A_131 = arith.constant 1 : i32
    scf.for %while3A_178 = %while3A_124 to %while3A_130 step %while3A_131  : i32 {
      %jit3A_179 = arith.constant 2 : i32
      %eq3A_180 = arith.constant 0 : i32
      %eq3A_181 = arith.cmpi eq, %jit3A_179, %eq3A_180 : i32
      %jit3A_182 = arith.constant 1 : i32
      %select_n3A_183 = arith.select %eq3A_181, %jit3A_182, %jit3A_179 : i32
      %rem3A = arith.remsi %while3A_178, %select_n3A_183 : i32
      %ne3A = arith.constant 0 : i32
      %ne3A_184 = arith.cmpi ne, %rem3A, %ne3A : i32
      %lt3A = arith.constant 0 : i32
      %lt3A_185 = arith.cmpi slt, %rem3A, %lt3A : i32
      %lt3A_186 = arith.constant 0 : i32
      %lt3A_187 = arith.cmpi slt, %select_n3A_183, %lt3A_186 : i32
      %ne3A_188 = arith.xori %lt3A_185, %lt3A_187 : i1
      %and3A = arith.andi %ne3A_188, %ne3A_184 : i1
      %add3A_189 = arith.addi %rem3A, %select_n3A_183 : i32
      %select_n3A_190 = arith.select %and3A, %add3A_189, %rem3A : i32
      %jit3A_191 = arith.constant 4 : i32
      %eq3A_192 = arith.constant 0 : i32
      %eq3A_193 = arith.cmpi eq, %jit3A_191, %eq3A_192 : i32
      %jit3A_194 = arith.constant 1 : i32
      %select_n3A_195 = arith.select %eq3A_193, %jit3A_194, %jit3A_191 : i32
      %rem3A_196 = arith.remsi %while3A_178, %select_n3A_195 : i32
      %ne3A_197 = arith.constant 0 : i32
      %ne3A_198 = arith.cmpi ne, %rem3A_196, %ne3A_197 : i32
      %lt3A_199 = arith.constant 0 : i32
      %lt3A_200 = arith.cmpi slt, %rem3A_196, %lt3A_199 : i32
      %lt3A_201 = arith.constant 0 : i32
      %lt3A_202 = arith.cmpi slt, %select_n3A_195, %lt3A_201 : i32
      %ne3A_203 = arith.xori %lt3A_200, %lt3A_202 : i1
      %and3A_204 = arith.andi %ne3A_203, %ne3A_198 : i1
      %add3A_205 = arith.addi %rem3A_196, %select_n3A_195 : i32
      %select_n3A_206 = arith.select %and3A_204, %add3A_205, %rem3A_196 : i32
      %dma_wait3A_207 = arith.constant 0 : i32
      %dma_wait3A_208 = arith.constant 0 : i32
      %dma_wait3A_209 = tpu.memref_slice %arg8[%select_n3A_190, %dma_wait3A_207, %dma_wait3A_208] : memref<2x128x128xf32, #tpu.memory_space<vmem>> -> memref<1x128x128xf32, #tpu.memory_space<vmem>>
      %dma_wait3A_210 = tpu.memref_squeeze %dma_wait3A_209 : memref<1x128x128xf32, #tpu.memory_space<vmem>> -> memref<128x128xf32, #tpu.memory_space<vmem>>
      %dma_wait3A_211 = arith.constant 0 : i32
      %dma_wait3A_212 = tpu.memref_slice %arg6[%select_n3A_206, %dma_wait3A_211] : memref<4x128xi32, #tpu.memory_space<vmem>> -> memref<1x128xi32, #tpu.memory_space<vmem>>
      %dma_wait3A_213 = tpu.memref_squeeze %dma_wait3A_212 : memref<1x128xi32, #tpu.memory_space<vmem>> -> memref<128xi32, #tpu.memory_space<vmem>>
      %dma_wait3A_214 = arith.constant 0 : i32
      %dma_wait3A_215 = arith.constant 0 : i32
      %dma_wait3A_216 = tpu.memref_slice %arg2[%dma_wait3A_214, %dma_wait3A_215] : memref<10000x128xf32, #tpu.memory_space<hbm>> -> memref<10000x128xf32, #tpu.memory_space<hbm>>
      tpu.wait_indirect_dma semaphore(%arg11 : memref<!tpu.dma_semaphore, #tpu.memory_space<semaphore_mem>>) src(%dma_wait3A_216 : memref<10000x128xf32, #tpu.memory_space<hbm>>) dst(%dma_wait3A_210 : memref<128x128xf32, #tpu.memory_space<vmem>>)
      %add3A_217 = arith.constant 2 : i32
      %add3A_218 = arith.addi %while3A_178, %add3A_217 : i32
      %sub3A = arith.constant 1 : i32
      %sub3A_219 = arith.subi %select_n3A, %sub3A : i32
      %min3A = arith.minsi %add3A_218, %sub3A_219 : i32
      %add3A_220 = arith.constant 2 : i32
      %add3A_221 = arith.addi %while3A_178, %add3A_220 : i32
      %jit3A_222 = arith.constant 4 : i32
      %eq3A_223 = arith.constant 0 : i32
      %eq3A_224 = arith.cmpi eq, %jit3A_222, %eq3A_223 : i32
      %jit3A_225 = arith.constant 1 : i32
      %select_n3A_226 = arith.select %eq3A_224, %jit3A_225, %jit3A_222 : i32
      %rem3A_227 = arith.remsi %add3A_221, %select_n3A_226 : i32
      %ne3A_228 = arith.constant 0 : i32
      %ne3A_229 = arith.cmpi ne, %rem3A_227, %ne3A_228 : i32
      %lt3A_230 = arith.constant 0 : i32
      %lt3A_231 = arith.cmpi slt, %rem3A_227, %lt3A_230 : i32
      %lt3A_232 = arith.constant 0 : i32
      %lt3A_233 = arith.cmpi slt, %select_n3A_226, %lt3A_232 : i32
      %ne3A_234 = arith.xori %lt3A_231, %lt3A_233 : i1
      %and3A_235 = arith.andi %ne3A_234, %ne3A_229 : i1
      %add3A_236 = arith.addi %rem3A_227, %select_n3A_226 : i32
      %select_n3A_237 = arith.select %and3A_235, %add3A_236, %rem3A_227 : i32
      %dma_start3A_238 = arith.constant 0 : i32
      %dma_start3A_239 = tpu.memref_slice %arg6[%select_n3A_237, %dma_start3A_238] : memref<4x128xi32, #tpu.memory_space<vmem>> -> memref<1x128xi32, #tpu.memory_space<vmem>>
      %dma_start3A_240 = tpu.memref_squeeze %dma_start3A_239 : memref<1x128xi32, #tpu.memory_space<vmem>> -> memref<128xi32, #tpu.memory_space<vmem>>
      %dma_start3A_241 = arith.constant 0 : i32
      %dma_start3A_242 = tpu.memref_slice %arg3[%arg0, %arg1, %min3A, %dma_start3A_241] : memref<2x16x107x128xi32, #tpu.memory_space<hbm>> -> memref<1x1x1x128xi32, #tpu.memory_space<hbm>>
      %dma_start3A_243 = tpu.memref_squeeze %dma_start3A_242 : memref<1x1x1x128xi32, #tpu.memory_space<hbm>> -> memref<128xi32, #tpu.memory_space<hbm>>
      %dma_start3A_244 = arith.constant 0 : i32
      %dma_start3A_245 = tpu.memref_slice %arg6[%select_n3A_237, %dma_start3A_244] : memref<4x128xi32, #tpu.memory_space<vmem>> -> memref<1x128xi32, #tpu.memory_space<vmem>>
      %dma_start3A_246 = tpu.memref_squeeze %dma_start3A_245 : memref<1x128xi32, #tpu.memory_space<vmem>> -> memref<128xi32, #tpu.memory_space<vmem>>
      %dma_start3A_247 = arith.constant 0 : i32
      %dma_start3A_248 = tpu.memref_slice %arg3[%arg0, %arg1, %min3A, %dma_start3A_247] : memref<2x16x107x128xi32, #tpu.memory_space<hbm>> -> memref<1x1x1x128xi32, #tpu.memory_space<hbm>>
      %dma_start3A_249 = tpu.memref_squeeze %dma_start3A_248 : memref<1x1x1x128xi32, #tpu.memory_space<hbm>> -> memref<128xi32, #tpu.memory_space<hbm>>
      tpu.enqueue_dma source(%dma_start3A_249 : memref<128xi32, #tpu.memory_space<hbm>>) target(%dma_start3A_246 : memref<128xi32, #tpu.memory_space<vmem>>) target_semaphore(%arg10 : memref<!tpu.dma_semaphore, #tpu.memory_space<semaphore_mem>>)
      %add3A_250 = arith.constant 2 : i32
      %add3A_251 = arith.addi %while3A_178, %add3A_250 : i32
      %jit3A_252 = arith.constant 4 : i32
      %eq3A_253 = arith.constant 0 : i32
      %eq3A_254 = arith.cmpi eq, %jit3A_252, %eq3A_253 : i32
      %jit3A_255 = arith.constant 1 : i32
      %select_n3A_256 = arith.select %eq3A_254, %jit3A_255, %jit3A_252 : i32
      %rem3A_257 = arith.remsi %add3A_251, %select_n3A_256 : i32
      %ne3A_258 = arith.constant 0 : i32
      %ne3A_259 = arith.cmpi ne, %rem3A_257, %ne3A_258 : i32
      %lt3A_260 = arith.constant 0 : i32
      %lt3A_261 = arith.cmpi slt, %rem3A_257, %lt3A_260 : i32
      %lt3A_262 = arith.constant 0 : i32
      %lt3A_263 = arith.cmpi slt, %select_n3A_256, %lt3A_262 : i32
      %ne3A_264 = arith.xori %lt3A_261, %lt3A_263 : i1
      %and3A_265 = arith.andi %ne3A_264, %ne3A_259 : i1
      %add3A_266 = arith.addi %rem3A_257, %select_n3A_256 : i32
      %select_n3A_267 = arith.select %and3A_265, %add3A_266, %rem3A_257 : i32
      %dma_start3A_268 = arith.constant 0 : i32
      %dma_start3A_269 = tpu.memref_slice %arg7[%select_n3A_267, %dma_start3A_268] : memref<4x128xi32, #tpu.memory_space<vmem>> -> memref<1x128xi32, #tpu.memory_space<vmem>>
      %dma_start3A_270 = tpu.memref_squeeze %dma_start3A_269 : memref<1x128xi32, #tpu.memory_space<vmem>> -> memref<128xi32, #tpu.memory_space<vmem>>
      %dma_start3A_271 = arith.constant 0 : i32
      %dma_start3A_272 = tpu.memref_slice %arg4[%arg0, %arg1, %min3A, %dma_start3A_271] : memref<2x16x107x128xi32, #tpu.memory_space<hbm>> -> memref<1x1x1x128xi32, #tpu.memory_space<hbm>>
      %dma_start3A_273 = tpu.memref_squeeze %dma_start3A_272 : memref<1x1x1x128xi32, #tpu.memory_space<hbm>> -> memref<128xi32, #tpu.memory_space<hbm>>
      %dma_start3A_274 = arith.constant 0 : i32
      %dma_start3A_275 = tpu.memref_slice %arg7[%select_n3A_267, %dma_start3A_274] : memref<4x128xi32, #tpu.memory_space<vmem>> -> memref<1x128xi32, #tpu.memory_space<vmem>>
      %dma_start3A_276 = tpu.memref_squeeze %dma_start3A_275 : memref<1x128xi32, #tpu.memory_space<vmem>> -> memref<128xi32, #tpu.memory_space<vmem>>
      %dma_start3A_277 = arith.constant 0 : i32
      %dma_start3A_278 = tpu.memref_slice %arg4[%arg0, %arg1, %min3A, %dma_start3A_277] : memref<2x16x107x128xi32, #tpu.memory_space<hbm>> -> memref<1x1x1x128xi32, #tpu.memory_space<hbm>>
      %dma_start3A_279 = tpu.memref_squeeze %dma_start3A_278 : memref<1x1x1x128xi32, #tpu.memory_space<hbm>> -> memref<128xi32, #tpu.memory_space<hbm>>
      tpu.enqueue_dma source(%dma_start3A_279 : memref<128xi32, #tpu.memory_space<hbm>>) target(%dma_start3A_276 : memref<128xi32, #tpu.memory_space<vmem>>) target_semaphore(%arg10 : memref<!tpu.dma_semaphore, #tpu.memory_space<semaphore_mem>>)
      %add3A_280 = arith.constant 1 : i32
      %add3A_281 = arith.addi %while3A_178, %add3A_280 : i32
      %sub3A_282 = arith.constant 1 : i32
      %sub3A_283 = arith.subi %select_n3A, %sub3A_282 : i32
      %min3A_284 = arith.minsi %add3A_281, %sub3A_283 : i32
      %add3A_285 = arith.constant 1 : i32
      %add3A_286 = arith.addi %while3A_178, %add3A_285 : i32
      %jit3A_287 = arith.constant 4 : i32
      %eq3A_288 = arith.constant 0 : i32
      %eq3A_289 = arith.cmpi eq, %jit3A_287, %eq3A_288 : i32
      %jit3A_290 = arith.constant 1 : i32
      %select_n3A_291 = arith.select %eq3A_289, %jit3A_290, %jit3A_287 : i32
      %rem3A_292 = arith.remsi %add3A_286, %select_n3A_291 : i32
      %ne3A_293 = arith.constant 0 : i32
      %ne3A_294 = arith.cmpi ne, %rem3A_292, %ne3A_293 : i32
      %lt3A_295 = arith.constant 0 : i32
      %lt3A_296 = arith.cmpi slt, %rem3A_292, %lt3A_295 : i32
      %lt3A_297 = arith.constant 0 : i32
      %lt3A_298 = arith.cmpi slt, %select_n3A_291, %lt3A_297 : i32
      %ne3A_299 = arith.xori %lt3A_296, %lt3A_298 : i1
      %and3A_300 = arith.andi %ne3A_299, %ne3A_294 : i1
      %add3A_301 = arith.addi %rem3A_292, %select_n3A_291 : i32
      %select_n3A_302 = arith.select %and3A_300, %add3A_301, %rem3A_292 : i32
      %dma_wait3A_303 = arith.constant 0 : i32
      %dma_wait3A_304 = tpu.memref_slice %arg6[%select_n3A_302, %dma_wait3A_303] : memref<4x128xi32, #tpu.memory_space<vmem>> -> memref<1x128xi32, #tpu.memory_space<vmem>>
      %dma_wait3A_305 = tpu.memref_squeeze %dma_wait3A_304 : memref<1x128xi32, #tpu.memory_space<vmem>> -> memref<128xi32, #tpu.memory_space<vmem>>
      %dma_wait3A_306 = arith.constant 0 : i32
      %dma_wait3A_307 = tpu.memref_slice %arg3[%arg0, %arg1, %min3A_284, %dma_wait3A_306] : memref<2x16x107x128xi32, #tpu.memory_space<hbm>> -> memref<1x1x1x128xi32, #tpu.memory_space<hbm>>
      %dma_wait3A_308 = tpu.memref_squeeze %dma_wait3A_307 : memref<1x1x1x128xi32, #tpu.memory_space<hbm>> -> memref<128xi32, #tpu.memory_space<hbm>>
      %dma_wait3A_309 = arith.constant 0 : i32
      %dma_wait3A_310 = tpu.memref_slice %arg6[%select_n3A_302, %dma_wait3A_309] : memref<4x128xi32, #tpu.memory_space<vmem>> -> memref<1x128xi32, #tpu.memory_space<vmem>>
      %dma_wait3A_311 = tpu.memref_squeeze %dma_wait3A_310 : memref<1x128xi32, #tpu.memory_space<vmem>> -> memref<128xi32, #tpu.memory_space<vmem>>
      %dma_wait3A_312 = arith.constant 0 : i32
      %dma_wait3A_313 = tpu.memref_slice %arg3[%arg0, %arg1, %min3A_284, %dma_wait3A_312] : memref<2x16x107x128xi32, #tpu.memory_space<hbm>> -> memref<1x1x1x128xi32, #tpu.memory_space<hbm>>
      %dma_wait3A_314 = tpu.memref_squeeze %dma_wait3A_313 : memref<1x1x1x128xi32, #tpu.memory_space<hbm>> -> memref<128xi32, #tpu.memory_space<hbm>>
      tpu.wait_dma2 semaphore(%arg10 : memref<!tpu.dma_semaphore, #tpu.memory_space<semaphore_mem>>) src(%dma_wait3A_314 : memref<128xi32, #tpu.memory_space<hbm>>) dst(%dma_wait3A_311 : memref<128xi32, #tpu.memory_space<vmem>>)
      %add3A_315 = arith.constant 1 : i32
      %add3A_316 = arith.addi %while3A_178, %add3A_315 : i32
      %jit3A_317 = arith.constant 4 : i32
      %eq3A_318 = arith.constant 0 : i32
      %eq3A_319 = arith.cmpi eq, %jit3A_317, %eq3A_318 : i32
      %jit3A_320 = arith.constant 1 : i32
      %select_n3A_321 = arith.select %eq3A_319, %jit3A_320, %jit3A_317 : i32
      %rem3A_322 = arith.remsi %add3A_316, %select_n3A_321 : i32
      %ne3A_323 = arith.constant 0 : i32
      %ne3A_324 = arith.cmpi ne, %rem3A_322, %ne3A_323 : i32
      %lt3A_325 = arith.constant 0 : i32
      %lt3A_326 = arith.cmpi slt, %rem3A_322, %lt3A_325 : i32
      %lt3A_327 = arith.constant 0 : i32
      %lt3A_328 = arith.cmpi slt, %select_n3A_321, %lt3A_327 : i32
      %ne3A_329 = arith.xori %lt3A_326, %lt3A_328 : i1
      %and3A_330 = arith.andi %ne3A_329, %ne3A_324 : i1
      %add3A_331 = arith.addi %rem3A_322, %select_n3A_321 : i32
      %select_n3A_332 = arith.select %and3A_330, %add3A_331, %rem3A_322 : i32
      %dma_wait3A_333 = arith.constant 0 : i32
      %dma_wait3A_334 = tpu.memref_slice %arg7[%select_n3A_332, %dma_wait3A_333] : memref<4x128xi32, #tpu.memory_space<vmem>> -> memref<1x128xi32, #tpu.memory_space<vmem>>
      %dma_wait3A_335 = tpu.memref_squeeze %dma_wait3A_334 : memref<1x128xi32, #tpu.memory_space<vmem>> -> memref<128xi32, #tpu.memory_space<vmem>>
      %dma_wait3A_336 = arith.constant 0 : i32
      %dma_wait3A_337 = tpu.memref_slice %arg4[%arg0, %arg1, %min3A_284, %dma_wait3A_336] : memref<2x16x107x128xi32, #tpu.memory_space<hbm>> -> memref<1x1x1x128xi32, #tpu.memory_space<hbm>>
      %dma_wait3A_338 = tpu.memref_squeeze %dma_wait3A_337 : memref<1x1x1x128xi32, #tpu.memory_space<hbm>> -> memref<128xi32, #tpu.memory_space<hbm>>
      %dma_wait3A_339 = arith.constant 0 : i32
      %dma_wait3A_340 = tpu.memref_slice %arg7[%select_n3A_332, %dma_wait3A_339] : memref<4x128xi32, #tpu.memory_space<vmem>> -> memref<1x128xi32, #tpu.memory_space<vmem>>
      %dma_wait3A_341 = tpu.memref_squeeze %dma_wait3A_340 : memref<1x128xi32, #tpu.memory_space<vmem>> -> memref<128xi32, #tpu.memory_space<vmem>>
      %dma_wait3A_342 = arith.constant 0 : i32
      %dma_wait3A_343 = tpu.memref_slice %arg4[%arg0, %arg1, %min3A_284, %dma_wait3A_342] : memref<2x16x107x128xi32, #tpu.memory_space<hbm>> -> memref<1x1x1x128xi32, #tpu.memory_space<hbm>>
      %dma_wait3A_344 = tpu.memref_squeeze %dma_wait3A_343 : memref<1x1x1x128xi32, #tpu.memory_space<hbm>> -> memref<128xi32, #tpu.memory_space<hbm>>
      tpu.wait_dma2 semaphore(%arg10 : memref<!tpu.dma_semaphore, #tpu.memory_space<semaphore_mem>>) src(%dma_wait3A_344 : memref<128xi32, #tpu.memory_space<hbm>>) dst(%dma_wait3A_341 : memref<128xi32, #tpu.memory_space<vmem>>)
      %add3A_345 = arith.constant 1 : i32
      %add3A_346 = arith.addi %while3A_178, %add3A_345 : i32
      %jit3A_347 = arith.constant 4 : i32
      %eq3A_348 = arith.constant 0 : i32
      %eq3A_349 = arith.cmpi eq, %jit3A_347, %eq3A_348 : i32
      %jit3A_350 = arith.constant 1 : i32
      %select_n3A_351 = arith.select %eq3A_349, %jit3A_350, %jit3A_347 : i32
      %rem3A_352 = arith.remsi %add3A_346, %select_n3A_351 : i32
      %ne3A_353 = arith.constant 0 : i32
      %ne3A_354 = arith.cmpi ne, %rem3A_352, %ne3A_353 : i32
      %lt3A_355 = arith.constant 0 : i32
      %lt3A_356 = arith.cmpi slt, %rem3A_352, %lt3A_355 : i32
      %lt3A_357 = arith.constant 0 : i32
      %lt3A_358 = arith.cmpi slt, %select_n3A_351, %lt3A_357 : i32
      %ne3A_359 = arith.xori %lt3A_356, %lt3A_358 : i1
      %and3A_360 = arith.andi %ne3A_359, %ne3A_354 : i1
      %add3A_361 = arith.addi %rem3A_352, %select_n3A_351 : i32
      %select_n3A_362 = arith.select %and3A_360, %add3A_361, %rem3A_352 : i32
      %add3A_363 = arith.constant 1 : i32
      %add3A_364 = arith.addi %while3A_178, %add3A_363 : i32
      %jit3A_365 = arith.constant 2 : i32
      %eq3A_366 = arith.constant 0 : i32
      %eq3A_367 = arith.cmpi eq, %jit3A_365, %eq3A_366 : i32
      %jit3A_368 = arith.constant 1 : i32
      %select_n3A_369 = arith.select %eq3A_367, %jit3A_368, %jit3A_365 : i32
      %rem3A_370 = arith.remsi %add3A_364, %select_n3A_369 : i32
      %ne3A_371 = arith.constant 0 : i32
      %ne3A_372 = arith.cmpi ne, %rem3A_370, %ne3A_371 : i32
      %lt3A_373 = arith.constant 0 : i32
      %lt3A_374 = arith.cmpi slt, %rem3A_370, %lt3A_373 : i32
      %lt3A_375 = arith.constant 0 : i32
      %lt3A_376 = arith.cmpi slt, %select_n3A_369, %lt3A_375 : i32
      %ne3A_377 = arith.xori %lt3A_374, %lt3A_376 : i1
      %and3A_378 = arith.andi %ne3A_377, %ne3A_372 : i1
      %add3A_379 = arith.addi %rem3A_370, %select_n3A_369 : i32
      %select_n3A_380 = arith.select %and3A_378, %add3A_379, %rem3A_370 : i32
      %dma_start3A_381 = arith.constant 0 : i32
      %dma_start3A_382 = arith.constant 0 : i32
      %dma_start3A_383 = tpu.memref_slice %arg8[%select_n3A_380, %dma_start3A_381, %dma_start3A_382] : memref<2x128x128xf32, #tpu.memory_space<vmem>> -> memref<1x128x128xf32, #tpu.memory_space<vmem>>
      %dma_start3A_384 = tpu.memref_squeeze %dma_start3A_383 : memref<1x128x128xf32, #tpu.memory_space<vmem>> -> memref<128x128xf32, #tpu.memory_space<vmem>>
      %dma_start3A_385 = arith.constant 0 : i32
      %dma_start3A_386 = tpu.memref_slice %arg6[%select_n3A_362, %dma_start3A_385] : memref<4x128xi32, #tpu.memory_space<vmem>> -> memref<1x128xi32, #tpu.memory_space<vmem>>
      %dma_start3A_387 = tpu.memref_squeeze %dma_start3A_386 : memref<1x128xi32, #tpu.memory_space<vmem>> -> memref<128xi32, #tpu.memory_space<vmem>>
      %dma_start3A_388 = arith.constant 0 : i32
      %dma_start3A_389 = arith.constant 0 : i32
      %dma_start3A_390 = tpu.memref_slice %arg2[%dma_start3A_388, %dma_start3A_389] : memref<10000x128xf32, #tpu.memory_space<hbm>> -> memref<10000x128xf32, #tpu.memory_space<hbm>>
      tpu.enqueue_indirect_dma source(%dma_start3A_390 : memref<10000x128xf32, #tpu.memory_space<hbm>>) target(%dma_start3A_384 : memref<128x128xf32, #tpu.memory_space<vmem>>) offsets(%dma_start3A_387 : memref<128xi32, #tpu.memory_space<vmem>>) semaphore(%arg11 : memref<!tpu.dma_semaphore, #tpu.memory_space<semaphore_mem>>)
      %jit3A_391 = arith.constant 4 : i32
      %eq3A_392 = arith.constant 0 : i32
      %eq3A_393 = arith.cmpi eq, %jit3A_391, %eq3A_392 : i32
      %jit3A_394 = arith.constant 1 : i32
      %select_n3A_395 = arith.select %eq3A_393, %jit3A_394, %jit3A_391 : i32
      %rem3A_396 = arith.remsi %while3A_178, %select_n3A_395 : i32
      %ne3A_397 = arith.constant 0 : i32
      %ne3A_398 = arith.cmpi ne, %rem3A_396, %ne3A_397 : i32
      %lt3A_399 = arith.constant 0 : i32
      %lt3A_400 = arith.cmpi slt, %rem3A_396, %lt3A_399 : i32
      %lt3A_401 = arith.constant 0 : i32
      %lt3A_402 = arith.cmpi slt, %select_n3A_395, %lt3A_401 : i32
      %ne3A_403 = arith.xori %lt3A_400, %lt3A_402 : i1
      %and3A_404 = arith.andi %ne3A_403, %ne3A_398 : i1
      %add3A_405 = arith.addi %rem3A_396, %select_n3A_395 : i32
      %select_n3A_406 = arith.select %and3A_404, %add3A_405, %rem3A_396 : i32
      "tpu.region"() ({
        %run_scoped3A_407 = tpu.sem_alloc : memref<!tpu.dma_semaphore, #tpu.memory_space<semaphore_mem>>
        %dma_start3A_408 = arith.constant 0 : i32
        %dma_start3A_409 = arith.constant 0 : i32
        %dma_start3A_410 = tpu.memref_slice %arg8[%select_n3A_190, %dma_start3A_408, %dma_start3A_409] : memref<2x128x128xf32, #tpu.memory_space<vmem>> -> memref<1x128x128xf32, #tpu.memory_space<vmem>>
        %dma_start3A_411 = tpu.memref_squeeze %dma_start3A_410 : memref<1x128x128xf32, #tpu.memory_space<vmem>> -> memref<128x128xf32, #tpu.memory_space<vmem>>
        %dma_start3A_412 = arith.constant 0 : i32
        %dma_start3A_413 = tpu.memref_slice %arg7[%select_n3A_406, %dma_start3A_412] : memref<4x128xi32, #tpu.memory_space<vmem>> -> memref<1x128xi32, #tpu.memory_space<vmem>>
        %dma_start3A_414 = tpu.memref_squeeze %dma_start3A_413 : memref<1x128xi32, #tpu.memory_space<vmem>> -> memref<128xi32, #tpu.memory_space<vmem>>
        %dma_start3A_415 = arith.constant 0 : i32
        %dma_start3A_416 = arith.constant 0 : i32
        %dma_start3A_417 = tpu.memref_slice %arg9[%dma_start3A_415, %dma_start3A_416] : memref<10112x128xf32, #tpu.memory_space<vmem_shared>> -> memref<10112x128xf32, #tpu.memory_space<vmem_shared>>
        tpu.enqueue_indirect_dma source(%dma_start3A_411 : memref<128x128xf32, #tpu.memory_space<vmem>>) target(%dma_start3A_417 : memref<10112x128xf32, #tpu.memory_space<vmem_shared>>) offsets(%dma_start3A_414 : memref<128xi32, #tpu.memory_space<vmem>>) semaphore(%run_scoped3A_407 : memref<!tpu.dma_semaphore, #tpu.memory_space<semaphore_mem>>) {add = true}
        %dma_wait3A_418 = arith.constant 0 : i32
        %dma_wait3A_419 = arith.constant 0 : i32
        %dma_wait3A_420 = tpu.memref_slice %arg8[%select_n3A_190, %dma_wait3A_418, %dma_wait3A_419] : memref<2x128x128xf32, #tpu.memory_space<vmem>> -> memref<1x128x128xf32, #tpu.memory_space<vmem>>
        %dma_wait3A_421 = tpu.memref_squeeze %dma_wait3A_420 : memref<1x128x128xf32, #tpu.memory_space<vmem>> -> memref<128x128xf32, #tpu.memory_space<vmem>>
        %dma_wait3A_422 = arith.constant 0 : i32
        %dma_wait3A_423 = tpu.memref_slice %arg7[%select_n3A_406, %dma_wait3A_422] : memref<4x128xi32, #tpu.memory_space<vmem>> -> memref<1x128xi32, #tpu.memory_space<vmem>>
        %dma_wait3A_424 = tpu.memref_squeeze %dma_wait3A_423 : memref<1x128xi32, #tpu.memory_space<vmem>> -> memref<128xi32, #tpu.memory_space<vmem>>
        %dma_wait3A_425 = arith.constant 0 : i32
        %dma_wait3A_426 = arith.constant 0 : i32
        %dma_wait3A_427 = tpu.memref_slice %arg9[%dma_wait3A_425, %dma_wait3A_426] : memref<10112x128xf32, #tpu.memory_space<vmem_shared>> -> memref<10112x128xf32, #tpu.memory_space<vmem_shared>>
        tpu.wait_indirect_dma semaphore(%run_scoped3A_407 : memref<!tpu.dma_semaphore, #tpu.memory_space<semaphore_mem>>) src(%dma_wait3A_421 : memref<128x128xf32, #tpu.memory_space<vmem>>) dst(%dma_wait3A_427 : memref<10112x128xf32, #tpu.memory_space<vmem_shared>>)
        tpu.yield
      }) : () -> ()
    }
    %while3A_132 = arith.constant 1 : i32
    scf.for %while3A_178 = %while3A_130 to %while3A_126 step %while3A_132  : i32 {
      %jit3A_179 = arith.constant 2 : i32
      %eq3A_180 = arith.constant 0 : i32
      %eq3A_181 = arith.cmpi eq, %jit3A_179, %eq3A_180 : i32
      %jit3A_182 = arith.constant 1 : i32
      %select_n3A_183 = arith.select %eq3A_181, %jit3A_182, %jit3A_179 : i32
      %rem3A = arith.remsi %while3A_178, %select_n3A_183 : i32
      %ne3A = arith.constant 0 : i32
      %ne3A_184 = arith.cmpi ne, %rem3A, %ne3A : i32
      %lt3A = arith.constant 0 : i32
      %lt3A_185 = arith.cmpi slt, %rem3A, %lt3A : i32
      %lt3A_186 = arith.constant 0 : i32
      %lt3A_187 = arith.cmpi slt, %select_n3A_183, %lt3A_186 : i32
      %ne3A_188 = arith.xori %lt3A_185, %lt3A_187 : i1
      %and3A = arith.andi %ne3A_188, %ne3A_184 : i1
      %add3A_189 = arith.addi %rem3A, %select_n3A_183 : i32
      %select_n3A_190 = arith.select %and3A, %add3A_189, %rem3A : i32
      %jit3A_191 = arith.constant 4 : i32
      %eq3A_192 = arith.constant 0 : i32
      %eq3A_193 = arith.cmpi eq, %jit3A_191, %eq3A_192 : i32
      %jit3A_194 = arith.constant 1 : i32
      %select_n3A_195 = arith.select %eq3A_193, %jit3A_194, %jit3A_191 : i32
      %rem3A_196 = arith.remsi %while3A_178, %select_n3A_195 : i32
      %ne3A_197 = arith.constant 0 : i32
      %ne3A_198 = arith.cmpi ne, %rem3A_196, %ne3A_197 : i32
      %lt3A_199 = arith.constant 0 : i32
      %lt3A_200 = arith.cmpi slt, %rem3A_196, %lt3A_199 : i32
      %lt3A_201 = arith.constant 0 : i32
      %lt3A_202 = arith.cmpi slt, %select_n3A_195, %lt3A_201 : i32
      %ne3A_203 = arith.xori %lt3A_200, %lt3A_202 : i1
      %and3A_204 = arith.andi %ne3A_203, %ne3A_198 : i1
      %add3A_205 = arith.addi %rem3A_196, %select_n3A_195 : i32
      %select_n3A_206 = arith.select %and3A_204, %add3A_205, %rem3A_196 : i32
      %dma_wait3A_207 = arith.constant 0 : i32
      %dma_wait3A_208 = arith.constant 0 : i32
      %dma_wait3A_209 = tpu.memref_slice %arg8[%select_n3A_190, %dma_wait3A_207, %dma_wait3A_208] : memref<2x128x128xf32, #tpu.memory_space<vmem>> -> memref<1x128x128xf32, #tpu.memory_space<vmem>>
      %dma_wait3A_210 = tpu.memref_squeeze %dma_wait3A_209 : memref<1x128x128xf32, #tpu.memory_space<vmem>> -> memref<128x128xf32, #tpu.memory_space<vmem>>
      %dma_wait3A_211 = arith.constant 0 : i32
      %dma_wait3A_212 = tpu.memref_slice %arg6[%select_n3A_206, %dma_wait3A_211] : memref<4x128xi32, #tpu.memory_space<vmem>> -> memref<1x128xi32, #tpu.memory_space<vmem>>
      %dma_wait3A_213 = tpu.memref_squeeze %dma_wait3A_212 : memref<1x128xi32, #tpu.memory_space<vmem>> -> memref<128xi32, #tpu.memory_space<vmem>>
      %dma_wait3A_214 = arith.constant 0 : i32
      %dma_wait3A_215 = arith.constant 0 : i32
      %dma_wait3A_216 = tpu.memref_slice %arg2[%dma_wait3A_214, %dma_wait3A_215] : memref<10000x128xf32, #tpu.memory_space<hbm>> -> memref<10000x128xf32, #tpu.memory_space<hbm>>
      tpu.wait_indirect_dma semaphore(%arg11 : memref<!tpu.dma_semaphore, #tpu.memory_space<semaphore_mem>>) src(%dma_wait3A_216 : memref<10000x128xf32, #tpu.memory_space<hbm>>) dst(%dma_wait3A_210 : memref<128x128xf32, #tpu.memory_space<vmem>>)
      %add3A_217 = arith.constant 2 : i32
      %add3A_218 = arith.addi %while3A_178, %add3A_217 : i32
      %sub3A = arith.constant 1 : i32
      %sub3A_219 = arith.subi %select_n3A, %sub3A : i32
      %min3A = arith.minsi %add3A_218, %sub3A_219 : i32
      %add3A_220 = arith.constant 2 : i32
      %add3A_221 = arith.addi %while3A_178, %add3A_220 : i32
      %jit3A_222 = arith.constant 4 : i32
      %eq3A_223 = arith.constant 0 : i32
      %eq3A_224 = arith.cmpi eq, %jit3A_222, %eq3A_223 : i32
      %jit3A_225 = arith.constant 1 : i32
      %select_n3A_226 = arith.select %eq3A_224, %jit3A_225, %jit3A_222 : i32
      %rem3A_227 = arith.remsi %add3A_221, %select_n3A_226 : i32
      %ne3A_228 = arith.constant 0 : i32
      %ne3A_229 = arith.cmpi ne, %rem3A_227, %ne3A_228 : i32
      %lt3A_230 = arith.constant 0 : i32
      %lt3A_231 = arith.cmpi slt, %rem3A_227, %lt3A_230 : i32
      %lt3A_232 = arith.constant 0 : i32
      %lt3A_233 = arith.cmpi slt, %select_n3A_226, %lt3A_232 : i32
      %ne3A_234 = arith.xori %lt3A_231, %lt3A_233 : i1
      %and3A_235 = arith.andi %ne3A_234, %ne3A_229 : i1
      %add3A_236 = arith.addi %rem3A_227, %select_n3A_226 : i32
      %select_n3A_237 = arith.select %and3A_235, %add3A_236, %rem3A_227 : i32
      %dma_start3A_238 = arith.constant 0 : i32
      %dma_start3A_239 = tpu.memref_slice %arg6[%select_n3A_237, %dma_start3A_238] : memref<4x128xi32, #tpu.memory_space<vmem>> -> memref<1x128xi32, #tpu.memory_space<vmem>>
      %dma_start3A_240 = tpu.memref_squeeze %dma_start3A_239 : memref<1x128xi32, #tpu.memory_space<vmem>> -> memref<128xi32, #tpu.memory_space<vmem>>
      %dma_start3A_241 = arith.constant 0 : i32
      %dma_start3A_242 = tpu.memref_slice %arg3[%arg0, %arg1, %min3A, %dma_start3A_241] : memref<2x16x107x128xi32, #tpu.memory_space<hbm>> -> memref<1x1x1x128xi32, #tpu.memory_space<hbm>>
      %dma_start3A_243 = tpu.memref_squeeze %dma_start3A_242 : memref<1x1x1x128xi32, #tpu.memory_space<hbm>> -> memref<128xi32, #tpu.memory_space<hbm>>
      %dma_start3A_244 = arith.constant 0 : i32
      %dma_start3A_245 = tpu.memref_slice %arg6[%select_n3A_237, %dma_start3A_244] : memref<4x128xi32, #tpu.memory_space<vmem>> -> memref<1x128xi32, #tpu.memory_space<vmem>>
      %dma_start3A_246 = tpu.memref_squeeze %dma_start3A_245 : memref<1x128xi32, #tpu.memory_space<vmem>> -> memref<128xi32, #tpu.memory_space<vmem>>
      %dma_start3A_247 = arith.constant 0 : i32
      %dma_start3A_248 = tpu.memref_slice %arg3[%arg0, %arg1, %min3A, %dma_start3A_247] : memref<2x16x107x128xi32, #tpu.memory_space<hbm>> -> memref<1x1x1x128xi32, #tpu.memory_space<hbm>>
      %dma_start3A_249 = tpu.memref_squeeze %dma_start3A_248 : memref<1x1x1x128xi32, #tpu.memory_space<hbm>> -> memref<128xi32, #tpu.memory_space<hbm>>
      tpu.enqueue_dma source(%dma_start3A_249 : memref<128xi32, #tpu.memory_space<hbm>>) target(%dma_start3A_246 : memref<128xi32, #tpu.memory_space<vmem>>) target_semaphore(%arg10 : memref<!tpu.dma_semaphore, #tpu.memory_space<semaphore_mem>>)
      %add3A_250 = arith.constant 2 : i32
      %add3A_251 = arith.addi %while3A_178, %add3A_250 : i32
      %jit3A_252 = arith.constant 4 : i32
      %eq3A_253 = arith.constant 0 : i32
      %eq3A_254 = arith.cmpi eq, %jit3A_252, %eq3A_253 : i32
      %jit3A_255 = arith.constant 1 : i32
      %select_n3A_256 = arith.select %eq3A_254, %jit3A_255, %jit3A_252 : i32
      %rem3A_257 = arith.remsi %add3A_251, %select_n3A_256 : i32
      %ne3A_258 = arith.constant 0 : i32
      %ne3A_259 = arith.cmpi ne, %rem3A_257, %ne3A_258 : i32
      %lt3A_260 = arith.constant 0 : i32
      %lt3A_261 = arith.cmpi slt, %rem3A_257, %lt3A_260 : i32
      %lt3A_262 = arith.constant 0 : i32
      %lt3A_263 = arith.cmpi slt, %select_n3A_256, %lt3A_262 : i32
      %ne3A_264 = arith.xori %lt3A_261, %lt3A_263 : i1
      %and3A_265 = arith.andi %ne3A_264, %ne3A_259 : i1
      %add3A_266 = arith.addi %rem3A_257, %select_n3A_256 : i32
      %select_n3A_267 = arith.select %and3A_265, %add3A_266, %rem3A_257 : i32
      %dma_start3A_268 = arith.constant 0 : i32
      %dma_start3A_269 = tpu.memref_slice %arg7[%select_n3A_267, %dma_start3A_268] : memref<4x128xi32, #tpu.memory_space<vmem>> -> memref<1x128xi32, #tpu.memory_space<vmem>>
      %dma_start3A_270 = tpu.memref_squeeze %dma_start3A_269 : memref<1x128xi32, #tpu.memory_space<vmem>> -> memref<128xi32, #tpu.memory_space<vmem>>
      %dma_start3A_271 = arith.constant 0 : i32
      %dma_start3A_272 = tpu.memref_slice %arg4[%arg0, %arg1, %min3A, %dma_start3A_271] : memref<2x16x107x128xi32, #tpu.memory_space<hbm>> -> memref<1x1x1x128xi32, #tpu.memory_space<hbm>>
      %dma_start3A_273 = tpu.memref_squeeze %dma_start3A_272 : memref<1x1x1x128xi32, #tpu.memory_space<hbm>> -> memref<128xi32, #tpu.memory_space<hbm>>
      %dma_start3A_274 = arith.constant 0 : i32
      %dma_start3A_275 = tpu.memref_slice %arg7[%select_n3A_267, %dma_start3A_274] : memref<4x128xi32, #tpu.memory_space<vmem>> -> memref<1x128xi32, #tpu.memory_space<vmem>>
      %dma_start3A_276 = tpu.memref_squeeze %dma_start3A_275 : memref<1x128xi32, #tpu.memory_space<vmem>> -> memref<128xi32, #tpu.memory_space<vmem>>
      %dma_start3A_277 = arith.constant 0 : i32
      %dma_start3A_278 = tpu.memref_slice %arg4[%arg0, %arg1, %min3A, %dma_start3A_277] : memref<2x16x107x128xi32, #tpu.memory_space<hbm>> -> memref<1x1x1x128xi32, #tpu.memory_space<hbm>>
      %dma_start3A_279 = tpu.memref_squeeze %dma_start3A_278 : memref<1x1x1x128xi32, #tpu.memory_space<hbm>> -> memref<128xi32, #tpu.memory_space<hbm>>
      tpu.enqueue_dma source(%dma_start3A_279 : memref<128xi32, #tpu.memory_space<hbm>>) target(%dma_start3A_276 : memref<128xi32, #tpu.memory_space<vmem>>) target_semaphore(%arg10 : memref<!tpu.dma_semaphore, #tpu.memory_space<semaphore_mem>>)
      %add3A_280 = arith.constant 1 : i32
      %add3A_281 = arith.addi %while3A_178, %add3A_280 : i32
      %sub3A_282 = arith.constant 1 : i32
      %sub3A_283 = arith.subi %select_n3A, %sub3A_282 : i32
      %min3A_284 = arith.minsi %add3A_281, %sub3A_283 : i32
      %add3A_285 = arith.constant 1 : i32
      %add3A_286 = arith.addi %while3A_178, %add3A_285 : i32
      %jit3A_287 = arith.constant 4 : i32
      %eq3A_288 = arith.constant 0 : i32
      %eq3A_289 = arith.cmpi eq, %jit3A_287, %eq3A_288 : i32
      %jit3A_290 = arith.constant 1 : i32
      %select_n3A_291 = arith.select %eq3A_289, %jit3A_290, %jit3A_287 : i32
      %rem3A_292 = arith.remsi %add3A_286, %select_n3A_291 : i32
      %ne3A_293 = arith.constant 0 : i32
      %ne3A_294 = arith.cmpi ne, %rem3A_292, %ne3A_293 : i32
      %lt3A_295 = arith.constant 0 : i32
      %lt3A_296 = arith.cmpi slt, %rem3A_292, %lt3A_295 : i32
      %lt3A_297 = arith.constant 0 : i32
      %lt3A_298 = arith.cmpi slt, %select_n3A_291, %lt3A_297 : i32
      %ne3A_299 = arith.xori %lt3A_296, %lt3A_298 : i1
      %and3A_300 = arith.andi %ne3A_299, %ne3A_294 : i1
      %add3A_301 = arith.addi %rem3A_292, %select_n3A_291 : i32
      %select_n3A_302 = arith.select %and3A_300, %add3A_301, %rem3A_292 : i32
      %dma_wait3A_303 = arith.constant 0 : i32
      %dma_wait3A_304 = tpu.memref_slice %arg6[%select_n3A_302, %dma_wait3A_303] : memref<4x128xi32, #tpu.memory_space<vmem>> -> memref<1x128xi32, #tpu.memory_space<vmem>>
      %dma_wait3A_305 = tpu.memref_squeeze %dma_wait3A_304 : memref<1x128xi32, #tpu.memory_space<vmem>> -> memref<128xi32, #tpu.memory_space<vmem>>
      %dma_wait3A_306 = arith.constant 0 : i32
      %dma_wait3A_307 = tpu.memref_slice %arg3[%arg0, %arg1, %min3A_284, %dma_wait3A_306] : memref<2x16x107x128xi32, #tpu.memory_space<hbm>> -> memref<1x1x1x128xi32, #tpu.memory_space<hbm>>
      %dma_wait3A_308 = tpu.memref_squeeze %dma_wait3A_307 : memref<1x1x1x128xi32, #tpu.memory_space<hbm>> -> memref<128xi32, #tpu.memory_space<hbm>>
      %dma_wait3A_309 = arith.constant 0 : i32
      %dma_wait3A_310 = tpu.memref_slice %arg6[%select_n3A_302, %dma_wait3A_309] : memref<4x128xi32, #tpu.memory_space<vmem>> -> memref<1x128xi32, #tpu.memory_space<vmem>>
      %dma_wait3A_311 = tpu.memref_squeeze %dma_wait3A_310 : memref<1x128xi32, #tpu.memory_space<vmem>> -> memref<128xi32, #tpu.memory_space<vmem>>
      %dma_wait3A_312 = arith.constant 0 : i32
      %dma_wait3A_313 = tpu.memref_slice %arg3[%arg0, %arg1, %min3A_284, %dma_wait3A_312] : memref<2x16x107x128xi32, #tpu.memory_space<hbm>> -> memref<1x1x1x128xi32, #tpu.memory_space<hbm>>
      %dma_wait3A_314 = tpu.memref_squeeze %dma_wait3A_313 : memref<1x1x1x128xi32, #tpu.memory_space<hbm>> -> memref<128xi32, #tpu.memory_space<hbm>>
      tpu.wait_dma2 semaphore(%arg10 : memref<!tpu.dma_semaphore, #tpu.memory_space<semaphore_mem>>) src(%dma_wait3A_314 : memref<128xi32, #tpu.memory_space<hbm>>) dst(%dma_wait3A_311 : memref<128xi32, #tpu.memory_space<vmem>>)
      %add3A_315 = arith.constant 1 : i32
      %add3A_316 = arith.addi %while3A_178, %add3A_315 : i32
      %jit3A_317 = arith.constant 4 : i32
      %eq3A_318 = arith.constant 0 : i32
      %eq3A_319 = arith.cmpi eq, %jit3A_317, %eq3A_318 : i32
      %jit3A_320 = arith.constant 1 : i32
      %select_n3A_321 = arith.select %eq3A_319, %jit3A_320, %jit3A_317 : i32
      %rem3A_322 = arith.remsi %add3A_316, %select_n3A_321 : i32
      %ne3A_323 = arith.constant 0 : i32
      %ne3A_324 = arith.cmpi ne, %rem3A_322, %ne3A_323 : i32
      %lt3A_325 = arith.constant 0 : i32
      %lt3A_326 = arith.cmpi slt, %rem3A_322, %lt3A_325 : i32
      %lt3A_327 = arith.constant 0 : i32
      %lt3A_328 = arith.cmpi slt, %select_n3A_321, %lt3A_327 : i32
      %ne3A_329 = arith.xori %lt3A_326, %lt3A_328 : i1
      %and3A_330 = arith.andi %ne3A_329, %ne3A_324 : i1
      %add3A_331 = arith.addi %rem3A_322, %select_n3A_321 : i32
      %select_n3A_332 = arith.select %and3A_330, %add3A_331, %rem3A_322 : i32
      %dma_wait3A_333 = arith.constant 0 : i32
      %dma_wait3A_334 = tpu.memref_slice %arg7[%select_n3A_332, %dma_wait3A_333] : memref<4x128xi32, #tpu.memory_space<vmem>> -> memref<1x128xi32, #tpu.memory_space<vmem>>
      %dma_wait3A_335 = tpu.memref_squeeze %dma_wait3A_334 : memref<1x128xi32, #tpu.memory_space<vmem>> -> memref<128xi32, #tpu.memory_space<vmem>>
      %dma_wait3A_336 = arith.constant 0 : i32
      %dma_wait3A_337 = tpu.memref_slice %arg4[%arg0, %arg1, %min3A_284, %dma_wait3A_336] : memref<2x16x107x128xi32, #tpu.memory_space<hbm>> -> memref<1x1x1x128xi32, #tpu.memory_space<hbm>>
      %dma_wait3A_338 = tpu.memref_squeeze %dma_wait3A_337 : memref<1x1x1x128xi32, #tpu.memory_space<hbm>> -> memref<128xi32, #tpu.memory_space<hbm>>
      %dma_wait3A_339 = arith.constant 0 : i32
      %dma_wait3A_340 = tpu.memref_slice %arg7[%select_n3A_332, %dma_wait3A_339] : memref<4x128xi32, #tpu.memory_space<vmem>> -> memref<1x128xi32, #tpu.memory_space<vmem>>
      %dma_wait3A_341 = tpu.memref_squeeze %dma_wait3A_340 : memref<1x128xi32, #tpu.memory_space<vmem>> -> memref<128xi32, #tpu.memory_space<vmem>>
      %dma_wait3A_342 = arith.constant 0 : i32
      %dma_wait3A_343 = tpu.memref_slice %arg4[%arg0, %arg1, %min3A_284, %dma_wait3A_342] : memref<2x16x107x128xi32, #tpu.memory_space<hbm>> -> memref<1x1x1x128xi32, #tpu.memory_space<hbm>>
      %dma_wait3A_344 = tpu.memref_squeeze %dma_wait3A_343 : memref<1x1x1x128xi32, #tpu.memory_space<hbm>> -> memref<128xi32, #tpu.memory_space<hbm>>
      tpu.wait_dma2 semaphore(%arg10 : memref<!tpu.dma_semaphore, #tpu.memory_space<semaphore_mem>>) src(%dma_wait3A_344 : memref<128xi32, #tpu.memory_space<hbm>>) dst(%dma_wait3A_341 : memref<128xi32, #tpu.memory_space<vmem>>)
      %add3A_345 = arith.constant 1 : i32
      %add3A_346 = arith.addi %while3A_178, %add3A_345 : i32
      %jit3A_347 = arith.constant 4 : i32
      %eq3A_348 = arith.constant 0 : i32
      %eq3A_349 = arith.cmpi eq, %jit3A_347, %eq3A_348 : i32
      %jit3A_350 = arith.constant 1 : i32
      %select_n3A_351 = arith.select %eq3A_349, %jit3A_350, %jit3A_347 : i32
      %rem3A_352 = arith.remsi %add3A_346, %select_n3A_351 : i32
      %ne3A_353 = arith.constant 0 : i32
      %ne3A_354 = arith.cmpi ne, %rem3A_352, %ne3A_353 : i32
      %lt3A_355 = arith.constant 0 : i32
      %lt3A_356 = arith.cmpi slt, %rem3A_352, %lt3A_355 : i32
      %lt3A_357 = arith.constant 0 : i32
      %lt3A_358 = arith.cmpi slt, %select_n3A_351, %lt3A_357 : i32
      %ne3A_359 = arith.xori %lt3A_356, %lt3A_358 : i1
      %and3A_360 = arith.andi %ne3A_359, %ne3A_354 : i1
      %add3A_361 = arith.addi %rem3A_352, %select_n3A_351 : i32
      %select_n3A_362 = arith.select %and3A_360, %add3A_361, %rem3A_352 : i32
      %add3A_363 = arith.constant 1 : i32
      %add3A_364 = arith.addi %while3A_178, %add3A_363 : i32
      %jit3A_365 = arith.constant 2 : i32
      %eq3A_366 = arith.constant 0 : i32
      %eq3A_367 = arith.cmpi eq, %jit3A_365, %eq3A_366 : i32
      %jit3A_368 = arith.constant 1 : i32
      %select_n3A_369 = arith.select %eq3A_367, %jit3A_368, %jit3A_365 : i32
      %rem3A_370 = arith.remsi %add3A_364, %select_n3A_369 : i32
      %ne3A_371 = arith.constant 0 : i32
      %ne3A_372 = arith.cmpi ne, %rem3A_370, %ne3A_371 : i32
      %lt3A_373 = arith.constant 0 : i32
      %lt3A_374 = arith.cmpi slt, %rem3A_370, %lt3A_373 : i32
      %lt3A_375 = arith.constant 0 : i32
      %lt3A_376 = arith.cmpi slt, %select_n3A_369, %lt3A_375 : i32
      %ne3A_377 = arith.xori %lt3A_374, %lt3A_376 : i1
      %and3A_378 = arith.andi %ne3A_377, %ne3A_372 : i1
      %add3A_379 = arith.addi %rem3A_370, %select_n3A_369 : i32
      %select_n3A_380 = arith.select %and3A_378, %add3A_379, %rem3A_370 : i32
      %dma_start3A_381 = arith.constant 0 : i32
      %dma_start3A_382 = arith.constant 0 : i32
      %dma_start3A_383 = tpu.memref_slice %arg8[%select_n3A_380, %dma_start3A_381, %dma_start3A_382] : memref<2x128x128xf32, #tpu.memory_space<vmem>> -> memref<1x128x128xf32, #tpu.memory_space<vmem>>
      %dma_start3A_384 = tpu.memref_squeeze %dma_start3A_383 : memref<1x128x128xf32, #tpu.memory_space<vmem>> -> memref<128x128xf32, #tpu.memory_space<vmem>>
      %dma_start3A_385 = arith.constant 0 : i32
      %dma_start3A_386 = tpu.memref_slice %arg6[%select_n3A_362, %dma_start3A_385] : memref<4x128xi32, #tpu.memory_space<vmem>> -> memref<1x128xi32, #tpu.memory_space<vmem>>
      %dma_start3A_387 = tpu.memref_squeeze %dma_start3A_386 : memref<1x128xi32, #tpu.memory_space<vmem>> -> memref<128xi32, #tpu.memory_space<vmem>>
      %dma_start3A_388 = arith.constant 0 : i32
      %dma_start3A_389 = arith.constant 0 : i32
      %dma_start3A_390 = tpu.memref_slice %arg2[%dma_start3A_388, %dma_start3A_389] : memref<10000x128xf32, #tpu.memory_space<hbm>> -> memref<10000x128xf32, #tpu.memory_space<hbm>>
      tpu.enqueue_indirect_dma source(%dma_start3A_390 : memref<10000x128xf32, #tpu.memory_space<hbm>>) target(%dma_start3A_384 : memref<128x128xf32, #tpu.memory_space<vmem>>) offsets(%dma_start3A_387 : memref<128xi32, #tpu.memory_space<vmem>>) semaphore(%arg11 : memref<!tpu.dma_semaphore, #tpu.memory_space<semaphore_mem>>)
      %jit3A_391 = arith.constant 4 : i32
      %eq3A_392 = arith.constant 0 : i32
      %eq3A_393 = arith.cmpi eq, %jit3A_391, %eq3A_392 : i32
      %jit3A_394 = arith.constant 1 : i32
      %select_n3A_395 = arith.select %eq3A_393, %jit3A_394, %jit3A_391 : i32
      %rem3A_396 = arith.remsi %while3A_178, %select_n3A_395 : i32
      %ne3A_397 = arith.constant 0 : i32
      %ne3A_398 = arith.cmpi ne, %rem3A_396, %ne3A_397 : i32
      %lt3A_399 = arith.constant 0 : i32
      %lt3A_400 = arith.cmpi slt, %rem3A_396, %lt3A_399 : i32
      %lt3A_401 = arith.constant 0 : i32
      %lt3A_402 = arith.cmpi slt, %select_n3A_395, %lt3A_401 : i32
      %ne3A_403 = arith.xori %lt3A_400, %lt3A_402 : i1
      %and3A_404 = arith.andi %ne3A_403, %ne3A_398 : i1
      %add3A_405 = arith.addi %rem3A_396, %select_n3A_395 : i32
      %select_n3A_406 = arith.select %and3A_404, %add3A_405, %rem3A_396 : i32
      "tpu.region"() ({
        %run_scoped3A_407 = tpu.sem_alloc : memref<!tpu.dma_semaphore, #tpu.memory_space<semaphore_mem>>
        %dma_start3A_408 = arith.constant 0 : i32
        %dma_start3A_409 = arith.constant 0 : i32
        %dma_start3A_410 = tpu.memref_slice %arg8[%select_n3A_190, %dma_start3A_408, %dma_start3A_409] : memref<2x128x128xf32, #tpu.memory_space<vmem>> -> memref<1x128x128xf32, #tpu.memory_space<vmem>>
        %dma_start3A_411 = tpu.memref_squeeze %dma_start3A_410 : memref<1x128x128xf32, #tpu.memory_space<vmem>> -> memref<128x128xf32, #tpu.memory_space<vmem>>
        %dma_start3A_412 = arith.constant 0 : i32
        %dma_start3A_413 = tpu.memref_slice %arg7[%select_n3A_406, %dma_start3A_412] : memref<4x128xi32, #tpu.memory_space<vmem>> -> memref<1x128xi32, #tpu.memory_space<vmem>>
        %dma_start3A_414 = tpu.memref_squeeze %dma_start3A_413 : memref<1x128xi32, #tpu.memory_space<vmem>> -> memref<128xi32, #tpu.memory_space<vmem>>
        %dma_start3A_415 = arith.constant 0 : i32
        %dma_start3A_416 = arith.constant 0 : i32
        %dma_start3A_417 = tpu.memref_slice %arg9[%dma_start3A_415, %dma_start3A_416] : memref<10112x128xf32, #tpu.memory_space<vmem_shared>> -> memref<10112x128xf32, #tpu.memory_space<vmem_shared>>
        tpu.enqueue_indirect_dma source(%dma_start3A_411 : memref<128x128xf32, #tpu.memory_space<vmem>>) target(%dma_start3A_417 : memref<10112x128xf32, #tpu.memory_space<vmem_shared>>) offsets(%dma_start3A_414 : memref<128xi32, #tpu.memory_space<vmem>>) semaphore(%run_scoped3A_407 : memref<!tpu.dma_semaphore, #tpu.memory_space<semaphore_mem>>) {add = true}
        %dma_wait3A_418 = arith.constant 0 : i32
        %dma_wait3A_419 = arith.constant 0 : i32
        %dma_wait3A_420 = tpu.memref_slice %arg8[%select_n3A_190, %dma_wait3A_418, %dma_wait3A_419] : memref<2x128x128xf32, #tpu.memory_space<vmem>> -> memref<1x128x128xf32, #tpu.memory_space<vmem>>
        %dma_wait3A_421 = tpu.memref_squeeze %dma_wait3A_420 : memref<1x128x128xf32, #tpu.memory_space<vmem>> -> memref<128x128xf32, #tpu.memory_space<vmem>>
        %dma_wait3A_422 = arith.constant 0 : i32
        %dma_wait3A_423 = tpu.memref_slice %arg7[%select_n3A_406, %dma_wait3A_422] : memref<4x128xi32, #tpu.memory_space<vmem>> -> memref<1x128xi32, #tpu.memory_space<vmem>>
        %dma_wait3A_424 = tpu.memref_squeeze %dma_wait3A_423 : memref<1x128xi32, #tpu.memory_space<vmem>> -> memref<128xi32, #tpu.memory_space<vmem>>
        %dma_wait3A_425 = arith.constant 0 : i32
        %dma_wait3A_426 = arith.constant 0 : i32
        %dma_wait3A_427 = tpu.memref_slice %arg9[%dma_wait3A_425, %dma_wait3A_426] : memref<10112x128xf32, #tpu.memory_space<vmem_shared>> -> memref<10112x128xf32, #tpu.memory_space<vmem_shared>>
        tpu.wait_indirect_dma semaphore(%run_scoped3A_407 : memref<!tpu.dma_semaphore, #tpu.memory_space<semaphore_mem>>) src(%dma_wait3A_421 : memref<128x128xf32, #tpu.memory_space<vmem>>) dst(%dma_wait3A_427 : memref<10112x128xf32, #tpu.memory_space<vmem_shared>>)
        tpu.yield
      }) : () -> ()
    }
    %dma_wait3A_133 = arith.constant 0 : i32
    %dma_wait3A_134 = arith.constant 0 : i32
    %dma_wait3A_135 = arith.constant 0 : i32
    %dma_wait3A_136 = arith.constant 0 : i32
    %dma_wait3A_137 = tpu.memref_slice %arg8[%dma_wait3A_134, %dma_wait3A_135, %dma_wait3A_136] : memref<2x128x128xf32, #tpu.memory_space<vmem>> -> memref<1x128x128xf32, #tpu.memory_space<vmem>>
    %dma_wait3A_138 = tpu.memref_squeeze %dma_wait3A_137 : memref<1x128x128xf32, #tpu.memory_space<vmem>> -> memref<128x128xf32, #tpu.memory_space<vmem>>
    %dma_wait3A_139 = arith.constant 0 : i32
    %dma_wait3A_140 = tpu.memref_slice %arg6[%dma_wait3A_133, %dma_wait3A_139] : memref<4x128xi32, #tpu.memory_space<vmem>> -> memref<1x128xi32, #tpu.memory_space<vmem>>
    %dma_wait3A_141 = tpu.memref_squeeze %dma_wait3A_140 : memref<1x128xi32, #tpu.memory_space<vmem>> -> memref<128xi32, #tpu.memory_space<vmem>>
    %dma_wait3A_142 = arith.constant 0 : i32
    %dma_wait3A_143 = arith.constant 0 : i32
    %dma_wait3A_144 = tpu.memref_slice %arg2[%dma_wait3A_142, %dma_wait3A_143] : memref<10000x128xf32, #tpu.memory_space<hbm>> -> memref<10000x128xf32, #tpu.memory_space<hbm>>
    tpu.wait_indirect_dma semaphore(%arg11 : memref<!tpu.dma_semaphore, #tpu.memory_space<semaphore_mem>>) src(%dma_wait3A_144 : memref<10000x128xf32, #tpu.memory_space<hbm>>) dst(%dma_wait3A_138 : memref<128x128xf32, #tpu.memory_space<vmem>>)
    %dma_wait3A_145 = arith.constant 0 : i32
    %dma_wait3A_146 = arith.constant 0 : i32
    %dma_wait3A_147 = arith.constant 0 : i32
    %dma_wait3A_148 = tpu.memref_slice %arg6[%dma_wait3A_146, %dma_wait3A_147] : memref<4x128xi32, #tpu.memory_space<vmem>> -> memref<1x128xi32, #tpu.memory_space<vmem>>
    %dma_wait3A_149 = tpu.memref_squeeze %dma_wait3A_148 : memref<1x128xi32, #tpu.memory_space<vmem>> -> memref<128xi32, #tpu.memory_space<vmem>>
    %dma_wait3A_150 = arith.constant 0 : i32
    %dma_wait3A_151 = tpu.memref_slice %arg3[%arg0, %arg1, %dma_wait3A_145, %dma_wait3A_150] : memref<2x16x107x128xi32, #tpu.memory_space<hbm>> -> memref<1x1x1x128xi32, #tpu.memory_space<hbm>>
    %dma_wait3A_152 = tpu.memref_squeeze %dma_wait3A_151 : memref<1x1x1x128xi32, #tpu.memory_space<hbm>> -> memref<128xi32, #tpu.memory_space<hbm>>
    %dma_wait3A_153 = arith.constant 0 : i32
    %dma_wait3A_154 = tpu.memref_slice %arg6[%dma_wait3A_146, %dma_wait3A_153] : memref<4x128xi32, #tpu.memory_space<vmem>> -> memref<1x128xi32, #tpu.memory_space<vmem>>
    %dma_wait3A_155 = tpu.memref_squeeze %dma_wait3A_154 : memref<1x128xi32, #tpu.memory_space<vmem>> -> memref<128xi32, #tpu.memory_space<vmem>>
    %dma_wait3A_156 = arith.constant 0 : i32
    %dma_wait3A_157 = tpu.memref_slice %arg3[%arg0, %arg1, %dma_wait3A_145, %dma_wait3A_156] : memref<2x16x107x128xi32, #tpu.memory_space<hbm>> -> memref<1x1x1x128xi32, #tpu.memory_space<hbm>>
    %dma_wait3A_158 = tpu.memref_squeeze %dma_wait3A_157 : memref<1x1x1x128xi32, #tpu.memory_space<hbm>> -> memref<128xi32, #tpu.memory_space<hbm>>
    tpu.wait_dma2 semaphore(%arg10 : memref<!tpu.dma_semaphore, #tpu.memory_space<semaphore_mem>>) src(%dma_wait3A_158 : memref<128xi32, #tpu.memory_space<hbm>>) dst(%dma_wait3A_155 : memref<128xi32, #tpu.memory_space<vmem>>)
    %dma_wait3A_159 = arith.constant 0 : i32
    %dma_wait3A_160 = arith.constant 0 : i32
    %dma_wait3A_161 = arith.constant 0 : i32
    %dma_wait3A_162 = tpu.memref_slice %arg7[%dma_wait3A_160, %dma_wait3A_161] : memref<4x128xi32, #tpu.memory_space<vmem>> -> memref<1x128xi32, #tpu.memory_space<vmem>>
    %dma_wait3A_163 = tpu.memref_squeeze %dma_wait3A_162 : memref<1x128xi32, #tpu.memory_space<vmem>> -> memref<128xi32, #tpu.memory_space<vmem>>
    %dma_wait3A_164 = arith.constant 0 : i32
    %dma_wait3A_165 = tpu.memref_slice %arg4[%arg0, %arg1, %dma_wait3A_159, %dma_wait3A_164] : memref<2x16x107x128xi32, #tpu.memory_space<hbm>> -> memref<1x1x1x128xi32, #tpu.memory_space<hbm>>
    %dma_wait3A_166 = tpu.memref_squeeze %dma_wait3A_165 : memref<1x1x1x128xi32, #tpu.memory_space<hbm>> -> memref<128xi32, #tpu.memory_space<hbm>>
    %dma_wait3A_167 = arith.constant 0 : i32
    %dma_wait3A_168 = tpu.memref_slice %arg7[%dma_wait3A_160, %dma_wait3A_167] : memref<4x128xi32, #tpu.memory_space<vmem>> -> memref<1x128xi32, #tpu.memory_space<vmem>>
    %dma_wait3A_169 = tpu.memref_squeeze %dma_wait3A_168 : memref<1x128xi32, #tpu.memory_space<vmem>> -> memref<128xi32, #tpu.memory_space<vmem>>
    %dma_wait3A_170 = arith.constant 0 : i32
    %dma_wait3A_171 = tpu.memref_slice %arg4[%arg0, %arg1, %dma_wait3A_159, %dma_wait3A_170] : memref<2x16x107x128xi32, #tpu.memory_space<hbm>> -> memref<1x1x1x128xi32, #tpu.memory_space<hbm>>
    %dma_wait3A_172 = tpu.memref_squeeze %dma_wait3A_171 : memref<1x1x1x128xi32, #tpu.memory_space<hbm>> -> memref<128xi32, #tpu.memory_space<hbm>>
    tpu.wait_dma2 semaphore(%arg10 : memref<!tpu.dma_semaphore, #tpu.memory_space<semaphore_mem>>) src(%dma_wait3A_172 : memref<128xi32, #tpu.memory_space<hbm>>) dst(%dma_wait3A_169 : memref<128xi32, #tpu.memory_space<vmem>>)
    %barrier3A_173 = arith.constant 0 : index
    tpu.barrier barrier_id(%barrier3A_173)
    %mul3A_174 = arith.constant 632 : i32
    %mul3A_175 = arith.muli %arg1, %mul3A_174 : i32
    %mul3A_176 = arith.constant 632 : i32
    %mul3A_177 = arith.muli %arg1, %mul3A_176 : i32
    "tpu.region"() ({
      %run_scoped3A_178 = tpu.sem_alloc : memref<!tpu.dma_semaphore, #tpu.memory_space<semaphore_mem>>
      %dma_start3A_179 = arith.constant 0 : i32
      %dma_start3A_180 = tpu.memref_slice %arg5[%arg0, %mul3A_177, %dma_start3A_179] : memref<2x10112x128xf32, #tpu.memory_space<hbm>> -> memref<1x632x128xf32, #tpu.memory_space<hbm>>
      %dma_start3A_181 = tpu.memref_squeeze %dma_start3A_180 : memref<1x632x128xf32, #tpu.memory_space<hbm>> -> memref<632x128xf32, #tpu.memory_space<hbm>>
      %dma_start3A_182 = arith.constant 0 : i32
      %dma_start3A_183 = tpu.memref_slice %arg9[%mul3A_175, %dma_start3A_182] : memref<10112x128xf32, #tpu.memory_space<vmem_shared>> -> memref<632x128xf32, #tpu.memory_space<vmem_shared>>
      tpu.enqueue_dma source(%dma_start3A_183 : memref<632x128xf32, #tpu.memory_space<vmem_shared>>) target(%dma_start3A_181 : memref<632x128xf32, #tpu.memory_space<hbm>>) target_semaphore(%run_scoped3A_178 : memref<!tpu.dma_semaphore, #tpu.memory_space<semaphore_mem>>)
      %dma_wait3A_184 = arith.constant 0 : i32
      %dma_wait3A_185 = tpu.memref_slice %arg5[%arg0, %mul3A_177, %dma_wait3A_184] : memref<2x10112x128xf32, #tpu.memory_space<hbm>> -> memref<1x632x128xf32, #tpu.memory_space<hbm>>
      %dma_wait3A_186 = tpu.memref_squeeze %dma_wait3A_185 : memref<1x632x128xf32, #tpu.memory_space<hbm>> -> memref<632x128xf32, #tpu.memory_space<hbm>>
      %dma_wait3A_187 = arith.constant 0 : i32
      %dma_wait3A_188 = tpu.memref_slice %arg9[%mul3A_175, %dma_wait3A_187] : memref<10112x128xf32, #tpu.memory_space<vmem_shared>> -> memref<632x128xf32, #tpu.memory_space<vmem_shared>>
      tpu.wait_dma2 semaphore(%run_scoped3A_178 : memref<!tpu.dma_semaphore, #tpu.memory_space<semaphore_mem>>) src(%dma_wait3A_188 : memref<632x128xf32, #tpu.memory_space<vmem_shared>>) dst(%dma_wait3A_186 : memref<632x128xf32, #tpu.memory_space<hbm>>)
      tpu.yield
    }) : () -> ()
    return
  }
}

module attributes {stable_mosaic.version = 14 : i64} {
  func.func @_dense1_body(%arg0: memref<2x10240xf32, #tpu.memory_space<vmem>>, %arg1: memref<10000x128xf32, #tpu.memory_space<vmem>>, %arg2: memref<128x128xf32, #tpu.memory_space<vmem>>, %arg3: memref<10000x128xf32, #tpu.memory_space<vmem>>, %arg4: memref<10000x128xf32, #tpu.memory_space<vmem>>) attributes {dimension_semantics = [], scalar_prefetch = 0 : i64, scratch_operands = 0 : i64, tpu.core_type = #tpu.core_type<tc>} {
    %get3A = arith.constant 0 : index
    %get3A_0 = arith.constant 0 : index
    %get3A_1 = vector.load %arg0[%get3A, %get3A_0] : memref<2x10240xf32, #tpu.memory_space<vmem>>, vector<2x10240xf32>
    %slice3A = vector.extract_strided_slice %get3A_1 {offsets = [0, 0], sizes = [2, 10000], strides = [1, 1]} : vector<2x10240xf32> to vector<2x10000xf32>
    %reduce_sum3A = arith.constant dense<0.000000e+00> : vector<10000xf32>
    %reduce_sum3A_2 = vector.multi_reduction <add>, %slice3A, %reduce_sum3A [0] : vector<2x10000xf32> to vector<10000xf32>
    %add3A = arith.constant 1.000000e+00 : f32
    %add3A_3 = vector.broadcast %add3A : f32 to vector<10000xf32>
    %add3A_4 = arith.addf %reduce_sum3A_2, %add3A_3 : vector<10000xf32>
    %rsqrt3A = math.rsqrt %add3A_4 : vector<10000xf32>
    %broadcast_in_dim3A = vector.shape_cast %rsqrt3A : vector<10000xf32> to vector<10000x1xf32>
    %broadcast_in_dim3A_5 = vector.shape_cast %broadcast_in_dim3A : vector<10000x1xf32> to vector<10000x1xf32>
    %broadcast_in_dim3A_6 = vector.broadcast %broadcast_in_dim3A_5 : vector<10000x1xf32> to vector<10000x128xf32>
    %swap3A = arith.constant 0 : index
    %swap3A_7 = arith.constant 0 : index
    %swap3A_8 = vector.load %arg4[%swap3A, %swap3A_7] : memref<10000x128xf32, #tpu.memory_space<vmem>>, vector<10000x128xf32>
    tpu.vector_store %arg4[%swap3A, %swap3A_7], %broadcast_in_dim3A_6 {strides = array<i32>} : memref<10000x128xf32, #tpu.memory_space<vmem>>, vector<10000x128xf32>,
    %get3A_9 = arith.constant 0 : index
    %get3A_10 = arith.constant 0 : index
    %get3A_11 = vector.load %arg1[%get3A_9, %get3A_10] : memref<10000x128xf32, #tpu.memory_space<vmem>>, vector<10000x128xf32>
    %get3A_12 = arith.constant 0 : index
    %get3A_13 = arith.constant 0 : index
    %get3A_14 = vector.load %arg2[%get3A_12, %get3A_13] : memref<128x128xf32, #tpu.memory_space<vmem>>, vector<128x128xf32>
    %dot_general3A = arith.constant dense<0.000000e+00> : vector<10000x128xf32>
    %dot_general3A_15 = tpu.matmul %get3A_11, %get3A_14, %dot_general3A {dimension_numbers = #tpu.dot_dimension_numbers<[1], [0], [0], [1], [0, 0, 1, 1], [], []>, transpose_lhs_hint = false} : vector<10000x128xf32>, vector<128x128xf32>, vector<10000x128xf32> -> vector<10000x128xf32>
    %mul3A = arith.mulf %dot_general3A_15, %broadcast_in_dim3A_6 : vector<10000x128xf32>
    %swap3A_16 = arith.constant 0 : index
    %swap3A_17 = arith.constant 0 : index
    %swap3A_18 = vector.load %arg3[%swap3A_16, %swap3A_17] : memref<10000x128xf32, #tpu.memory_space<vmem>>, vector<10000x128xf32>
    tpu.vector_store %arg3[%swap3A_16, %swap3A_17], %mul3A {strides = array<i32>} : memref<10000x128xf32, #tpu.memory_space<vmem>>, vector<10000x128xf32>,
    return
  }
}

module attributes {stable_mosaic.version = 14 : i64} {
  func.func @_mid_body(%arg0: memref<2x10112x128xf32, #tpu.memory_space<vmem>>, %arg1: memref<10000x128xf32, #tpu.memory_space<vmem>>, %arg2: memref<10000x128xf32, #tpu.memory_space<vmem>>, %arg3: memref<128xf32, #tpu.memory_space<vmem>>, %arg4: memref<128xf32, #tpu.memory_space<vmem>>, %arg5: memref<128xf32, #tpu.memory_space<vmem>>, %arg6: memref<128x128xf32, #tpu.memory_space<vmem>>, %arg7: memref<10000x128xf32, #tpu.memory_space<vmem>>) attributes {dimension_semantics = [], scalar_prefetch = 0 : i64, scratch_operands = 0 : i64, tpu.core_type = #tpu.core_type<tc>} {
    %get3A = arith.constant 0 : index
    %get3A_0 = arith.constant 0 : index
    %get3A_1 = vector.load %arg2[%get3A, %get3A_0] : memref<10000x128xf32, #tpu.memory_space<vmem>>, vector<10000x128xf32>
    %get3A_2 = arith.constant 0 : index
    %get3A_3 = arith.constant 0 : index
    %get3A_4 = arith.constant 0 : index
    %get3A_5 = vector.load %arg0[%get3A_2, %get3A_3, %get3A_4] : memref<2x10112x128xf32, #tpu.memory_space<vmem>>, vector<1x10000x128xf32>
    %get3A_6 = vector.shape_cast %get3A_5 : vector<1x10000x128xf32> to vector<10000x128xf32>
    %get3A_7 = arith.constant 1 : index
    %get3A_8 = arith.constant 0 : index
    %get3A_9 = arith.constant 0 : index
    %get3A_10 = vector.load %arg0[%get3A_7, %get3A_8, %get3A_9] : memref<2x10112x128xf32, #tpu.memory_space<vmem>>, vector<1x10000x128xf32>
    %get3A_11 = vector.shape_cast %get3A_10 : vector<1x10000x128xf32> to vector<10000x128xf32>
    %add3A = arith.addf %get3A_6, %get3A_11 : vector<10000x128xf32>
    %get3A_12 = arith.constant 0 : index
    %get3A_13 = arith.constant 0 : index
    %get3A_14 = vector.load %arg1[%get3A_12, %get3A_13] : memref<10000x128xf32, #tpu.memory_space<vmem>>, vector<10000x128xf32>
    %add3A_15 = arith.addf %add3A, %get3A_14 : vector<10000x128xf32>
    %mul3A = arith.mulf %add3A_15, %get3A_1 : vector<10000x128xf32>
    %get3A_16 = arith.constant 0 : index
    %get3A_17 = vector.load %arg3[%get3A_16] : memref<128xf32, #tpu.memory_space<vmem>>, vector<128xf32>
    %broadcast_in_dim3A = vector.shape_cast %get3A_17 : vector<128xf32> to vector<1x128xf32>
    %add3A_18 = vector.broadcast %broadcast_in_dim3A : vector<1x128xf32> to vector<10000x128xf32>
    %add3A_19 = arith.addf %mul3A, %add3A_18 : vector<10000x128xf32>
    %ge3A = arith.constant 0.000000e+00 : f32
    %ge3A_20 = vector.broadcast %ge3A : f32 to vector<10000x128xf32>
    %ge3A_21 = arith.cmpf oge, %add3A_19, %ge3A_20 : vector<10000x128xf32>
    %mul3A_22 = arith.constant 0.00999999977 : f32
    %mul3A_23 = vector.broadcast %mul3A_22 : f32 to vector<10000x128xf32>
    %mul3A_24 = arith.mulf %mul3A_23, %add3A_19 : vector<10000x128xf32>
    %select_n3A = arith.select %ge3A_21, %add3A_19, %mul3A_24 : vector<10000x128xi1>, vector<10000x128xf32>
    %reduce_sum3A = arith.constant dense<0.000000e+00> : vector<128xf32>
    %reduce_sum3A_25 = vector.multi_reduction <add>, %select_n3A, %reduce_sum3A [0] : vector<10000x128xf32> to vector<128xf32>
    %div3A = arith.constant 1.000000e+04 : f32
    %div3A_26 = vector.broadcast %div3A : f32 to vector<128xf32>
    %div3A_27 = arith.divf %reduce_sum3A_25, %div3A_26 : vector<128xf32>
    %broadcast_in_dim3A_28 = vector.shape_cast %div3A_27 : vector<128xf32> to vector<1x128xf32>
    %sub3A = vector.broadcast %broadcast_in_dim3A_28 : vector<1x128xf32> to vector<10000x128xf32>
    %sub3A_29 = arith.subf %select_n3A, %sub3A : vector<10000x128xf32>
    %integer_pow3A = arith.mulf %sub3A_29, %sub3A_29 : vector<10000x128xf32>
    %reduce_sum3A_30 = arith.constant dense<0.000000e+00> : vector<128xf32>
    %reduce_sum3A_31 = vector.multi_reduction <add>, %integer_pow3A, %reduce_sum3A_30 [0] : vector<10000x128xf32> to vector<128xf32>
    %div3A_32 = arith.constant 1.000000e+04 : f32
    %div3A_33 = vector.broadcast %div3A_32 : f32 to vector<128xf32>
    %div3A_34 = arith.divf %reduce_sum3A_31, %div3A_33 : vector<128xf32>
    %broadcast_in_dim3A_35 = vector.shape_cast %div3A_27 : vector<128xf32> to vector<1x128xf32>
    %sub3A_36 = vector.broadcast %broadcast_in_dim3A_35 : vector<1x128xf32> to vector<10000x128xf32>
    %sub3A_37 = arith.subf %select_n3A, %sub3A_36 : vector<10000x128xf32>
    %add3A_38 = arith.constant 9.99999974E-6 : f32
    %add3A_39 = vector.broadcast %add3A_38 : f32 to vector<128xf32>
    %add3A_40 = arith.addf %div3A_34, %add3A_39 : vector<128xf32>
    %rsqrt3A = math.rsqrt %add3A_40 : vector<128xf32>
    %broadcast_in_dim3A_41 = vector.shape_cast %rsqrt3A : vector<128xf32> to vector<1x128xf32>
    %mul3A_42 = vector.broadcast %broadcast_in_dim3A_41 : vector<1x128xf32> to vector<10000x128xf32>
    %mul3A_43 = arith.mulf %sub3A_37, %mul3A_42 : vector<10000x128xf32>
    %get3A_44 = arith.constant 0 : index
    %get3A_45 = vector.load %arg4[%get3A_44] : memref<128xf32, #tpu.memory_space<vmem>>, vector<128xf32>
    %broadcast_in_dim3A_46 = vector.shape_cast %get3A_45 : vector<128xf32> to vector<1x128xf32>
    %mul3A_47 = vector.broadcast %broadcast_in_dim3A_46 : vector<1x128xf32> to vector<10000x128xf32>
    %mul3A_48 = arith.mulf %mul3A_43, %mul3A_47 : vector<10000x128xf32>
    %get3A_49 = arith.constant 0 : index
    %get3A_50 = vector.load %arg5[%get3A_49] : memref<128xf32, #tpu.memory_space<vmem>>, vector<128xf32>
    %broadcast_in_dim3A_51 = vector.shape_cast %get3A_50 : vector<128xf32> to vector<1x128xf32>
    %add3A_52 = vector.broadcast %broadcast_in_dim3A_51 : vector<1x128xf32> to vector<10000x128xf32>
    %add3A_53 = arith.addf %mul3A_48, %add3A_52 : vector<10000x128xf32>
    %get3A_54 = arith.constant 0 : index
    %get3A_55 = arith.constant 0 : index
    %get3A_56 = vector.load %arg6[%get3A_54, %get3A_55] : memref<128x128xf32, #tpu.memory_space<vmem>>, vector<128x128xf32>
    %dot_general3A = arith.constant dense<0.000000e+00> : vector<10000x128xf32>
    %dot_general3A_57 = tpu.matmul %add3A_53, %get3A_56, %dot_general3A {dimension_numbers = #tpu.dot_dimension_numbers<[1], [0], [0], [1], [0, 0, 1, 1], [], []>, transpose_lhs_hint = false} : vector<10000x128xf32>, vector<128x128xf32>, vector<10000x128xf32> -> vector<10000x128xf32>
    %mul3A_58 = arith.mulf %dot_general3A_57, %get3A_1 : vector<10000x128xf32>
    %swap3A = arith.constant 0 : index
    %swap3A_59 = arith.constant 0 : index
    %swap3A_60 = vector.load %arg7[%swap3A, %swap3A_59] : memref<10000x128xf32, #tpu.memory_space<vmem>>, vector<10000x128xf32>
    tpu.vector_store %arg7[%swap3A, %swap3A_59], %mul3A_58 {strides = array<i32>} : memref<10000x128xf32, #tpu.memory_space<vmem>>, vector<10000x128xf32>,
    return
  }
}

module attributes {stable_mosaic.version = 14 : i64} {
  func.func @_fin_body(%arg0: memref<2x10112x128xf32, #tpu.memory_space<vmem>>, %arg1: memref<10000x128xf32, #tpu.memory_space<vmem>>, %arg2: memref<10000x128xf32, #tpu.memory_space<vmem>>, %arg3: memref<128xf32, #tpu.memory_space<vmem>>, %arg4: memref<128xf32, #tpu.memory_space<vmem>>, %arg5: memref<128xf32, #tpu.memory_space<vmem>>, %arg6: memref<10000x128xf32, #tpu.memory_space<vmem>>) attributes {dimension_semantics = [], scalar_prefetch = 0 : i64, scratch_operands = 0 : i64, tpu.core_type = #tpu.core_type<tc>} {
    %get3A = arith.constant 0 : index
    %get3A_0 = arith.constant 0 : index
    %get3A_1 = arith.constant 0 : index
    %get3A_2 = vector.load %arg0[%get3A, %get3A_0, %get3A_1] : memref<2x10112x128xf32, #tpu.memory_space<vmem>>, vector<1x10000x128xf32>
    %get3A_3 = vector.shape_cast %get3A_2 : vector<1x10000x128xf32> to vector<10000x128xf32>
    %get3A_4 = arith.constant 1 : index
    %get3A_5 = arith.constant 0 : index
    %get3A_6 = arith.constant 0 : index
    %get3A_7 = vector.load %arg0[%get3A_4, %get3A_5, %get3A_6] : memref<2x10112x128xf32, #tpu.memory_space<vmem>>, vector<1x10000x128xf32>
    %get3A_8 = vector.shape_cast %get3A_7 : vector<1x10000x128xf32> to vector<10000x128xf32>
    %add3A = arith.addf %get3A_3, %get3A_8 : vector<10000x128xf32>
    %get3A_9 = arith.constant 0 : index
    %get3A_10 = arith.constant 0 : index
    %get3A_11 = vector.load %arg1[%get3A_9, %get3A_10] : memref<10000x128xf32, #tpu.memory_space<vmem>>, vector<10000x128xf32>
    %add3A_12 = arith.addf %add3A, %get3A_11 : vector<10000x128xf32>
    %get3A_13 = arith.constant 0 : index
    %get3A_14 = arith.constant 0 : index
    %get3A_15 = vector.load %arg2[%get3A_13, %get3A_14] : memref<10000x128xf32, #tpu.memory_space<vmem>>, vector<10000x128xf32>
    %mul3A = arith.mulf %add3A_12, %get3A_15 : vector<10000x128xf32>
    %get3A_16 = arith.constant 0 : index
    %get3A_17 = vector.load %arg3[%get3A_16] : memref<128xf32, #tpu.memory_space<vmem>>, vector<128xf32>
    %broadcast_in_dim3A = vector.shape_cast %get3A_17 : vector<128xf32> to vector<1x128xf32>
    %add3A_18 = vector.broadcast %broadcast_in_dim3A : vector<1x128xf32> to vector<10000x128xf32>
    %add3A_19 = arith.addf %mul3A, %add3A_18 : vector<10000x128xf32>
    %reduce_sum3A = arith.constant dense<0.000000e+00> : vector<128xf32>
    %reduce_sum3A_20 = vector.multi_reduction <add>, %add3A_19, %reduce_sum3A [0] : vector<10000x128xf32> to vector<128xf32>
    %div3A = arith.constant 1.000000e+04 : f32
    %div3A_21 = vector.broadcast %div3A : f32 to vector<128xf32>
    %div3A_22 = arith.divf %reduce_sum3A_20, %div3A_21 : vector<128xf32>
    %broadcast_in_dim3A_23 = vector.shape_cast %div3A_22 : vector<128xf32> to vector<1x128xf32>
    %sub3A = vector.broadcast %broadcast_in_dim3A_23 : vector<1x128xf32> to vector<10000x128xf32>
    %sub3A_24 = arith.subf %add3A_19, %sub3A : vector<10000x128xf32>
    %integer_pow3A = arith.mulf %sub3A_24, %sub3A_24 : vector<10000x128xf32>
    %reduce_sum3A_25 = arith.constant dense<0.000000e+00> : vector<128xf32>
    %reduce_sum3A_26 = vector.multi_reduction <add>, %integer_pow3A, %reduce_sum3A_25 [0] : vector<10000x128xf32> to vector<128xf32>
    %div3A_27 = arith.constant 1.000000e+04 : f32
    %div3A_28 = vector.broadcast %div3A_27 : f32 to vector<128xf32>
    %div3A_29 = arith.divf %reduce_sum3A_26, %div3A_28 : vector<128xf32>
    %broadcast_in_dim3A_30 = vector.shape_cast %div3A_22 : vector<128xf32> to vector<1x128xf32>
    %sub3A_31 = vector.broadcast %broadcast_in_dim3A_30 : vector<1x128xf32> to vector<10000x128xf32>
    %sub3A_32 = arith.subf %add3A_19, %sub3A_31 : vector<10000x128xf32>
    %add3A_33 = arith.constant 9.99999974E-6 : f32
    %add3A_34 = vector.broadcast %add3A_33 : f32 to vector<128xf32>
    %add3A_35 = arith.addf %div3A_29, %add3A_34 : vector<128xf32>
    %rsqrt3A = math.rsqrt %add3A_35 : vector<128xf32>
    %broadcast_in_dim3A_36 = vector.shape_cast %rsqrt3A : vector<128xf32> to vector<1x128xf32>
    %mul3A_37 = vector.broadcast %broadcast_in_dim3A_36 : vector<1x128xf32> to vector<10000x128xf32>
    %mul3A_38 = arith.mulf %sub3A_32, %mul3A_37 : vector<10000x128xf32>
    %get3A_39 = arith.constant 0 : index
    %get3A_40 = vector.load %arg4[%get3A_39] : memref<128xf32, #tpu.memory_space<vmem>>, vector<128xf32>
    %broadcast_in_dim3A_41 = vector.shape_cast %get3A_40 : vector<128xf32> to vector<1x128xf32>
    %mul3A_42 = vector.broadcast %broadcast_in_dim3A_41 : vector<1x128xf32> to vector<10000x128xf32>
    %mul3A_43 = arith.mulf %mul3A_38, %mul3A_42 : vector<10000x128xf32>
    %get3A_44 = arith.constant 0 : index
    %get3A_45 = vector.load %arg5[%get3A_44] : memref<128xf32, #tpu.memory_space<vmem>>, vector<128xf32>
    %broadcast_in_dim3A_46 = vector.shape_cast %get3A_45 : vector<128xf32> to vector<1x128xf32>
    %add3A_47 = vector.broadcast %broadcast_in_dim3A_46 : vector<1x128xf32> to vector<10000x128xf32>
    %add3A_48 = arith.addf %mul3A_43, %add3A_47 : vector<10000x128xf32>
    %swap3A = arith.constant 0 : index
    %swap3A_49 = arith.constant 0 : index
    %swap3A_50 = vector.load %arg6[%swap3A, %swap3A_49] : memref<10000x128xf32, #tpu.memory_space<vmem>>, vector<10000x128xf32>
    tpu.vector_store %arg6[%swap3A, %swap3A_49], %add3A_48 {strides = array<i32>} : memref<10000x128xf32, #tpu.memory_space<vmem>>, vector<10000x128xf32>,
    return
  }
}

</mosaic_0001>

<sc_bundles>
// kernel: kernel.11.cloned.1.call-start
scs
__scs_entry_jumppad:
0x0: {  	(pc) =	sbr.rel $0x88, $3  }
0x1: {  	(tag) =	ssettag $0x0;
	lr =	simm.s32 $0x1  }
0x2: {  	[smem:$0x3F97] =	sst lr;
	_ =	strace $0xD0000000  }
0x3: {  	_ = 	snop  }
0x4: {  	_ = 	snop  }
0x5: {  	_ = 	snop  }
0x6: {  	_ = 	snop  }
0x7: {  	_ = 	snop  }
__scs_overlays_trampoline_lowered:
0x8: {  	[smem:$0x3FA6] =	sst s0  }
0x9: {  	[smem:$0x3FA7] =	sst s1  }
0xa: {  	[smem:$0x3FA8] =	sst s2  }
0xb: {  	[smem:$0x3FA9] =	sst s3  }
0xc: {  	[smem:$0x3FAA] =	sst s4  }
0xd: {  	[smem:$0x3FAB] =	sst s5  }
0xe: {  	[smem:$0x3FAC] =	sst s6  }
0xf: {  	[smem:$0x3FAD] =	sst s7  }
0x10: {  	[smem:$0x3FAE] =	sst s8  }
0x11: {  	[smem:$0x3FAF] =	sst s9;
	s0 =	simm.s32 @!p0 $0x0  }
0x12: {  	s1 =	sld [smem:$0x3F95];
	s0 =	simm.s32 @p0 $0x1  }
0x13: {  	[smem:$0x3FB0] =	sst s0;
	s0 =	simm.s32 @!p1 $0x0  }
0x14: {  	s2 =	sld [smem:$0x3F94];
	s0 =	simm.s32 @p1 $0x1  }
0x15: {  	[smem:$0x3FB1] =	sst s0;
	s0 =	simm.s32 @!p2 $0x0  }
0x16: {  	s3 =	sld [smem:$0x3FDB];
	s0 =	simm.s32 @p2 $0x1  }
0x17: {  	s4 =	simm.s32 $0x1BF5;
	[smem:$0x3FB3] =	sst s0  }
0x18: {  	s0 =	sld [smem:$0x3F96];
	_ =	swait.ge [sflag:s4], $0x0  }
0x19: {  	s7 =	sld [smem:$0x3F97]  }
0x1a: {  	s8 =	sadd.s32 $0xFFFFE003, lr  }
0x1b: {  	s9 =	sadd.s32 $0xFFFFFEF7, lr;
	s5 =	simm.s32 $0xFFFFFFFF;
	p2 =	slt.u32 s8, $0xFFFFF086  }
0x1c: {  	p1 =	slt.u32 s9, $0xF7A;
	s5 =	simm.s32 @!p2 $0x0  }
0x1d: {  	s5 =	simm.s32 @p1 $0x1;
	p0 =	seq.s32 s7, s2  }
0x1e: {  	s7 =	smul.u32 @!p0 $0xF7A, s2;
	p2 =	seq.s32 @!p0 s5, $0x0  }
0x1f: {  	s9 =	smul.u32 $0xF7A, s1;
	s8 =	simm.s32 @!p0 $0x1BF5;
	p2 =	por !p2, p0  }
0x20: {  	[sflag:s8] =	ssyncset.s32 @!p0 $0xFFFFF086;
	s6 =	sadd.s32 @!p0 s3, s7;
	s7 =	simm.s32 @!p0 $0x108  }
0x21: {  	s3 =	sadd.s32 s3, s9;
	s6 =	sadd.s32 @!p0 $0x88, s6;
	s7 =	simm.s32 @p2 $0x1082  }
0x22: {  	[simem:s7], [sflag:s8] =	dma.local @!p0 [hbm:s6], $0xF7A  }
0x23: {  	s9 =	sor.u32 $0xD0000000, s2;
	s6 =	simm.s32 $0x108;
	_ =	swait.ge @!p0 [sflag:s8], $0x0  }
0x24: {  	s3 =	sadd.s32 $0x88, s3;
	s6 =	simm.s32 @!p1 $0x1082;
	[sflag:s4] =	ssyncset.s32 $0xFFFFF086  }
0x25: {  	[simem:s6], [sflag:s4] =	dma.local [hbm:s3], $0xF7A  }
0x26: {  	[smem:$0x3F97] =	sst s1;
	(tag) =	ssettag s2;
	_ =	strace s9  }
0x27: {  	s1 =	sld [smem:$0x3FA7]  }
0x28: {  	s2 =	sld [smem:$0x3FA8]  }
0x29: {  	s4 =	sld [smem:$0x3FAA]  }
0x2a: {  	p0 =	seq.s32 s5, $0x0;
	s5 =	sld [smem:$0x3FAB]  }
0x2b: {  	s6 =	sld [smem:$0x3FAC]  }
0x2c: {  	s7 =	sld [smem:$0x3FAD]  }
0x2d: {  	s3 =	simm.s32 $0x108;
	s8 =	sld [smem:$0x3FAE]  }
0x2e: {  	s3 =	simm.s32 @!p0 $0x1082;
	s9 =	sld [smem:$0x3FAF]  }
0x2f: {  	lr =	sadd.s32 s0, s3;
	s0 =	sld [smem:$0x3FA6]  }
0x30: {  	s3 =	sld [smem:$0x3FA9]  }
0x31: {  	[smem:$0x3FB2] =	sst s10  }
0x32: {  	s10 =	sld [smem:$0x3FB0];
	_ =	sdelay $0x3  }
0x33: {  	p0 =	seq.s32 s10, $0x1;
	s10 =	sld [smem:$0x3FB2];
	_ =	sdelay $0x3  }
0x34: {  	[smem:$0x3FB2] =	sst s10  }
0x35: {  	s10 =	sld [smem:$0x3FB1];
	_ =	sdelay $0x3  }
0x36: {  	p1 =	seq.s32 s10, $0x1;
	s10 =	sld [smem:$0x3FB2];
	_ =	sdelay $0x3  }
0x37: {  	[smem:$0x3FB2] =	sst s10  }
0x38: {  	s10 =	sld [smem:$0x3FB3]  }
0x39: {  	_ = 	snop;
	(pc) =	sbr.ind lr, $3  }
0x3a: {  	_ = 	snop  }
0x3b: {  	_ = 	snop  }
0x3c: {  	p2 =	seq.s32 s10, $0x1;
	s10 =	sld [smem:$0x3FB2]  }
0x3d: {  	_ =	shalt  }
0x3e: {  	_ =	shalt  }
0x3f: {  	_ =	shalt  }
0x40: {  	_ =	shalt  }
0x41: {  	_ =	shalt  }
0x42: {  	_ =	shalt  }
0x43: {  	_ =	shalt  }
0x44: {  	_ =	shalt  }
0x45: {  	_ =	shalt  }
0x46: {  	_ =	shalt  }
0x47: {  	_ =	shalt  }
0x48: {  	_ =	shalt  }
0x49: {  	_ =	shalt  }
0x4a: {  	_ =	shalt  }
0x4b: {  	_ =	shalt  }
0x4c: {  	_ =	shalt  }
0x4d: {  	_ =	shalt  }
0x4e: {  	_ =	shalt  }
0x4f: {  	_ =	shalt  }
0x50: {  	_ =	shalt  }
0x51: {  	_ =	shalt  }
0x52: {  	_ =	shalt  }
0x53: {  	_ =	shalt  }
0x54: {  	_ =	shalt  }
0x55: {  	_ =	shalt  }
0x56: {  	_ =	shalt  }
0x57: {  	_ =	shalt  }
0x58: {  	_ =	shalt  }
0x59: {  	_ =	shalt  }
0x5a: {  	_ =	shalt  }
0x5b: {  	_ =	shalt  }
0x5c: {  	_ =	shalt  }
0x5d: {  	_ =	shalt  }
0x5e: {  	_ =	shalt  }
0x5f: {  	_ =	shalt  }
0x60: {  	_ =	shalt  }
0x61: {  	_ =	shalt  }
0x62: {  	_ =	shalt  }
0x63: {  	_ =	shalt  }
0x64: {  	_ =	shalt  }
0x65: {  	_ =	shalt  }
0x66: {  	_ =	shalt  }
0x67: {  	_ =	shalt  }
0x68: {  	_ =	shalt  }
0x69: {  	_ =	shalt  }
0x6a: {  	_ =	shalt  }
0x6b: {  	_ =	shalt  }
0x6c: {  	_ =	shalt  }
0x6d: {  	_ =	shalt  }
0x6e: {  	_ =	shalt  }
0x6f: {  	_ =	shalt  }
0x70: {  	_ =	shalt  }
0x71: {  	_ =	shalt  }
0x72: {  	_ =	shalt  }
0x73: {  	_ =	shalt  }
0x74: {  	_ =	shalt  }
0x75: {  	_ =	shalt  }
0x76: {  	_ =	shalt  }
0x77: {  	_ =	shalt  }
0x78: {  	_ =	shalt  }
0x79: {  	_ =	shalt  }
0x7a: {  	_ =	shalt  }
0x7b: {  	_ =	shalt  }
0x7c: {  	_ =	shalt  }
0x7d: {  	_ =	shalt  }
0x7e: {  	_ =	shalt  }
0x7f: {  	_ =	shalt  }
0x80: {  	_ =	shalt  }
0x81: {  	_ =	shalt  }
0x82: {  	_ =	shalt  }
0x83: {  	_ =	shalt  }
0x84: {  	_ =	shalt  }
0x85: {  	_ =	shalt  }
0x86: {  	_ =	shalt  }
0x87: {  	_ =	shalt  }
.Lfunc_end0:
.L_simem_size_0:
called_computation.1_lowered:
.L_overlay_start_0:
0x88: {  	s2 =	sld [smem:$0x3FD9]  }
0x89: {  	s3 =	sld [smem:$0x3FFE];
	_ =	sdelay $0x1  }
0x8a: {  	s1 =	srdreg.scid  }
0x8b: {  	s0 =	sand.u32 $0x1, s1  }
0x8c: {  	s17 =	sshll.u32 s0, $0xA;
	s2 =	sadd.s32 s3, s2  }
0x8d: {  	s2 =	sadd.s32 s2, s17  }
0x8e: {  	[smem:$0x3FBE] =	sst s2  }
0x8f: {  	_ = 	snop  }
0x90: {  	s2 =	sld [smem:$0x3FD0];
	(tm) =	ssettm $0x1  }
0x91: {  	s18 =	sld [smem:$0x3FFB];
	_ =	sdelay $0x3  }
0x92: {  	_ =	strace s18  }
0x93: {  	s3 =	sld [smem:$0x3FFC];
	_ =	sdelay $0x3  }
0x94: {  	_ =	strace s3  }
0x95: {  	s3 =	sld [smem:$0x3FFD];
	_ =	sdelay $0x3  }
0x96: {  	_ =	strace s3  }
0x97: {  	_ =	strace $0x8FFFFFFF  }
0x98: {  	s19 =	sld [smem:$0x3FDB];
	_ =	sdelay $0x1  }
0x99: {  	s4 =	simm.s32 $_scs_section_size  }
0x9a: {  	s5 =	simm.s32 $_size__tile_overlayer_lowered;
	s6 =	simm.s32 $_tile_overlayer_lowered  }
0x9b: {  	s22 =	simm.s32 $0x1BFF;
	s21 =	sshll.u32 s6, $0x1;
	s3 =	sadd.s32 s4, s19  }
0x9c: {  	s7 =	simm.s32 $0x0;
	s20 =	sshll.u32 s5, $0x1;
	s5 =	sadd.s32 s21, s3  }
0x9d: {  	[timem:s7], [sflag:s22] =	dma.local [hbm:s5], s20  }
0x9e: {  	_ =	swait.ge [sflag:s22], s20  }
0x9f: {  	s4 =	ssub.s32 $0x0, s20;
	[sflag:s22] =	ssyncset.done $0x0  }
0xa0: {  	[sflag:s22] =	ssyncadd.s32 s4;
	_ =	sdelay $0x1  }
0xa1: {  	s23 =	simm.s32 $0x1B8B  }
0xa2: {  	_ =	swait.ge [sflag:s23], $0x1  }
0xa3: {  	[sflag:s23] =	ssyncset.done $0x0  }
0xa4: {  	s25 =	simm.s32 $0x1B8E;
	s24 =	sld [smem:$0x3FFE];
	[sflag:s23] =	ssyncadd.s32 $0xFFFFFFFF  }
0xa5: {  	s26 =	simm.s32 $execute0_lowered;
	[smem:$0x3FD2] =	sst s25  }
0xa6: {  	s5 =	sshll.u32 s26, $0x1;
	_ =	strace $0x80000049;
	[dreg:$0x1] =	wrdreg $0xFFFFFFFF  }
0xa7: {  	s28 =	simm.s32 $_size_execute0_lowered;
	s3 =	sadd.s32 s3, s5;
	[dreg:$0x0] =	wrdreg $0x0  }
0xa8: {  	s5 =	sshll.u32 s28, $0x1;
	[dreg:$0x2] =	wrdreg s3  }
0xa9: {  	[dreg:$0x3] =	wrdreg s5  }
0xaa: {  	[dreg:$0x4] =	wrdreg $0xC0  }
0xab: {  	_ =	task [dreg:s7], $0x5FFFF  }
0xac: {  	[dreg:$0x1] =	wrdreg $0xFFFFFFFF  }
0xad: {  	[dreg:$0x0] =	wrdreg $0x60  }
0xae: {  	[dreg:$0x2] =	wrdreg s2  }
0xaf: {  	[dreg:$0x3] =	wrdreg s24  }
0xb0: {  	[dreg:$0x4] =	wrdreg $0x84000  }
0xb1: {  	[dreg:$0x5] =	wrdreg $0x9  }
0xb2: {  	_ =	task.clear_ibuf [dreg:s7], $0x6FFFF;
	_ =	strace $0x90000049  }
0xb3: {  	s29 =	simm.s32 $0x9;
	_ =	strace $0x8000004B  }
0xb4: {  	_ =	swait.ge [sflag:s29], $0x1  }
0xb5: {  	[sflag:s29] =	ssyncadd.s32 $0xFFFFFFFF  }
0xb6: {  	_ =	strace $0x9000004B  }
0xb7: {  	_ =	sfence  }
0xb8: {  	s30 =	sld [smem:$0x0];
	_ =	sdelay $0x2  }
0xb9: {  	s31 =	sshll.u32 s1, $0xD;
	s1 =	sshrl.u32 s1, $0x2  }
0xba: {  	s3 =	sand.u32 $0x4000, s31;
	s1 =	sadd.s32 s1, s30  }
0xbb: {  	s0 =	sor.u32 s3, s0;
	s1 =	sshll.u32 s1, $0x11  }
0xbc: {  	s0 =	sor.u32 s1, s0  }
0xbd: {  	s0 =	sadd.s32 $0x8F2B, s0  }
0xbe: {  	[sflag:s0] =	ssyncadd.remote.s32 $0x1  }
0xbf: {  	_ =	sfence.sel $0xFFFF  }
0xc0: {  	[dreg:$0x0] =	wrdreg $0xFFFFFFFF;
	(pc) =	sbr.abs _section_cstart, $3  }
0xc1: {  	[dreg:$0x1] =	wrdreg $0xFFFFFFFF  }
0xc2: {  	_ =	task.clear_ibuf [dreg:s7], $0x2FFFF;
	_ =	strace $0x9FFFFFFF  }
0xc3: {  	(tm) =	ssettm $0x7FFFFFFF  }
tec
execute0_lowered:
.L_overlay_start_1:
0x0: {  	(tag) =	ssettag $0x1  }
0x1: {  	s0 =	rddreg [dreg:$0x0]  }
0x2: {  	s7 =	rddreg [dreg:$0x1]  }
0x3: {  	s1 =	srdreg.scid;
	s3 =	rddreg [dreg:$0x2]  }
0x4: {  	s29 =	stileid.u32;
	s4 =	simm.s32 $0x0;
	s20 =	simm.s32 $0x32  }
0x5: {  	s21 =	simm.s32 $0x3;
	s23 =	simm.s32 $0x80;
	s6 =	smul.u32 $0x13C00, s29  }
0x6: {  	s25 =	simm.s32 $0x1;
	s26 =	simm.s32 $0x2;
	s9 =	smul.u32 $0x4F000, s29  }
0x7: {  	s11 =	sand.u32 $0x1, s1;
	[smem:$0x7FF] =	sst s4;
	s13 =	smul.u32 $0x3800, s29  }
0x8: {  	s28 =	simm.s32 $0x0;
	s5 =	smul.u32 $0x13C000, s11;
	_ =	strace $0x8000004A  }
0x9: {  	s30 =	ssub.s32 $0x2, s11;
	s12 =	smul.u32 $0x38000, s11;
	p0 =	seq.s32 s11, $0x0  }
0xa: {  	s31 =	sshrl.u32 s30, $0x1;
	s9 =	sshrl.u32 s9, $0x2;
	s20 =	simm.s32 @!p0 $0x6B  }
0xb: {  	s6 =	sadd.s32 s6, s5;
	s5 =	sadd.s32 $0x10C00, s7;
	s19 =	ssub.s32 s30, s31  }
0xc: {  	s11 =	sadd.s32 s13, s12;
	s1 =	sadd.s32 $0xFFFFFFFF, s20;
	s20 =	sshll.u32 s20, $0x7  }
0xd: {  	s8 =	sshrl.u32 s6, $0x3;
	s6 =	sadd.s32 $0x2C00, s7;
	s15 =	sshrl.u32 s11, $0x3  }
0xe: {  	s19 =	smax.u32 s19, $0x1;
	[dreg:$0x4] =	wrdreg s20;
	s20 =	simm.s32 $0x400  }
0xf: {  	s18 =	sadd.s32 s8, s7;
	s7 =	sadd.s32 s9, s3;
	s13 =	sadd.s32 s5, s15  }
0x10: {  	s14 =	sadd.s32 s6, s15;
	s16 =	sor.u32 $0x10, s15;
	s8 =	sadd.s32 $0x4000, s7  }
0x11: {  	s9 =	sadd.s32 $0x8000, s7;
	s10 =	sadd.s32 $0xC000, s7;
	s12 =	sadd.s32 $0x10000, s7  }
0x12: {  	v0 =	vimm.f32 $0.0e+00;
	s15 =	sadd.s32 s5, s16;
	s16 =	sadd.s32 s6, s16;
	s18 =	sadd.s32 $0x1EC00, s18  }
.LBB2_1:
0x13: {  	s29 =	simm.s32 $0x0;
	s30 =	simm.s32 $0x200  }
.LBB2_2:
0x14: {  	p0 =	sne.s32 s30, $0xFE00;
	[tilespmem:s29+$0x470] =	vst v0  }
0x15: {  	[tilespmem:s29+$0x400] =	vst v0  }
0x16: {  	[tilespmem:s29+$0x410] =	vst v0  }
.Ltmp0:
0x17: {  	[tilespmem:s29+$0x420] =	vst v0;
	(pc) =	sbr.rel @p0 .LBB2_2-.Ltmp0, $4  }
0x18: {  	[tilespmem:s29+$0x430] =	vst v0  }
0x19: {  	[tilespmem:s29+$0x440] =	vst v0  }
0x1a: {  	[tilespmem:s29+$0x450] =	vst v0  }
0x1b: {  	[tilespmem:s29+$0x460] =	vst v0;
	s29 =	sshra.s32 s30, $0x2;
	s30 =	sadd.s32 $0x200, s30  }
0x1c: {  	[tilespmem:s29+$0x470] =	vst v0  }
0x1d: {  	[tilespmem:s29+$0x400] =	vst v0  }
0x1e: {  	[tilespmem:s29+$0x410] =	vst v0  }
0x1f: {  	[tilespmem:s29+$0x420] =	vst v0  }
0x20: {  	[tilespmem:s29+$0x430] =	vst v0  }
0x21: {  	[tilespmem:s29+$0x440] =	vst v0  }
0x22: {  	[tilespmem:s29+$0x450] =	vst v0  }
0x23: {  	[tilespmem:s29+$0x460] =	vst v0  }
0x24: {  	[spmem:s7] =	stream.linear.scatter [tilespmem:s20], [sflag:$0x3], $0x4000, $0x38;
	[tilespmem:$0x1C000] =	vst v63  }
0x25: {  	_ =	swait.ge [sflag:s21], $0x4000  }
0x26: {  	[sflag:s21] =	ssyncset.done $0x0  }
0x27: {  	[sflag:s21] =	ssyncadd.s32 $0xFFFFC000  }
0x28: {  	[spmem:s8] =	stream.linear.scatter [tilespmem:s20], [sflag:$0x3], $0x4000, $0x38;
	[tilespmem:$0x1C000] =	vst v63  }
0x29: {  	_ =	swait.ge [sflag:s21], $0x4000  }
0x2a: {  	[sflag:s21] =	ssyncset.done $0x0  }
0x2b: {  	[sflag:s21] =	ssyncadd.s32 $0xFFFFC000  }
0x2c: {  	[spmem:s9] =	stream.linear.scatter [tilespmem:s20], [sflag:$0x3], $0x4000, $0x38;
	[tilespmem:$0x1C000] =	vst v63  }
0x2d: {  	_ =	swait.ge [sflag:s21], $0x4000  }
0x2e: {  	[sflag:s21] =	ssyncset.done $0x0  }
0x2f: {  	[sflag:s21] =	ssyncadd.s32 $0xFFFFC000  }
0x30: {  	[spmem:s10] =	stream.linear.scatter [tilespmem:s20], [sflag:$0x3], $0x4000, $0x38;
	[tilespmem:$0x1C000] =	vst v63  }
0x31: {  	_ =	swait.ge [sflag:s21], $0x4000  }
0x32: {  	[sflag:s21] =	ssyncset.done $0x0  }
0x33: {  	[sflag:s21] =	ssyncadd.s32 $0xFFFFC000  }
0x34: {  	[spmem:s12] =	stream.linear.scatter [tilespmem:s20], [sflag:$0x3], $0x3C00, $0x38;
	[tilespmem:$0x1C000] =	vst v63  }
0x35: {  	_ =	swait.ge [sflag:s21], $0x3C00  }
0x36: {  	[sflag:s21] =	ssyncset.done $0x0  }
0x37: {  	[sflag:s21] =	ssyncadd.s32 $0xFFFFC400  }
0x38: {  	s29 =	simm.s32 $0x0;
	[bflag:$0x0] =	sbarrier.arrive $0xFFFF  }
0x39: {  	[tilespmem:s29], [sflag:$0x1] =	stream.linear.gather [hbm4b:s13+s29], $0x80, $0x38;
	[tilespmem:$0x1C000] =	vst v63  }
0x3a: {  	s2 =	simm.s32 $0x200  }
0x3b: {  	[tilespmem:s2], [sflag:$0x1] =	stream.linear.gather [hbm4b:s14+s29], $0x80, $0x38;
	[tilespmem:$0x1C000] =	vst v63  }
0x3c: {  	_ = 	snop  }
0x3d: {  	[tilespmem:s23], [sflag:$0x1] =	stream.linear.gather [hbm4b:s15+s29], $0x80, $0x38;
	[tilespmem:$0x1C000] =	vst v63  }
0x3e: {  	s24 =	simm.s32 $0x280  }
0x3f: {  	[tilespmem:s24], [sflag:$0x1] =	stream.linear.gather [hbm4b:s16+s29], $0x80, $0x38;
	[tilespmem:$0x1C000] =	vst v63  }
0x40: {  	_ =	swait.ge [sflag:s25], $0x80  }
0x41: {  	[sflag:s25] =	ssyncset.done $0x0  }
0x42: {  	[sflag:s25] =	ssyncadd.s32 $0xFFFFFF80  }
0x43: {  	_ =	swait.ge [sflag:s25], $0x80  }
0x44: {  	[sflag:s25] =	ssyncset.done $0x0  }
0x45: {  	s30 =	simm.s32 $0x4000;
	s31 =	simm.s32 $0x2;
	[sflag:s25] =	ssyncadd.s32 $0xFFFFFF80  }
0x46: {  	[tilespmem:s20], [sflag:$0x2] =	stream.indirect.gather [hbm4b:s0+s23], $0x80, s29, s23, $0xb8;
	[tilespmem:$0x1C000] =	vst v63  }
.LBB2_4:
0x47: {  	p0 =	slt.s32 s31, s1;
	s17 =	smov.u32 s1  }
0x48: {  	s17 =	smov.u32 @p0 s31  }
0x49: {  	s17 =	sshll.u32 s17, $0x7  }
0x4a: {  	s2 =	sand.u32 $0x3C00, s17  }
0x4b: {  	s17 =	sand.u32 $0x380, s17;
	s2 =	sadd.s32 s11, s2  }
0x4c: {  	_ =	swait.ge [sflag:s26], $0x4000;
	s2 =	sor.u32 s17, s2  }
0x4d: {  	s22 =	sadd.s32 $0x100, s29;
	[sflag:s26] =	ssyncset.done $0x0;
	s2 =	sshrl.u32 s2, $0x3  }
0x4e: {  	[sflag:s26] =	ssyncadd.s32 $0xFFFFC000;
	s17 =	sand.u32 $0x180, s22;
	s22 =	sadd.s32 s5, s2  }
0x4f: {  	[tilespmem:s17], [sflag:$0x1] =	stream.linear.gather [hbm4b:s22+s4], $0x80, $0x38;
	[tilespmem:$0x1C000] =	vst v63  }
0x50: {  	s2 =	sadd.s32 s6, s2;
	s17 =	sor.u32 $0x200, s17  }
0x51: {  	[tilespmem:s17], [sflag:$0x1] =	stream.linear.gather [hbm4b:s2+s4], $0x80, $0x38;
	[tilespmem:$0x1C000] =	vst v63  }
0x52: {  	_ =	swait.ge [sflag:s25], $0x80  }
0x53: {  	[sflag:s25] =	ssyncset.done $0x0  }
0x54: {  	[sflag:s25] =	ssyncadd.s32 $0xFFFFFF80  }
0x55: {  	s22 =	sand.u32 $0x4000, s30;
	_ =	swait.ge [sflag:s25], $0x80  }
0x56: {  	s22 =	sor.u32 $0x400, s22;
	s17 =	sadd.s32 $0x80, s29;
	[sflag:s25] =	ssyncset.done $0x0  }
0x57: {  	s2 =	sadd.s32 $0xFFFFC000, s30;
	s24 =	sand.u32 $0x180, s17;
	[sflag:s25] =	ssyncadd.s32 $0xFFFFFF80  }
0x58: {  	[tilespmem:s22], [sflag:$0x2] =	stream.indirect.gather [hbm4b:s0+s23], $0x80, s24, s23, $0xb8;
	[tilespmem:$0x1C000] =	vst v63  }
0x59: {  	s2 =	sand.u32 $0x4000, s2;
	s24 =	sand.u32 $0x180, s29  }
0x5a: {  	s2 =	sor.u32 $0x400, s2;
	s22 =	sor.u32 $0x200, s24  }
0x5b: {  	[spmem:s3] =	stream.indirect.scatter.add.f32 [tilespmem:s2], [sflag:$0x3], $0x80, s22, s23, $0xb8;
	[tilespmem:$0x1C000] =	vst v63  }
0x5c: {  	_ =	swait.ge [sflag:s21], $0x4000  }
0x5d: {  	s24 =	rddreg [dreg:$0x4]  }
0x5e: {  	p0 =	sne.s32 s24, s17  }
.Ltmp1:
0x5f: {  	_ = 	snop;
	(pc) =	sbr.rel @p0 .LBB2_4-.Ltmp1, $3  }
0x60: {  	_ =	sdelay $0x1  }
0x61: {  	s31 =	sadd.s32 $0x1, s31;
	[sflag:s21] =	ssyncset.done $0x0  }
0x62: {  	s30 =	sadd.s32 $0x4000, s30;
	s29 =	smov.u32 s17;
	[sflag:s21] =	ssyncadd.s32 $0xFFFFC000  }
0x63: {  	_ =	swait.ge [sflag:s26], $0x4000  }
0x64: {  	[sflag:s26] =	ssyncset.done $0x0  }
0x65: {  	[sflag:s26] =	ssyncadd.s32 $0xFFFFC000  }
0x66: {  	_ =	swait.ge [sflag:s25], $0x80  }
0x67: {  	[sflag:s25] =	ssyncset.done $0x0  }
0x68: {  	[sflag:s25] =	ssyncadd.s32 $0xFFFFFF80  }
0x69: {  	s2 =	stileid.u32;
	_ =	swait.ge [sflag:s25], $0x80  }
0x6a: {  	s17 =	sshrl.u32 s7, $0x3;
	s28 =	sadd.s32 $0x1, s28;
	[sflag:s25] =	ssyncset.done $0x0  }
0x6b: {  	s2 =	sshll.u32 s2, $0x6;
	p0 =	sne.s32 s28, s19;
	[sflag:s25] =	ssyncadd.s32 $0xFFFFFF80  }
.Ltmp2:
0x6c: {  	s2 =	sor.u32 $0x1C03, s2;
	[bflag:$0x0] =	sbarrier.arrive $0xFFFF;
	(pc) =	sbr.rel @p0 .LBB2_1-.Ltmp2, $4  }
0x6d: {  	[hbm:s18], [sflag:s2] =	dma.local [spmem:s17], $0x2780  }
0x6e: {  	_ =	swait.ge [sflag:s21], $0x2780  }
0x6f: {  	[sflag:s21] =	ssyncset.done $0x0  }
0x70: {  	[sflag:s21] =	ssyncadd.s32 $0xFFFFD880  }
0x71: {  	_ =	sfence.sel $0x180000  }
0x72: {  	[bflag:$0x0] =	sbarrier.arrive $0xFFFF  }
0x73: {  	_ =	strace $0x9000004A  }
0x74: {  	s0 =	stileid.u32;
	[bflag:$0x2] =	sbarrier.arrive $0xFFFF  }
0x75: {  	p0 =	sne.s32 s0, $0x0;
	s0 =	rddreg [dreg:$0x3]  }
0x76: {  	s0 =	sadd.s32 @!p0 $0x100000, s0  }
0x77: {  	[sflag:s0] =	ssyncadd.tile.s32 @!p0 $0x1;
	_ =	shalt  }
.Lfunc_end2:
_tile_overlayer_lowered:
.L_overlay_start_2:
0x78: {  	(tag) =	ssettag $0x2  }
0x79: {  	s0 =	rddreg [dreg:$0x0];
	s2 =	stileid.u32  }
0x7a: {  	s1 =	rddreg [dreg:$0x1];
	p0 =	sne.s32 s2, $0x0  }
0x7b: {  	s3 =	rddreg [dreg:$0x2];
	[bflag:$0x3] =	sbarrier.arrive $0xFFFF;
	s2 =	simm.s32 @!p0 $0x1C03  }
0x7c: {  	[timem:s3], [sflag:s2] =	dma.local @!p0 [hbm:s0], s1  }
0x7d: {  	s0 =	simm.s32 @!p0 $0x3  }
0x7e: {  	_ =	swait.ge @!p0 [sflag:s0], s1  }
0x7f: {  	s1 =	ssub.s32 @!p0 $0x0, s1;
	[sflag:s0] =	ssyncset.done @!p0 $0x0  }
0x80: {  	[sflag:s0] =	ssyncadd.s32 @!p0 s1  }
0x81: {  	[bflag:$0x3] =	sbarrier.arrive $0xFFFF  }
0x82: {  	_ =	shalt  }

// kernel: kernel.14.cloned.1.call-start
scs
__scs_entry_jumppad:
0x0: {  	(pc) =	sbr.rel $0x88, $3  }
0x1: {  	(tag) =	ssettag $0x0;
	lr =	simm.s32 $0x1  }
0x2: {  	[smem:$0x3F97] =	sst lr;
	_ =	strace $0xD0000000  }
0x3: {  	_ = 	snop  }
0x4: {  	_ = 	snop  }
0x5: {  	_ = 	snop  }
0x6: {  	_ = 	snop  }
0x7: {  	_ = 	snop  }
__scs_overlays_trampoline_lowered:
0x8: {  	[smem:$0x3FA6] =	sst s0  }
0x9: {  	[smem:$0x3FA7] =	sst s1  }
0xa: {  	[smem:$0x3FA8] =	sst s2  }
0xb: {  	[smem:$0x3FA9] =	sst s3  }
0xc: {  	[smem:$0x3FAA] =	sst s4  }
0xd: {  	[smem:$0x3FAB] =	sst s5  }
0xe: {  	[smem:$0x3FAC] =	sst s6  }
0xf: {  	[smem:$0x3FAD] =	sst s7  }
0x10: {  	[smem:$0x3FAE] =	sst s8  }
0x11: {  	[smem:$0x3FAF] =	sst s9;
	s0 =	simm.s32 @!p0 $0x0  }
0x12: {  	s1 =	sld [smem:$0x3F95];
	s0 =	simm.s32 @p0 $0x1  }
0x13: {  	[smem:$0x3FB0] =	sst s0;
	s0 =	simm.s32 @!p1 $0x0  }
0x14: {  	s2 =	sld [smem:$0x3F94];
	s0 =	simm.s32 @p1 $0x1  }
0x15: {  	[smem:$0x3FB1] =	sst s0;
	s0 =	simm.s32 @!p2 $0x0  }
0x16: {  	s3 =	sld [smem:$0x3FDB];
	s0 =	simm.s32 @p2 $0x1  }
0x17: {  	s4 =	simm.s32 $0x1BF5;
	[smem:$0x3FB3] =	sst s0  }
0x18: {  	s0 =	sld [smem:$0x3F96];
	_ =	swait.ge [sflag:s4], $0x0  }
0x19: {  	s7 =	sld [smem:$0x3F97]  }
0x1a: {  	s8 =	sadd.s32 $0xFFFFE003, lr  }
0x1b: {  	s9 =	sadd.s32 $0xFFFFFEF7, lr;
	s5 =	simm.s32 $0xFFFFFFFF;
	p2 =	slt.u32 s8, $0xFFFFF086  }
0x1c: {  	p1 =	slt.u32 s9, $0xF7A;
	s5 =	simm.s32 @!p2 $0x0  }
0x1d: {  	s5 =	simm.s32 @p1 $0x1;
	p0 =	seq.s32 s7, s2  }
0x1e: {  	s7 =	smul.u32 @!p0 $0xF7A, s2;
	p2 =	seq.s32 @!p0 s5, $0x0  }
0x1f: {  	s9 =	smul.u32 $0xF7A, s1;
	s8 =	simm.s32 @!p0 $0x1BF5;
	p2 =	por !p2, p0  }
0x20: {  	[sflag:s8] =	ssyncset.s32 @!p0 $0xFFFFF086;
	s6 =	sadd.s32 @!p0 s3, s7;
	s7 =	simm.s32 @!p0 $0x108  }
0x21: {  	s3 =	sadd.s32 s3, s9;
	s6 =	sadd.s32 @!p0 $0x88, s6;
	s7 =	simm.s32 @p2 $0x1082  }
0x22: {  	[simem:s7], [sflag:s8] =	dma.local @!p0 [hbm:s6], $0xF7A  }
0x23: {  	s9 =	sor.u32 $0xD0000000, s2;
	s6 =	simm.s32 $0x108;
	_ =	swait.ge @!p0 [sflag:s8], $0x0  }
0x24: {  	s3 =	sadd.s32 $0x88, s3;
	s6 =	simm.s32 @!p1 $0x1082;
	[sflag:s4] =	ssyncset.s32 $0xFFFFF086  }
0x25: {  	[simem:s6], [sflag:s4] =	dma.local [hbm:s3], $0xF7A  }
0x26: {  	[smem:$0x3F97] =	sst s1;
	(tag) =	ssettag s2;
	_ =	strace s9  }
0x27: {  	s1 =	sld [smem:$0x3FA7]  }
0x28: {  	s2 =	sld [smem:$0x3FA8]  }
0x29: {  	s4 =	sld [smem:$0x3FAA]  }
0x2a: {  	p0 =	seq.s32 s5, $0x0;
	s5 =	sld [smem:$0x3FAB]  }
0x2b: {  	s6 =	sld [smem:$0x3FAC]  }
0x2c: {  	s7 =	sld [smem:$0x3FAD]  }
0x2d: {  	s3 =	simm.s32 $0x108;
	s8 =	sld [smem:$0x3FAE]  }
0x2e: {  	s3 =	simm.s32 @!p0 $0x1082;
	s9 =	sld [smem:$0x3FAF]  }
0x2f: {  	lr =	sadd.s32 s0, s3;
	s0 =	sld [smem:$0x3FA6]  }
0x30: {  	s3 =	sld [smem:$0x3FA9]  }
0x31: {  	[smem:$0x3FB2] =	sst s10  }
0x32: {  	s10 =	sld [smem:$0x3FB0];
	_ =	sdelay $0x3  }
0x33: {  	p0 =	seq.s32 s10, $0x1;
	s10 =	sld [smem:$0x3FB2];
	_ =	sdelay $0x3  }
0x34: {  	[smem:$0x3FB2] =	sst s10  }
0x35: {  	s10 =	sld [smem:$0x3FB1];
	_ =	sdelay $0x3  }
0x36: {  	p1 =	seq.s32 s10, $0x1;
	s10 =	sld [smem:$0x3FB2];
	_ =	sdelay $0x3  }
0x37: {  	[smem:$0x3FB2] =	sst s10  }
0x38: {  	s10 =	sld [smem:$0x3FB3]  }
0x39: {  	_ = 	snop;
	(pc) =	sbr.ind lr, $3  }
0x3a: {  	_ = 	snop  }
0x3b: {  	_ = 	snop  }
0x3c: {  	p2 =	seq.s32 s10, $0x1;
	s10 =	sld [smem:$0x3FB2]  }
0x3d: {  	_ =	shalt  }
0x3e: {  	_ =	shalt  }
0x3f: {  	_ =	shalt  }
0x40: {  	_ =	shalt  }
0x41: {  	_ =	shalt  }
0x42: {  	_ =	shalt  }
0x43: {  	_ =	shalt  }
0x44: {  	_ =	shalt  }
0x45: {  	_ =	shalt  }
0x46: {  	_ =	shalt  }
0x47: {  	_ =	shalt  }
0x48: {  	_ =	shalt  }
0x49: {  	_ =	shalt  }
0x4a: {  	_ =	shalt  }
0x4b: {  	_ =	shalt  }
0x4c: {  	_ =	shalt  }
0x4d: {  	_ =	shalt  }
0x4e: {  	_ =	shalt  }
0x4f: {  	_ =	shalt  }
0x50: {  	_ =	shalt  }
0x51: {  	_ =	shalt  }
0x52: {  	_ =	shalt  }
0x53: {  	_ =	shalt  }
0x54: {  	_ =	shalt  }
0x55: {  	_ =	shalt  }
0x56: {  	_ =	shalt  }
0x57: {  	_ =	shalt  }
0x58: {  	_ =	shalt  }
0x59: {  	_ =	shalt  }
0x5a: {  	_ =	shalt  }
0x5b: {  	_ =	shalt  }
0x5c: {  	_ =	shalt  }
0x5d: {  	_ =	shalt  }
0x5e: {  	_ =	shalt  }
0x5f: {  	_ =	shalt  }
0x60: {  	_ =	shalt  }
0x61: {  	_ =	shalt  }
0x62: {  	_ =	shalt  }
0x63: {  	_ =	shalt  }
0x64: {  	_ =	shalt  }
0x65: {  	_ =	shalt  }
0x66: {  	_ =	shalt  }
0x67: {  	_ =	shalt  }
0x68: {  	_ =	shalt  }
0x69: {  	_ =	shalt  }
0x6a: {  	_ =	shalt  }
0x6b: {  	_ =	shalt  }
0x6c: {  	_ =	shalt  }
0x6d: {  	_ =	shalt  }
0x6e: {  	_ =	shalt  }
0x6f: {  	_ =	shalt  }
0x70: {  	_ =	shalt  }
0x71: {  	_ =	shalt  }
0x72: {  	_ =	shalt  }
0x73: {  	_ =	shalt  }
0x74: {  	_ =	shalt  }
0x75: {  	_ =	shalt  }
0x76: {  	_ =	shalt  }
0x77: {  	_ =	shalt  }
0x78: {  	_ =	shalt  }
0x79: {  	_ =	shalt  }
0x7a: {  	_ =	shalt  }
0x7b: {  	_ =	shalt  }
0x7c: {  	_ =	shalt  }
0x7d: {  	_ =	shalt  }
0x7e: {  	_ =	shalt  }
0x7f: {  	_ =	shalt  }
0x80: {  	_ =	shalt  }
0x81: {  	_ =	shalt  }
0x82: {  	_ =	shalt  }
0x83: {  	_ =	shalt  }
0x84: {  	_ =	shalt  }
0x85: {  	_ =	shalt  }
0x86: {  	_ =	shalt  }
0x87: {  	_ =	shalt  }
.Lfunc_end0:
.L_simem_size_0:
called_computation.2_lowered:
.L_overlay_start_0:
0x88: {  	s2 =	sld [smem:$0x3FD9]  }
0x89: {  	s3 =	sld [smem:$0x3FFE];
	_ =	sdelay $0x1  }
0x8a: {  	s1 =	srdreg.scid  }
0x8b: {  	s0 =	sand.u32 $0x1, s1  }
0x8c: {  	s17 =	sshll.u32 s0, $0xA;
	s2 =	sadd.s32 s3, s2  }
0x8d: {  	s2 =	sadd.s32 s2, s17  }
0x8e: {  	[smem:$0x3FBE] =	sst s2  }
0x8f: {  	_ = 	snop  }
0x90: {  	s2 =	sld [smem:$0x3FD0];
	(tm) =	ssettm $0x1  }
0x91: {  	s18 =	sld [smem:$0x3FFB];
	_ =	sdelay $0x3  }
0x92: {  	_ =	strace s18  }
0x93: {  	s3 =	sld [smem:$0x3FFC];
	_ =	sdelay $0x3  }
0x94: {  	_ =	strace s3  }
0x95: {  	s3 =	sld [smem:$0x3FFD];
	_ =	sdelay $0x3  }
0x96: {  	_ =	strace s3  }
0x97: {  	_ =	strace $0x8FFFFFFF  }
0x98: {  	s19 =	sld [smem:$0x3FDB];
	_ =	sdelay $0x1  }
0x99: {  	s4 =	simm.s32 $_scs_section_size  }
0x9a: {  	s5 =	simm.s32 $_size__tile_overlayer_lowered;
	s6 =	simm.s32 $_tile_overlayer_lowered  }
0x9b: {  	s22 =	simm.s32 $0x1BFF;
	s21 =	sshll.u32 s6, $0x1;
	s3 =	sadd.s32 s4, s19  }
0x9c: {  	s7 =	simm.s32 $0x0;
	s20 =	sshll.u32 s5, $0x1;
	s5 =	sadd.s32 s21, s3  }
0x9d: {  	[timem:s7], [sflag:s22] =	dma.local [hbm:s5], s20  }
0x9e: {  	_ =	swait.ge [sflag:s22], s20  }
0x9f: {  	s4 =	ssub.s32 $0x0, s20;
	[sflag:s22] =	ssyncset.done $0x0  }
0xa0: {  	[sflag:s22] =	ssyncadd.s32 s4;
	_ =	sdelay $0x1  }
0xa1: {  	s23 =	simm.s32 $0x1B8B  }
0xa2: {  	_ =	swait.ge [sflag:s23], $0x1  }
0xa3: {  	[sflag:s23] =	ssyncset.done $0x0  }
0xa4: {  	s25 =	simm.s32 $0x1B8E;
	s24 =	sld [smem:$0x3FFE];
	[sflag:s23] =	ssyncadd.s32 $0xFFFFFFFF  }
0xa5: {  	s26 =	simm.s32 $execute0_lowered;
	[smem:$0x3FD2] =	sst s25  }
0xa6: {  	s5 =	sshll.u32 s26, $0x1;
	_ =	strace $0x8000004C;
	[dreg:$0x1] =	wrdreg $0xFFFFFFFF  }
0xa7: {  	s28 =	simm.s32 $_size_execute0_lowered;
	s3 =	sadd.s32 s3, s5;
	[dreg:$0x0] =	wrdreg $0x0  }
0xa8: {  	s5 =	sshll.u32 s28, $0x1;
	[dreg:$0x2] =	wrdreg s3  }
0xa9: {  	[dreg:$0x3] =	wrdreg s5  }
0xaa: {  	[dreg:$0x4] =	wrdreg $0xC0  }
0xab: {  	_ =	task [dreg:s7], $0x5FFFF  }
0xac: {  	[dreg:$0x1] =	wrdreg $0xFFFFFFFF  }
0xad: {  	[dreg:$0x0] =	wrdreg $0x60  }
0xae: {  	[dreg:$0x2] =	wrdreg s2  }
0xaf: {  	[dreg:$0x3] =	wrdreg s24  }
0xb0: {  	[dreg:$0x4] =	wrdreg $0x84000  }
0xb1: {  	[dreg:$0x5] =	wrdreg $0x9  }
0xb2: {  	_ =	task.clear_ibuf [dreg:s7], $0x6FFFF;
	_ =	strace $0x9000004C  }
0xb3: {  	s29 =	simm.s32 $0x9;
	_ =	strace $0x8000004E  }
0xb4: {  	_ =	swait.ge [sflag:s29], $0x1  }
0xb5: {  	[sflag:s29] =	ssyncadd.s32 $0xFFFFFFFF  }
0xb6: {  	_ =	strace $0x9000004E  }
0xb7: {  	_ =	sfence  }
0xb8: {  	s30 =	sld [smem:$0x0];
	_ =	sdelay $0x2  }
0xb9: {  	s31 =	sshll.u32 s1, $0xD;
	s1 =	sshrl.u32 s1, $0x2  }
0xba: {  	s3 =	sand.u32 $0x4000, s31;
	s1 =	sadd.s32 s1, s30  }
0xbb: {  	s0 =	sor.u32 s3, s0;
	s1 =	sshll.u32 s1, $0x11  }
0xbc: {  	s0 =	sor.u32 s1, s0  }
0xbd: {  	s0 =	sadd.s32 $0x8F2B, s0  }
0xbe: {  	[sflag:s0] =	ssyncadd.remote.s32 $0x1  }
0xbf: {  	_ =	sfence.sel $0xFFFF  }
0xc0: {  	[dreg:$0x0] =	wrdreg $0xFFFFFFFF;
	(pc) =	sbr.abs _section_cstart, $3  }
0xc1: {  	[dreg:$0x1] =	wrdreg $0xFFFFFFFF  }
0xc2: {  	_ =	task.clear_ibuf [dreg:s7], $0x2FFFF;
	_ =	strace $0x9FFFFFFF  }
0xc3: {  	(tm) =	ssettm $0x7FFFFFFF  }
tec
execute0_lowered:
.L_overlay_start_1:
0x0: {  	(tag) =	ssettag $0x1  }
0x1: {  	s0 =	rddreg [dreg:$0x0]  }
0x2: {  	s7 =	rddreg [dreg:$0x1]  }
0x3: {  	s1 =	srdreg.scid;
	s3 =	rddreg [dreg:$0x2]  }
0x4: {  	s29 =	stileid.u32;
	s4 =	simm.s32 $0x0;
	s20 =	simm.s32 $0x32  }
0x5: {  	s21 =	simm.s32 $0x3;
	s23 =	simm.s32 $0x80;
	s6 =	smul.u32 $0x13C00, s29  }
0x6: {  	s25 =	simm.s32 $0x1;
	s26 =	simm.s32 $0x2;
	s9 =	smul.u32 $0x4F000, s29  }
0x7: {  	s11 =	sand.u32 $0x1, s1;
	[smem:$0x7FF] =	sst s4;
	s13 =	smul.u32 $0x3800, s29  }
0x8: {  	s28 =	simm.s32 $0x0;
	s5 =	smul.u32 $0x13C000, s11;
	_ =	strace $0x8000004D  }
0x9: {  	s30 =	ssub.s32 $0x2, s11;
	s12 =	smul.u32 $0x38000, s11;
	p0 =	seq.s32 s11, $0x0  }
0xa: {  	s31 =	sshrl.u32 s30, $0x1;
	s9 =	sshrl.u32 s9, $0x2;
	s20 =	simm.s32 @!p0 $0x6B  }
0xb: {  	s6 =	sadd.s32 s6, s5;
	s5 =	sadd.s32 $0x10C00, s7;
	s19 =	ssub.s32 s30, s31  }
0xc: {  	s11 =	sadd.s32 s13, s12;
	s1 =	sadd.s32 $0xFFFFFFFF, s20;
	s20 =	sshll.u32 s20, $0x7  }
0xd: {  	s8 =	sshrl.u32 s6, $0x3;
	s6 =	sadd.s32 $0x2C00, s7;
	s15 =	sshrl.u32 s11, $0x3  }
0xe: {  	s19 =	smax.u32 s19, $0x1;
	[dreg:$0x4] =	wrdreg s20;
	s20 =	simm.s32 $0x400  }
0xf: {  	s18 =	sadd.s32 s8, s7;
	s7 =	sadd.s32 s9, s3;
	s13 =	sadd.s32 s5, s15  }
0x10: {  	s14 =	sadd.s32 s6, s15;
	s16 =	sor.u32 $0x10, s15;
	s8 =	sadd.s32 $0x4000, s7  }
0x11: {  	s9 =	sadd.s32 $0x8000, s7;
	s10 =	sadd.s32 $0xC000, s7;
	s12 =	sadd.s32 $0x10000, s7  }
0x12: {  	v0 =	vimm.f32 $0.0e+00;
	s15 =	sadd.s32 s5, s16;
	s16 =	sadd.s32 s6, s16;
	s18 =	sadd.s32 $0x1EC00, s18  }
.LBB2_1:
0x13: {  	s29 =	simm.s32 $0x0;
	s30 =	simm.s32 $0x200  }
.LBB2_2:
0x14: {  	p0 =	sne.s32 s30, $0xFE00;
	[tilespmem:s29+$0x470] =	vst v0  }
0x15: {  	[tilespmem:s29+$0x400] =	vst v0  }
0x16: {  	[tilespmem:s29+$0x410] =	vst v0  }
.Ltmp0:
0x17: {  	[tilespmem:s29+$0x420] =	vst v0;
	(pc) =	sbr.rel @p0 .LBB2_2-.Ltmp0, $4  }
0x18: {  	[tilespmem:s29+$0x430] =	vst v0  }
0x19: {  	[tilespmem:s29+$0x440] =	vst v0  }
0x1a: {  	[tilespmem:s29+$0x450] =	vst v0  }
0x1b: {  	[tilespmem:s29+$0x460] =	vst v0;
	s29 =	sshra.s32 s30, $0x2;
	s30 =	sadd.s32 $0x200, s30  }
0x1c: {  	[tilespmem:s29+$0x470] =	vst v0  }
0x1d: {  	[tilespmem:s29+$0x400] =	vst v0  }
0x1e: {  	[tilespmem:s29+$0x410] =	vst v0  }
0x1f: {  	[tilespmem:s29+$0x420] =	vst v0  }
0x20: {  	[tilespmem:s29+$0x430] =	vst v0  }
0x21: {  	[tilespmem:s29+$0x440] =	vst v0  }
0x22: {  	[tilespmem:s29+$0x450] =	vst v0  }
0x23: {  	[tilespmem:s29+$0x460] =	vst v0  }
0x24: {  	[spmem:s7] =	stream.linear.scatter [tilespmem:s20], [sflag:$0x3], $0x4000, $0x38;
	[tilespmem:$0x1C000] =	vst v63  }
0x25: {  	_ =	swait.ge [sflag:s21], $0x4000  }
0x26: {  	[sflag:s21] =	ssyncset.done $0x0  }
0x27: {  	[sflag:s21] =	ssyncadd.s32 $0xFFFFC000  }
0x28: {  	[spmem:s8] =	stream.linear.scatter [tilespmem:s20], [sflag:$0x3], $0x4000, $0x38;
	[tilespmem:$0x1C000] =	vst v63  }
0x29: {  	_ =	swait.ge [sflag:s21], $0x4000  }
0x2a: {  	[sflag:s21] =	ssyncset.done $0x0  }
0x2b: {  	[sflag:s21] =	ssyncadd.s32 $0xFFFFC000  }
0x2c: {  	[spmem:s9] =	stream.linear.scatter [tilespmem:s20], [sflag:$0x3], $0x4000, $0x38;
	[tilespmem:$0x1C000] =	vst v63  }
0x2d: {  	_ =	swait.ge [sflag:s21], $0x4000  }
0x2e: {  	[sflag:s21] =	ssyncset.done $0x0  }
0x2f: {  	[sflag:s21] =	ssyncadd.s32 $0xFFFFC000  }
0x30: {  	[spmem:s10] =	stream.linear.scatter [tilespmem:s20], [sflag:$0x3], $0x4000, $0x38;
	[tilespmem:$0x1C000] =	vst v63  }
0x31: {  	_ =	swait.ge [sflag:s21], $0x4000  }
0x32: {  	[sflag:s21] =	ssyncset.done $0x0  }
0x33: {  	[sflag:s21] =	ssyncadd.s32 $0xFFFFC000  }
0x34: {  	[spmem:s12] =	stream.linear.scatter [tilespmem:s20], [sflag:$0x3], $0x3C00, $0x38;
	[tilespmem:$0x1C000] =	vst v63  }
0x35: {  	_ =	swait.ge [sflag:s21], $0x3C00  }
0x36: {  	[sflag:s21] =	ssyncset.done $0x0  }
0x37: {  	[sflag:s21] =	ssyncadd.s32 $0xFFFFC400  }
0x38: {  	s29 =	simm.s32 $0x0;
	[bflag:$0x0] =	sbarrier.arrive $0xFFFF  }
0x39: {  	[tilespmem:s29], [sflag:$0x1] =	stream.linear.gather [hbm4b:s13+s29], $0x80, $0x38;
	[tilespmem:$0x1C000] =	vst v63  }
0x3a: {  	s2 =	simm.s32 $0x200  }
0x3b: {  	[tilespmem:s2], [sflag:$0x1] =	stream.linear.gather [hbm4b:s14+s29], $0x80, $0x38;
	[tilespmem:$0x1C000] =	vst v63  }
0x3c: {  	_ = 	snop  }
0x3d: {  	[tilespmem:s23], [sflag:$0x1] =	stream.linear.gather [hbm4b:s15+s29], $0x80, $0x38;
	[tilespmem:$0x1C000] =	vst v63  }
0x3e: {  	s24 =	simm.s32 $0x280  }
0x3f: {  	[tilespmem:s24], [sflag:$0x1] =	stream.linear.gather [hbm4b:s16+s29], $0x80, $0x38;
	[tilespmem:$0x1C000] =	vst v63  }
0x40: {  	_ =	swait.ge [sflag:s25], $0x80  }
0x41: {  	[sflag:s25] =	ssyncset.done $0x0  }
0x42: {  	[sflag:s25] =	ssyncadd.s32 $0xFFFFFF80  }
0x43: {  	_ =	swait.ge [sflag:s25], $0x80  }
0x44: {  	[sflag:s25] =	ssyncset.done $0x0  }
0x45: {  	s30 =	simm.s32 $0x4000;
	s31 =	simm.s32 $0x2;
	[sflag:s25] =	ssyncadd.s32 $0xFFFFFF80  }
0x46: {  	[tilespmem:s20], [sflag:$0x2] =	stream.indirect.gather [hbm4b:s0+s23], $0x80, s29, s23, $0xb8;
	[tilespmem:$0x1C000] =	vst v63  }
.LBB2_4:
0x47: {  	p0 =	slt.s32 s31, s1;
	s17 =	smov.u32 s1  }
0x48: {  	s17 =	smov.u32 @p0 s31  }
0x49: {  	s17 =	sshll.u32 s17, $0x7  }
0x4a: {  	s2 =	sand.u32 $0x3C00, s17  }
0x4b: {  	s17 =	sand.u32 $0x380, s17;
	s2 =	sadd.s32 s11, s2  }
0x4c: {  	_ =	swait.ge [sflag:s26], $0x4000;
	s2 =	sor.u32 s17, s2  }
0x4d: {  	s22 =	sadd.s32 $0x100, s29;
	[sflag:s26] =	ssyncset.done $0x0;
	s2 =	sshrl.u32 s2, $0x3  }
0x4e: {  	[sflag:s26] =	ssyncadd.s32 $0xFFFFC000;
	s17 =	sand.u32 $0x180, s22;
	s22 =	sadd.s32 s5, s2  }
0x4f: {  	[tilespmem:s17], [sflag:$0x1] =	stream.linear.gather [hbm4b:s22+s4], $0x80, $0x38;
	[tilespmem:$0x1C000] =	vst v63  }
0x50: {  	s2 =	sadd.s32 s6, s2;
	s17 =	sor.u32 $0x200, s17  }
0x51: {  	[tilespmem:s17], [sflag:$0x1] =	stream.linear.gather [hbm4b:s2+s4], $0x80, $0x38;
	[tilespmem:$0x1C000] =	vst v63  }
0x52: {  	_ =	swait.ge [sflag:s25], $0x80  }
0x53: {  	[sflag:s25] =	ssyncset.done $0x0  }
0x54: {  	[sflag:s25] =	ssyncadd.s32 $0xFFFFFF80  }
0x55: {  	s22 =	sand.u32 $0x4000, s30;
	_ =	swait.ge [sflag:s25], $0x80  }
0x56: {  	s22 =	sor.u32 $0x400, s22;
	s17 =	sadd.s32 $0x80, s29;
	[sflag:s25] =	ssyncset.done $0x0  }
0x57: {  	s2 =	sadd.s32 $0xFFFFC000, s30;
	s24 =	sand.u32 $0x180, s17;
	[sflag:s25] =	ssyncadd.s32 $0xFFFFFF80  }
0x58: {  	[tilespmem:s22], [sflag:$0x2] =	stream.indirect.gather [hbm4b:s0+s23], $0x80, s24, s23, $0xb8;
	[tilespmem:$0x1C000] =	vst v63  }
0x59: {  	s2 =	sand.u32 $0x4000, s2;
	s24 =	sand.u32 $0x180, s29  }
0x5a: {  	s2 =	sor.u32 $0x400, s2;
	s22 =	sor.u32 $0x200, s24  }
0x5b: {  	[spmem:s3] =	stream.indirect.scatter.add.f32 [tilespmem:s2], [sflag:$0x3], $0x80, s22, s23, $0xb8;
	[tilespmem:$0x1C000] =	vst v63  }
0x5c: {  	_ =	swait.ge [sflag:s21], $0x4000  }
0x5d: {  	s24 =	rddreg [dreg:$0x4]  }
0x5e: {  	p0 =	sne.s32 s24, s17  }
.Ltmp1:
0x5f: {  	_ = 	snop;
	(pc) =	sbr.rel @p0 .LBB2_4-.Ltmp1, $3  }
0x60: {  	_ =	sdelay $0x1  }
0x61: {  	s31 =	sadd.s32 $0x1, s31;
	[sflag:s21] =	ssyncset.done $0x0  }
0x62: {  	s30 =	sadd.s32 $0x4000, s30;
	s29 =	smov.u32 s17;
	[sflag:s21] =	ssyncadd.s32 $0xFFFFC000  }
0x63: {  	_ =	swait.ge [sflag:s26], $0x4000  }
0x64: {  	[sflag:s26] =	ssyncset.done $0x0  }
0x65: {  	[sflag:s26] =	ssyncadd.s32 $0xFFFFC000  }
0x66: {  	_ =	swait.ge [sflag:s25], $0x80  }
0x67: {  	[sflag:s25] =	ssyncset.done $0x0  }
0x68: {  	[sflag:s25] =	ssyncadd.s32 $0xFFFFFF80  }
0x69: {  	s2 =	stileid.u32;
	_ =	swait.ge [sflag:s25], $0x80  }
0x6a: {  	s17 =	sshrl.u32 s7, $0x3;
	s28 =	sadd.s32 $0x1, s28;
	[sflag:s25] =	ssyncset.done $0x0  }
0x6b: {  	s2 =	sshll.u32 s2, $0x6;
	p0 =	sne.s32 s28, s19;
	[sflag:s25] =	ssyncadd.s32 $0xFFFFFF80  }
.Ltmp2:
0x6c: {  	s2 =	sor.u32 $0x1C03, s2;
	[bflag:$0x0] =	sbarrier.arrive $0xFFFF;
	(pc) =	sbr.rel @p0 .LBB2_1-.Ltmp2, $4  }
0x6d: {  	[hbm:s18], [sflag:s2] =	dma.local [spmem:s17], $0x2780  }
0x6e: {  	_ =	swait.ge [sflag:s21], $0x2780  }
0x6f: {  	[sflag:s21] =	ssyncset.done $0x0  }
0x70: {  	[sflag:s21] =	ssyncadd.s32 $0xFFFFD880  }
0x71: {  	_ =	sfence.sel $0x180000  }
0x72: {  	[bflag:$0x0] =	sbarrier.arrive $0xFFFF  }
0x73: {  	_ =	strace $0x9000004D  }
0x74: {  	s0 =	stileid.u32;
	[bflag:$0x2] =	sbarrier.arrive $0xFFFF  }
0x75: {  	p0 =	sne.s32 s0, $0x0;
	s0 =	rddreg [dreg:$0x3]  }
0x76: {  	s0 =	sadd.s32 @!p0 $0x100000, s0  }
0x77: {  	[sflag:s0] =	ssyncadd.tile.s32 @!p0 $0x1;
	_ =	shalt  }
.Lfunc_end2:
_tile_overlayer_lowered:
.L_overlay_start_2:
0x78: {  	(tag) =	ssettag $0x2  }
0x79: {  	s0 =	rddreg [dreg:$0x0];
	s2 =	stileid.u32  }
0x7a: {  	s1 =	rddreg [dreg:$0x1];
	p0 =	sne.s32 s2, $0x0  }
0x7b: {  	s3 =	rddreg [dreg:$0x2];
	[bflag:$0x3] =	sbarrier.arrive $0xFFFF;
	s2 =	simm.s32 @!p0 $0x1C03  }
0x7c: {  	[timem:s3], [sflag:s2] =	dma.local @!p0 [hbm:s0], s1  }
0x7d: {  	s0 =	simm.s32 @!p0 $0x3  }
0x7e: {  	_ =	swait.ge @!p0 [sflag:s0], s1  }
0x7f: {  	s1 =	ssub.s32 @!p0 $0x0, s1;
	[sflag:s0] =	ssyncset.done @!p0 $0x0  }
0x80: {  	[sflag:s0] =	ssyncadd.s32 @!p0 s1  }
0x81: {  	[bflag:$0x3] =	sbarrier.arrive $0xFFFF  }
0x82: {  	_ =	shalt  }

// kernel: kernel.8.cloned.1.call-start
scs
__scs_entry_jumppad:
0x0: {  	(pc) =	sbr.rel $0x88, $3  }
0x1: {  	(tag) =	ssettag $0x0;
	lr =	simm.s32 $0x1  }
0x2: {  	[smem:$0x3F97] =	sst lr;
	_ =	strace $0xD0000000  }
0x3: {  	_ = 	snop  }
0x4: {  	_ = 	snop  }
0x5: {  	_ = 	snop  }
0x6: {  	_ = 	snop  }
0x7: {  	_ = 	snop  }
__scs_overlays_trampoline_lowered:
0x8: {  	[smem:$0x3FA6] =	sst s0  }
0x9: {  	[smem:$0x3FA7] =	sst s1  }
0xa: {  	[smem:$0x3FA8] =	sst s2  }
0xb: {  	[smem:$0x3FA9] =	sst s3  }
0xc: {  	[smem:$0x3FAA] =	sst s4  }
0xd: {  	[smem:$0x3FAB] =	sst s5  }
0xe: {  	[smem:$0x3FAC] =	sst s6  }
0xf: {  	[smem:$0x3FAD] =	sst s7  }
0x10: {  	[smem:$0x3FAE] =	sst s8  }
0x11: {  	[smem:$0x3FAF] =	sst s9;
	s0 =	simm.s32 @!p0 $0x0  }
0x12: {  	s1 =	sld [smem:$0x3F95];
	s0 =	simm.s32 @p0 $0x1  }
0x13: {  	[smem:$0x3FB0] =	sst s0;
	s0 =	simm.s32 @!p1 $0x0  }
0x14: {  	s2 =	sld [smem:$0x3F94];
	s0 =	simm.s32 @p1 $0x1  }
0x15: {  	[smem:$0x3FB1] =	sst s0;
	s0 =	simm.s32 @!p2 $0x0  }
0x16: {  	s3 =	sld [smem:$0x3FDB];
	s0 =	simm.s32 @p2 $0x1  }
0x17: {  	s4 =	simm.s32 $0x1BF5;
	[smem:$0x3FB3] =	sst s0  }
0x18: {  	s0 =	sld [smem:$0x3F96];
	_ =	swait.ge [sflag:s4], $0x0  }
0x19: {  	s7 =	sld [smem:$0x3F97]  }
0x1a: {  	s8 =	sadd.s32 $0xFFFFE003, lr  }
0x1b: {  	s9 =	sadd.s32 $0xFFFFFEF7, lr;
	s5 =	simm.s32 $0xFFFFFFFF;
	p2 =	slt.u32 s8, $0xFFFFF086  }
0x1c: {  	p1 =	slt.u32 s9, $0xF7A;
	s5 =	simm.s32 @!p2 $0x0  }
0x1d: {  	s5 =	simm.s32 @p1 $0x1;
	p0 =	seq.s32 s7, s2  }
0x1e: {  	s7 =	smul.u32 @!p0 $0xF7A, s2;
	p2 =	seq.s32 @!p0 s5, $0x0  }
0x1f: {  	s9 =	smul.u32 $0xF7A, s1;
	s8 =	simm.s32 @!p0 $0x1BF5;
	p2 =	por !p2, p0  }
0x20: {  	[sflag:s8] =	ssyncset.s32 @!p0 $0xFFFFF086;
	s6 =	sadd.s32 @!p0 s3, s7;
	s7 =	simm.s32 @!p0 $0x108  }
0x21: {  	s3 =	sadd.s32 s3, s9;
	s6 =	sadd.s32 @!p0 $0x88, s6;
	s7 =	simm.s32 @p2 $0x1082  }
0x22: {  	[simem:s7], [sflag:s8] =	dma.local @!p0 [hbm:s6], $0xF7A  }
0x23: {  	s9 =	sor.u32 $0xD0000000, s2;
	s6 =	simm.s32 $0x108;
	_ =	swait.ge @!p0 [sflag:s8], $0x0  }
0x24: {  	s3 =	sadd.s32 $0x88, s3;
	s6 =	simm.s32 @!p1 $0x1082;
	[sflag:s4] =	ssyncset.s32 $0xFFFFF086  }
0x25: {  	[simem:s6], [sflag:s4] =	dma.local [hbm:s3], $0xF7A  }
0x26: {  	[smem:$0x3F97] =	sst s1;
	(tag) =	ssettag s2;
	_ =	strace s9  }
0x27: {  	s1 =	sld [smem:$0x3FA7]  }
0x28: {  	s2 =	sld [smem:$0x3FA8]  }
0x29: {  	s4 =	sld [smem:$0x3FAA]  }
0x2a: {  	p0 =	seq.s32 s5, $0x0;
	s5 =	sld [smem:$0x3FAB]  }
0x2b: {  	s6 =	sld [smem:$0x3FAC]  }
0x2c: {  	s7 =	sld [smem:$0x3FAD]  }
0x2d: {  	s3 =	simm.s32 $0x108;
	s8 =	sld [smem:$0x3FAE]  }
0x2e: {  	s3 =	simm.s32 @!p0 $0x1082;
	s9 =	sld [smem:$0x3FAF]  }
0x2f: {  	lr =	sadd.s32 s0, s3;
	s0 =	sld [smem:$0x3FA6]  }
0x30: {  	s3 =	sld [smem:$0x3FA9]  }
0x31: {  	[smem:$0x3FB2] =	sst s10  }
0x32: {  	s10 =	sld [smem:$0x3FB0];
	_ =	sdelay $0x3  }
0x33: {  	p0 =	seq.s32 s10, $0x1;
	s10 =	sld [smem:$0x3FB2];
	_ =	sdelay $0x3  }
0x34: {  	[smem:$0x3FB2] =	sst s10  }
0x35: {  	s10 =	sld [smem:$0x3FB1];
	_ =	sdelay $0x3  }
0x36: {  	p1 =	seq.s32 s10, $0x1;
	s10 =	sld [smem:$0x3FB2];
	_ =	sdelay $0x3  }
0x37: {  	[smem:$0x3FB2] =	sst s10  }
0x38: {  	s10 =	sld [smem:$0x3FB3]  }
0x39: {  	_ = 	snop;
	(pc) =	sbr.ind lr, $3  }
0x3a: {  	_ = 	snop  }
0x3b: {  	_ = 	snop  }
0x3c: {  	p2 =	seq.s32 s10, $0x1;
	s10 =	sld [smem:$0x3FB2]  }
0x3d: {  	_ =	shalt  }
0x3e: {  	_ =	shalt  }
0x3f: {  	_ =	shalt  }
0x40: {  	_ =	shalt  }
0x41: {  	_ =	shalt  }
0x42: {  	_ =	shalt  }
0x43: {  	_ =	shalt  }
0x44: {  	_ =	shalt  }
0x45: {  	_ =	shalt  }
0x46: {  	_ =	shalt  }
0x47: {  	_ =	shalt  }
0x48: {  	_ =	shalt  }
0x49: {  	_ =	shalt  }
0x4a: {  	_ =	shalt  }
0x4b: {  	_ =	shalt  }
0x4c: {  	_ =	shalt  }
0x4d: {  	_ =	shalt  }
0x4e: {  	_ =	shalt  }
0x4f: {  	_ =	shalt  }
0x50: {  	_ =	shalt  }
0x51: {  	_ =	shalt  }
0x52: {  	_ =	shalt  }
0x53: {  	_ =	shalt  }
0x54: {  	_ =	shalt  }
0x55: {  	_ =	shalt  }
0x56: {  	_ =	shalt  }
0x57: {  	_ =	shalt  }
0x58: {  	_ =	shalt  }
0x59: {  	_ =	shalt  }
0x5a: {  	_ =	shalt  }
0x5b: {  	_ =	shalt  }
0x5c: {  	_ =	shalt  }
0x5d: {  	_ =	shalt  }
0x5e: {  	_ =	shalt  }
0x5f: {  	_ =	shalt  }
0x60: {  	_ =	shalt  }
0x61: {  	_ =	shalt  }
0x62: {  	_ =	shalt  }
0x63: {  	_ =	shalt  }
0x64: {  	_ =	shalt  }
0x65: {  	_ =	shalt  }
0x66: {  	_ =	shalt  }
0x67: {  	_ =	shalt  }
0x68: {  	_ =	shalt  }
0x69: {  	_ =	shalt  }
0x6a: {  	_ =	shalt  }
0x6b: {  	_ =	shalt  }
0x6c: {  	_ =	shalt  }
0x6d: {  	_ =	shalt  }
0x6e: {  	_ =	shalt  }
0x6f: {  	_ =	shalt  }
0x70: {  	_ =	shalt  }
0x71: {  	_ =	shalt  }
0x72: {  	_ =	shalt  }
0x73: {  	_ =	shalt  }
0x74: {  	_ =	shalt  }
0x75: {  	_ =	shalt  }
0x76: {  	_ =	shalt  }
0x77: {  	_ =	shalt  }
0x78: {  	_ =	shalt  }
0x79: {  	_ =	shalt  }
0x7a: {  	_ =	shalt  }
0x7b: {  	_ =	shalt  }
0x7c: {  	_ =	shalt  }
0x7d: {  	_ =	shalt  }
0x7e: {  	_ =	shalt  }
0x7f: {  	_ =	shalt  }
0x80: {  	_ =	shalt  }
0x81: {  	_ =	shalt  }
0x82: {  	_ =	shalt  }
0x83: {  	_ =	shalt  }
0x84: {  	_ =	shalt  }
0x85: {  	_ =	shalt  }
0x86: {  	_ =	shalt  }
0x87: {  	_ =	shalt  }
.Lfunc_end0:
.L_simem_size_0:
called_computation_lowered:
.L_overlay_start_0:
0x88: {  	s2 =	sld [smem:$0x3FD9]  }
0x89: {  	s3 =	sld [smem:$0x3FFE];
	_ =	sdelay $0x1  }
0x8a: {  	s1 =	srdreg.scid  }
0x8b: {  	s0 =	sand.u32 $0x1, s1  }
0x8c: {  	s17 =	sshll.u32 s0, $0xA;
	s2 =	sadd.s32 s3, s2  }
0x8d: {  	s2 =	sadd.s32 s2, s17  }
0x8e: {  	[smem:$0x3FBE] =	sst s2  }
0x8f: {  	_ = 	snop  }
0x90: {  	s2 =	sld [smem:$0x3FD0];
	(tm) =	ssettm $0x1  }
0x91: {  	s18 =	sld [smem:$0x3FFB];
	_ =	sdelay $0x3  }
0x92: {  	_ =	strace s18  }
0x93: {  	s3 =	sld [smem:$0x3FFC];
	_ =	sdelay $0x3  }
0x94: {  	_ =	strace s3  }
0x95: {  	s3 =	sld [smem:$0x3FFD];
	_ =	sdelay $0x3  }
0x96: {  	_ =	strace s3  }
0x97: {  	_ =	strace $0x8FFFFFFF  }
0x98: {  	s19 =	sld [smem:$0x3FDB];
	_ =	sdelay $0x1  }
0x99: {  	s4 =	simm.s32 $_scs_section_size  }
0x9a: {  	s5 =	simm.s32 $_size__tile_overlayer_lowered;
	s6 =	simm.s32 $_tile_overlayer_lowered  }
0x9b: {  	s22 =	simm.s32 $0x1BFF;
	s21 =	sshll.u32 s6, $0x1;
	s3 =	sadd.s32 s4, s19  }
0x9c: {  	s7 =	simm.s32 $0x0;
	s20 =	sshll.u32 s5, $0x1;
	s5 =	sadd.s32 s21, s3  }
0x9d: {  	[timem:s7], [sflag:s22] =	dma.local [hbm:s5], s20  }
0x9e: {  	_ =	swait.ge [sflag:s22], s20  }
0x9f: {  	s4 =	ssub.s32 $0x0, s20;
	[sflag:s22] =	ssyncset.done $0x0  }
0xa0: {  	[sflag:s22] =	ssyncadd.s32 s4;
	_ =	sdelay $0x1  }
0xa1: {  	s23 =	simm.s32 $0x1B8B  }
0xa2: {  	_ =	swait.ge [sflag:s23], $0x1  }
0xa3: {  	[sflag:s23] =	ssyncset.done $0x0  }
0xa4: {  	s25 =	simm.s32 $0x1B8E;
	s24 =	sld [smem:$0x3FFE];
	[sflag:s23] =	ssyncadd.s32 $0xFFFFFFFF  }
0xa5: {  	s26 =	simm.s32 $execute0_lowered;
	[smem:$0x3FD2] =	sst s25  }
0xa6: {  	s5 =	sshll.u32 s26, $0x1;
	_ =	strace $0x80000046;
	[dreg:$0x1] =	wrdreg $0xFFFFFFFF  }
0xa7: {  	s28 =	simm.s32 $_size_execute0_lowered;
	s3 =	sadd.s32 s3, s5;
	[dreg:$0x0] =	wrdreg $0x0  }
0xa8: {  	s5 =	sshll.u32 s28, $0x1;
	[dreg:$0x2] =	wrdreg s3  }
0xa9: {  	[dreg:$0x3] =	wrdreg s5  }
0xaa: {  	[dreg:$0x4] =	wrdreg $0xC0  }
0xab: {  	_ =	task [dreg:s7], $0x5FFFF  }
0xac: {  	[dreg:$0x1] =	wrdreg $0xFFFFFFFF  }
0xad: {  	[dreg:$0x0] =	wrdreg $0x60  }
0xae: {  	[dreg:$0x2] =	wrdreg s24  }
0xaf: {  	[dreg:$0x3] =	wrdreg s2  }
0xb0: {  	[dreg:$0x4] =	wrdreg $0x3B000  }
0xb1: {  	[dreg:$0x5] =	wrdreg $0x9  }
0xb2: {  	_ =	task.clear_ibuf [dreg:s7], $0x6FFFF;
	_ =	strace $0x90000046  }
0xb3: {  	s29 =	simm.s32 $0x9;
	_ =	strace $0x80000048  }
0xb4: {  	_ =	swait.ge [sflag:s29], $0x1  }
0xb5: {  	[sflag:s29] =	ssyncadd.s32 $0xFFFFFFFF  }
0xb6: {  	_ =	strace $0x90000048  }
0xb7: {  	_ =	sfence  }
0xb8: {  	s30 =	sld [smem:$0x0];
	_ =	sdelay $0x2  }
0xb9: {  	s31 =	sshll.u32 s1, $0xD;
	s1 =	sshrl.u32 s1, $0x2  }
0xba: {  	s3 =	sand.u32 $0x4000, s31;
	s1 =	sadd.s32 s1, s30  }
0xbb: {  	s0 =	sor.u32 s3, s0;
	s1 =	sshll.u32 s1, $0x11  }
0xbc: {  	s0 =	sor.u32 s1, s0  }
0xbd: {  	s0 =	sadd.s32 $0x8F2B, s0  }
0xbe: {  	[sflag:s0] =	ssyncadd.remote.s32 $0x1  }
0xbf: {  	_ =	sfence.sel $0xFFFF  }
0xc0: {  	[dreg:$0x0] =	wrdreg $0xFFFFFFFF;
	(pc) =	sbr.abs _section_cstart, $3  }
0xc1: {  	[dreg:$0x1] =	wrdreg $0xFFFFFFFF  }
0xc2: {  	_ =	task.clear_ibuf [dreg:s7], $0x2FFFF;
	_ =	strace $0x9FFFFFFF  }
0xc3: {  	(tm) =	ssettm $0x7FFFFFFF  }
tec
execute0_lowered:
.L_overlay_start_1:
0x0: {  	(tag) =	ssettag $0x1  }
0x1: {  	s4 =	rddreg [dreg:$0x0]  }
0x2: {  	s7 =	rddreg [dreg:$0x1];
	s0 =	srdreg.scid  }
0x3: {  	s2 =	rddreg [dreg:$0x2];
	s1 =	stileid.u32  }
0x4: {  	s3 =	simm.s32 $0x0;
	s11 =	simm.s32 $0x80;
	s12 =	simm.s32 $0x3800  }
0x5: {  	s15 =	simm.s32 $0x20;
	s16 =	simm.s32 $0x10;
	s8 =	smul.u32 $0x3800, s1  }
0x6: {  	s5 =	sand.u32 $0x1, s0;
	s0 =	rddreg [dreg:$0x3];
	s10 =	smul.u32 $0xA00, s1  }
0x7: {  	s17 =	simm.s32 $0x0;
	[smem:$0x7FF] =	sst s3;
	s28 =	smul.u32 $0x500, s1  }
0x8: {  	s13 =	sshll.u32 s1, $0x6;
	s6 =	smul.u32 $0x38000, s5;
	_ =	strace $0x80000047  }
0x9: {  	s26 =	ssub.s32 $0x2, s5;
	s30 =	sshll.u32 s5, $0x7;
	p0 =	seq.s32 s5, $0x0  }
0xa: {  	s5 =	simm.s32 $0x32;
	s13 =	sor.u32 $0x1C01, s13;
	s9 =	sshrl.u32 s26, $0x1  }
0xb: {  	s29 =	sshrl.u32 s10, $0x2;
	s10 =	sor.u32 s30, s28;
	s5 =	simm.s32 @!p0 $0x6B  }
0xc: {  	s6 =	sadd.s32 s8, s6;
	s8 =	ssub.s32 s26, s9;
	s31 =	sshrl.u32 s10, $0x3  }
0xd: {  	s9 =	simm.s32 $0x1;
	s10 =	simm.s32 $0x3880;
	s6 =	sshrl.u32 s6, $0x3  }
0xe: {  	s7 =	sadd.s32 s7, s31;
	s4 =	sadd.s32 s6, s4;
	s6 =	sadd.s32 s29, s2  }
0xf: {  	v0 =	vimm.f32 $1.000000000e+00;
	v1 =	vimm.f32 $0.0e+00;
	s8 =	smax.u32 s8, $0x1;
	s4 =	sadd.s32 $0x2C00, s4;
	s14 =	sshrl.u32 s6, $0x3  }
.LBB2_1:
0x10: {  	[tilespmem:s3], [sflag:$0x1] =	stream.linear.gather [hbm4b:s4+s3], $0x3580, $0x38;
	[tilespmem:$0x3D80] =	vst v63  }
0x11: {  	_ =	swait.ge [sflag:s9], $0x3580  }
0x12: {  	[sflag:s9] =	ssyncset.done $0x0  }
0x13: {  	[sflag:s9] =	ssyncadd.s32 $0xFFFFCA80  }
0x14: {  	[tilespmem:$0x3800] =	vst v0  }
0x15: {  	[tilespmem:$0x3810] =	vst v0  }
0x16: {  	[tilespmem:$0x3820] =	vst v0  }
0x17: {  	[tilespmem:$0x3830] =	vst v0  }
0x18: {  	[tilespmem:$0x3840] =	vst v0  }
0x19: {  	[tilespmem:$0x3850] =	vst v0  }
0x1a: {  	[tilespmem:$0x3860] =	vst v0  }
0x1b: {  	[tilespmem:$0x3870] =	vst v0  }
0x1c: {  	[tilespmem:$0x3880] =	vst v1  }
0x1d: {  	[tilespmem:$0x3890] =	vst v1  }
0x1e: {  	[tilespmem:$0x38A0] =	vst v1  }
0x1f: {  	[tilespmem:$0x38B0] =	vst v1  }
0x20: {  	[tilespmem:$0x38C0] =	vst v1  }
0x21: {  	[tilespmem:$0x38D0] =	vst v1  }
0x22: {  	[tilespmem:$0x38E0] =	vst v1  }
0x23: {  	[tilespmem:$0x38F0] =	vst v1  }
0x24: {  	[tilespmem:$0x3900] =	vst v1  }
0x25: {  	[tilespmem:$0x3910] =	vst v1  }
0x26: {  	[tilespmem:$0x3920] =	vst v1  }
0x27: {  	[tilespmem:$0x3930] =	vst v1  }
0x28: {  	[tilespmem:$0x3940] =	vst v1  }
0x29: {  	[tilespmem:$0x3950] =	vst v1  }
0x2a: {  	[tilespmem:$0x3960] =	vst v1  }
0x2b: {  	[tilespmem:$0x3970] =	vst v1  }
0x2c: {  	[tilespmem:$0x3980] =	vst v1  }
0x2d: {  	[tilespmem:$0x3990] =	vst v1  }
0x2e: {  	[tilespmem:$0x39A0] =	vst v1  }
0x2f: {  	[tilespmem:$0x39B0] =	vst v1  }
0x30: {  	[tilespmem:$0x39C0] =	vst v1  }
0x31: {  	[tilespmem:$0x39D0] =	vst v1  }
0x32: {  	[tilespmem:$0x39E0] =	vst v1  }
0x33: {  	[tilespmem:$0x39F0] =	vst v1  }
0x34: {  	[tilespmem:$0x3A00] =	vst v1  }
0x35: {  	[tilespmem:$0x3A10] =	vst v1  }
0x36: {  	[tilespmem:$0x3A20] =	vst v1  }
0x37: {  	[tilespmem:$0x3A30] =	vst v1  }
0x38: {  	[tilespmem:$0x3A40] =	vst v1  }
0x39: {  	[tilespmem:$0x3A50] =	vst v1  }
0x3a: {  	[tilespmem:$0x3A60] =	vst v1  }
0x3b: {  	[tilespmem:$0x3A70] =	vst v1  }
0x3c: {  	[tilespmem:$0x3A80] =	vst v1  }
0x3d: {  	[tilespmem:$0x3A90] =	vst v1  }
0x3e: {  	[tilespmem:$0x3AA0] =	vst v1  }
0x3f: {  	[tilespmem:$0x3AB0] =	vst v1  }
0x40: {  	[tilespmem:$0x3AC0] =	vst v1  }
0x41: {  	[tilespmem:$0x3AD0] =	vst v1  }
0x42: {  	[tilespmem:$0x3AE0] =	vst v1  }
0x43: {  	[tilespmem:$0x3AF0] =	vst v1  }
0x44: {  	[spmem:s6] =	stream.linear.scatter [tilespmem:s10], [sflag:$0x1], $0x280, $0x38;
	[tilespmem:$0x3D80] =	vst v63  }
0x45: {  	_ =	swait.ge [sflag:s9], $0x280  }
0x46: {  	p0 =	sne.s32 s5, $0x1;
	[sflag:s9] =	ssyncset.done $0x0  }
.Ltmp0:
0x47: {  	[sflag:s9] =	ssyncadd.s32 $0xFFFFFD80;
	(pc) =	sbr.rel @!p0 .LBB2_3-.Ltmp0, $4  }
0x48: {  	[bflag:$0x0] =	sbarrier.arrive $0xFFFF  }
0x49: {  	[spmem:s2] =	stream.indirect.scatter.add.f32 [tilespmem:s12], [sflag:$0x1], $0x1, s3, s11, $0xb8;
	[tilespmem:$0x3D80] =	vst v63  }
0x4a: {  	_ =	swait.ge [sflag:s9], $0x80  }
0x4b: {  	s18 =	sadd.s32 $0xFFFFFFFF, s5;
	s19 =	simm.s32 $0x0;
	[sflag:s9] =	ssyncset.done $0x0  }
.LBB2_2:
0x4c: {  	p0 =	sne.s32 s18, $0x1;
	[sflag:s9] =	ssyncadd.s32 $0xFFFFFF80;
	s19 =	sadd.s32 $0x80, s19  }
.Ltmp1:
0x4d: {  	s18 =	sadd.s32 $0xFFFFFFFF, s18;
	(pc) =	sbr.rel @p0 .LBB2_2-.Ltmp1, $4  }
0x4e: {  	_ = 	snop  }
0x4f: {  	[spmem:s2] =	stream.indirect.scatter.add.f32 [tilespmem:s12], [sflag:$0x1], $0x1, s19, s11, $0xb8;
	[tilespmem:$0x3D80] =	vst v63  }
0x50: {  	_ =	swait.ge [sflag:s9], $0x80  }
0x51: {  	[sflag:s9] =	ssyncset.done $0x0  }
.LBB2_3:
0x52: {  	s17 =	sadd.s32 $0x1, s17  }
0x53: {  	[sflag:s9] =	ssyncadd.s32 $0xFFFFFF80;
	p0 =	sne.s32 s17, s8  }
.Ltmp2:
0x54: {  	[bflag:$0x0] =	sbarrier.arrive $0xFFFF;
	(pc) =	sbr.rel @p0 .LBB2_1-.Ltmp2, $4  }
0x55: {  	[hbm:s7@s15], [sflag:s13] =	dma.strided [spmem:s14@s16], $0x50, s9, $0x10   }
0x56: {  	_ =	swait.ge [sflag:s9], $0x50  }
0x57: {  	[sflag:s9] =	ssyncset.done $0x0  }
0x58: {  	[sflag:s9] =	ssyncadd.s32 $0xFFFFFFB0  }
0x59: {  	_ =	sfence.sel $0x180000  }
0x5a: {  	[bflag:$0x0] =	sbarrier.arrive $0xFFFF  }
0x5b: {  	p0 =	sne.s32 s1, $0x0;
	_ =	strace $0x90000047  }
0x5c: {  	s0 =	sadd.s32 @!p0 $0x100000, s0;
	[bflag:$0x2] =	sbarrier.arrive $0xFFFF  }
0x5d: {  	[sflag:s0] =	ssyncadd.tile.s32 @!p0 $0x1;
	_ =	shalt  }
.Lfunc_end2:
_tile_overlayer_lowered:
.L_overlay_start_2:
0x5e: {  	(tag) =	ssettag $0x2  }
0x5f: {  	s0 =	rddreg [dreg:$0x0];
	s2 =	stileid.u32  }
0x60: {  	s1 =	rddreg [dreg:$0x1];
	p0 =	sne.s32 s2, $0x0  }
0x61: {  	s3 =	rddreg [dreg:$0x2];
	[bflag:$0x3] =	sbarrier.arrive $0xFFFF;
	s2 =	simm.s32 @!p0 $0x1C01  }
0x62: {  	[timem:s3], [sflag:s2] =	dma.local @!p0 [hbm:s0], s1  }
0x63: {  	s0 =	simm.s32 @!p0 $0x1  }
0x64: {  	_ =	swait.ge @!p0 [sflag:s0], s1  }
0x65: {  	s1 =	ssub.s32 @!p0 $0x0, s1;
	[sflag:s0] =	ssyncset.done @!p0 $0x0  }
0x66: {  	[sflag:s0] =	ssyncadd.s32 @!p0 s1  }
0x67: {  	[bflag:$0x3] =	sbarrier.arrive $0xFFFF  }
0x68: {  	_ =	shalt  }

</sc_bundles>
